<compile_context>
chip_gen: v7x
topology: tpu7x:2x2x1
jax: 0.10.2.dev20260603
libtpu: 0.0.44.dev20260713+nightly
codegen_flags: <defaults>
</compile_context>

<pallas_src>
import functools

import jax
import jax.numpy as jnp
from jax import lax
from jax.experimental import pallas as pl
from jax.experimental.pallas import tpu as pltpu
from jax.experimental.pallas import tpu_sc as plsc

_NC = 2
_NS = 16
_BE = 80
_BLK = 1000
_G = 64


def _sc_segment_sum(h2, src, dst, zz, split_edges):
    W = h2.shape[1]
    NP = zz.shape[0]
    N = h2.shape[0] if split_edges else h2.shape[0] // 2
    E = src.shape[0]
    ept = E // (_NS * (2 if split_edges else 1))
    nchunk = ept // _BE
    rpt = NP // _NS

    mesh = plsc.VectorSubcoreMesh(
        core_axis_name="c", subcore_axis_name="s", num_cores=_NC, num_subcores=_NS
    )

    @functools.partial(
        pl.kernel,
        out_type=jax.ShapeDtypeStruct((2 * NP, W), jnp.float32),
        mesh=mesh,
        scratch_types=[
            pltpu.VMEM_SHARED((NP, W), jnp.float32),
            pltpu.VMEM((_BE,), jnp.int32),
            pltpu.VMEM((_BE,), jnp.int32),
            pltpu.VMEM((_BE, W), jnp.float32),
            pltpu.SemaphoreType.DMA,
        ],
    )
    def k(h_hbm, src_hbm, dst_hbm, zz_hbm, out_hbm, accum, src_v, dst_v, rows_v, sem):
        c = lax.axis_index("c")
        s = lax.axis_index("s")
        pltpu.sync_copy(zz_hbm.at[pl.ds(s * rpt, rpt)], accum.at[pl.ds(s * rpt, rpt)])
        plsc.subcore_barrier()

        ooff = c * NP
        if split_edges:
            ebase = c * (E // 2) + s * ept
        else:
            ebase = s * ept
            roff = c * N

        def chunk(i, carry):
            off = ebase + i * _BE
            pltpu.sync_copy(src_hbm.at[pl.ds(off, _BE)], src_v)
            pltpu.sync_copy(dst_hbm.at[pl.ds(off, _BE)], dst_v)
            if not split_edges:
                for kk in range(_BE // 16):
                    sl = pl.ds(kk * 16, 16)
                    src_v[sl] = src_v[sl] + roff
            pltpu.async_copy(h_hbm.at[src_v], rows_v, sem).wait()
            pltpu.sync_copy(rows_v, accum.at[dst_v], add=True)
            return carry

        lax.fori_loop(0, nchunk, chunk, 0)
        plsc.subcore_barrier()
        pltpu.sync_copy(
            accum.at[pl.ds(s * rpt, rpt)], out_hbm.at[pl.ds(ooff + s * rpt, rpt)]
        )

    return k(h2, src, dst, zz)


def _dot(a, b, dims):
    return lax.dot_general(
        a,
        b,
        dims,
        preferred_element_type=jnp.float32,
        precision=lax.Precision.HIGHEST,
    )


def _tc_mlp_stats(h_cols, agg_cols, w1, b1, w2, b2, sum_agg):
    hc, N, W = h_cols.shape
    H = w2.shape[1]
    nblk = N // _BLK

    def body(h_ref, a_ref, w1_ref, b1_ref, w2_ref, b2_ref, z_ref, st_ref):
        i = pl.program_id(0)
        if hc == 1:
            h = h_ref[0]
        else:
            h = jnp.concatenate([h_ref[0], h_ref[1]], axis=1)
        if sum_agg:
            a = a_ref[0] + a_ref[1]
        else:
            a = jnp.concatenate([a_ref[0], a_ref[1]], axis=1)
        z = h + a
        z1 = jnp.maximum(
            _dot(z, w1_ref[...], (((1,), (0,)), ((), ()))) + b1_ref[...], 0.0
        )
        z2 = _dot(z1, w2_ref[...], (((1,), (0,)), ((), ()))) + b2_ref[...]
        z_ref[...] = z2
        s1 = jnp.sum(z2, axis=0, keepdims=True)
        s2 = jnp.sum(z2 * z2, axis=0, keepdims=True)
        contrib = jnp.concatenate(
            [s1, s2, jnp.zeros((6, H), jnp.float32)], axis=0
        )

        @pl.when(i == 0)
        def _():
            st_ref[...] = contrib

        @pl.when(i > 0)
        def _():
            st_ref[...] = st_ref[...] + contrib

    return pl.pallas_call(
        body,
        grid=(nblk,),
        in_specs=[
            pl.BlockSpec((hc, _BLK, W), lambda i: (0, i, 0)),
            pl.BlockSpec((2, _BLK, W), lambda i: (0, i, 0)),
            pl.BlockSpec((w1.shape[0], H), lambda i: (0, 0)),
            pl.BlockSpec((1, H), lambda i: (0, 0)),
            pl.BlockSpec((H, H), lambda i: (0, 0)),
            pl.BlockSpec((1, H), lambda i: (0, 0)),
        ],
        out_specs=[
            pl.BlockSpec((_BLK, H), lambda i: (i, 0)),
            pl.BlockSpec((8, H), lambda i: (0, 0)),
        ],
        out_shape=[
            jax.ShapeDtypeStruct((N, H), jnp.float32),
            jax.ShapeDtypeStruct((8, H), jnp.float32),
        ],
    )(h_cols, agg_cols, w1, b1, w2, b2)


def _tc_norm_pool(z2, stats, gamma, beta, batch_f):
    N, H = z2.shape
    Wh = H // 2
    nblk = N // _BLK
    inv_n = 1.0 / N

    def body(z_ref, st_ref, g_ref, b_ref, bt_ref, h_ref, p_ref):
        i = pl.program_id(0)
        mu = st_ref[0:1, :] * inv_n
        ex2 = st_ref[1:2, :] * inv_n
        var = ex2 - mu * mu
        inv = lax.rsqrt(var + 1e-5)
        hn = jnp.maximum((z_ref[...] - mu) * inv * g_ref[...] + b_ref[...], 0.0)
        h_ref[0] = hn[:, :Wh]
        h_ref[1] = hn[:, Wh:]
        gids = lax.broadcasted_iota(jnp.int32, (1, _G), 1).astype(jnp.float32)
        onehot = jnp.where(bt_ref[...] == gids, 1.0, 0.0)
        contrib = _dot(onehot, hn, (((0,), (0,)), ((), ())))

        @pl.when(i == 0)
        def _():
            p_ref[...] = contrib

        @pl.when(i > 0)
        def _():
            p_ref[...] = p_ref[...] + contrib

    return pl.pallas_call(
        body,
        grid=(nblk,),
        in_specs=[
            pl.BlockSpec((_BLK, H), lambda i: (i, 0)),
            pl.BlockSpec((8, H), lambda i: (0, 0)),
            pl.BlockSpec((1, H), lambda i: (0, 0)),
            pl.BlockSpec((1, H), lambda i: (0, 0)),
            pl.BlockSpec((_BLK, 1), lambda i: (i, 0)),
        ],
        out_specs=[
            pl.BlockSpec((2, _BLK, Wh), lambda i: (0, i, 0)),
            pl.BlockSpec((_G, H), lambda i: (0, 0)),
        ],
        out_shape=[
            jax.ShapeDtypeStruct((2, N, Wh), jnp.float32),
            jax.ShapeDtypeStruct((_G, H), jnp.float32),
        ],
    )(z2, stats, gamma, beta, batch_f)


def _tc_pool_x(x, batch_f):
    N, D = x.shape
    nblk = N // _BLK

    def body(x_ref, bt_ref, p_ref, c_ref):
        i = pl.program_id(0)
        gids = lax.broadcasted_iota(jnp.int32, (1, _G), 1).astype(jnp.float32)
        onehot = jnp.where(bt_ref[...] == gids, 1.0, 0.0)
        contrib = _dot(onehot, x_ref[...], (((0,), (0,)), ((), ())))
        ones = jnp.ones((_BLK, 8), jnp.float32)
        cnt = _dot(onehot, ones, (((0,), (0,)), ((), ())))

        @pl.when(i == 0)
        def _():
            p_ref[...] = contrib
            c_ref[...] = cnt

        @pl.when(i > 0)
        def _():
            p_ref[...] = p_ref[...] + contrib
            c_ref[...] = c_ref[...] + cnt

    return pl.pallas_call(
        body,
        grid=(nblk,),
        in_specs=[
            pl.BlockSpec((_BLK, D), lambda i: (i, 0)),
            pl.BlockSpec((_BLK, 1), lambda i: (i, 0)),
        ],
        out_specs=[
            pl.BlockSpec((_G, D), lambda i: (0, 0)),
            pl.BlockSpec((_G, 8), lambda i: (0, 0)),
        ],
        out_shape=[
            jax.ShapeDtypeStruct((_G, D), jnp.float32),
            jax.ShapeDtypeStruct((_G, 8), jnp.float32),
        ],
    )(x, batch_f)


def _tc_head(pooled_list, counts, pred_ws, pred_bs, wf, bf, wc, bc):
    G = pooled_list[0].shape[0]
    H = wf.shape[0]
    C = wc.shape[1]
    n_pred = len(pooled_list)

    def body(*refs):
        pooled_refs = refs[:n_pred]
        c_ref = refs[n_pred]
        w_refs = refs[n_pred + 1 : 2 * n_pred + 1]
        b_refs = refs[2 * n_pred + 1 : 3 * n_pred + 1]
        wf_ref, bf_ref, wc_ref, bc_ref, out_ref = refs[3 * n_pred + 1 :]
        cnt = jnp.maximum(c_ref[:, 0:1], 1.0)
        score = jnp.zeros((G, H), jnp.float32)
        for j in range(n_pred):
            pooled = pooled_refs[j][...] / cnt
            score = score + _dot(pooled, w_refs[j][...], (((1,), (0,)), ((), ())))
            score = score + b_refs[j][...]
        f = jnp.maximum(_dot(score, wf_ref[...], (((1,), (0,)), ((), ()))) + bf_ref[...], 0.0)
        out_ref[...] = _dot(f, wc_ref[...], (((1,), (0,)), ((), ()))) + bc_ref[...]

    args = list(pooled_list) + [counts] + list(pred_ws) + list(pred_bs) + [wf, bf, wc, bc]
    return pl.pallas_call(
        body,
        out_shape=jax.ShapeDtypeStruct((G, C), jnp.float32),
    )(*args)


def kernel(x, edge_index, batch, params):
    x = x.astype(jnp.float32)
    src = edge_index[0]
    dst = edge_index[1]
    N, D = x.shape
    L = len(params["convs"])
    batch_f = batch.astype(jnp.float32)[:, None]

    pooled = [None] * (L + 1)
    pooled[0], counts = _tc_pool_x(x, batch_f)

    NP = ((N + _NS * 8 - 1) // (_NS * 8)) * (_NS * 8)
    h_cols = x[None]

    for i in range(L):
        c = params["convs"][i]
        bn = params["bns"][i]
        split_edges = h_cols.shape[0] == 1
        W = h_cols.shape[2]
        zz = jnp.zeros((NP, W), jnp.float32)
        h2 = h_cols[0] if split_edges else h_cols.reshape(2 * N, W)
        agg2 = _sc_segment_sum(h2, src, dst, zz, split_edges)
        z2, stats = _tc_mlp_stats(
            h_cols,
            agg2.reshape(2, NP, W),
            c["W1"],
            c["b1"][None, :],
            c["W2"],
            c["b2"][None, :],
            sum_agg=split_edges,
        )
        h_cols, pooled[i + 1] = _tc_norm_pool(
            z2, stats, bn["gamma"][None, :], bn["beta"][None, :], batch_f
        )

    pred_ws = [p["W"] for p in params["preds"]]
    pred_bs = [p["b"][None, :] for p in params["preds"]]
    return _tc_head(
        pooled,
        counts,
        pred_ws,
        pred_bs,
        params["Wf"],
        params["bf"][None, :],
        params["Wc"],
        params["bc"][None, :],
    )

# --- scband reference (transcript-rebuilt; emitter-appended) ---
"""Pipeline reference for scband-ginconv-net-with-attention-70111046140175 (READ-ONLY COPY).

The authoritative reference and input builder live on the scoring server;
editing this copy changes nothing except your own understanding.
"""

import jax, jax.numpy as jnp
import numpy as np

N = 10000
E = 320000
D = 128
H = 256
G = 64
C = 1
L = 5


def setup_inputs(seed: int = 0) -> dict:
    key = jax.random.key(seed)
    ks = jax.random.split(key, 4)
    x = jax.random.normal(ks[0], (N, D), dtype=jnp.float32)
    edge_index = jax.random.randint(ks[1], (2, E), 0, N, dtype=jnp.int32)
    batch = jnp.sort(jax.random.randint(ks[2], (N,), 0, G, dtype=jnp.int32))
    pk = ks[3]
    def nrm(k, shape):
        return jax.random.normal(k, shape, dtype=jnp.float32) * 0.05
    params = {"convs": [], "bns": [], "preds": []}
    cnt = 0
    def nk():
        nonlocal cnt
        cnt += 1
        return jax.random.fold_in(pk, cnt)
    for i in range(L):
        in_dim = D if i == 0 else H
        params["convs"].append({
            "W1": nrm(nk(), (in_dim, H)), "b1": jnp.zeros((H,), jnp.float32),
            "W2": nrm(nk(), (H, H)), "b2": jnp.zeros((H,), jnp.float32)})
        params["bns"].append({"gamma": jnp.ones((H,), jnp.float32), "beta": jnp.zeros((H,), jnp.float32)})
    for i in range(L + 1):
        in_dim = D if i == 0 else H
        params["preds"].append({"W": nrm(nk(), (in_dim, H)), "b": jnp.zeros((H,), jnp.float32)})
    params["Wf"] = nrm(nk(), (H, H)); params["bf"] = jnp.zeros((H,), jnp.float32)
    params["Wc"] = nrm(nk(), (H, C)); params["bc"] = jnp.zeros((C,), jnp.float32)
    return {"x": x, "edge_index": edge_index, "batch": batch, "params": params}


def reference(x, edge_index, batch, params):
    # GINConvNetWithAttention forward (return_attention=False, eval: dropout=identity)
    x = x.astype(jnp.float32)
    src = edge_index[0]
    dst = edge_index[1]
    hidden_reps = [x]
    h = x
    for i in range(L):
        c = params["convs"][i]
        # GINConv (eps=0): mlp(x + sum_{j in N(i)} x_j)
        agg = jax.ops.segment_sum(h[src], dst, num_segments=N)
        z = h + agg
        z = jnp.maximum(z @ c["W1"] + c["b1"], 0.0) @ c["W2"] + c["b2"]
        bn = params["bns"][i]
        mu = jnp.mean(z, axis=0)
        var = jnp.var(z, axis=0)
        z = (z - mu) / jnp.sqrt(var + 1e-5) * bn["gamma"] + bn["beta"]
        h = jnp.maximum(z, 0.0)
        hidden_reps.append(h)
    ones = jnp.ones((N,), jnp.float32)
    counts = jax.ops.segment_sum(ones, batch, num_segments=G)
    counts = jnp.clip(counts, 1.0)[:, None]
    score_over_layer = jnp.zeros((G, H), jnp.float32)
    for i, hr in enumerate(hidden_reps):
        pooled = jax.ops.segment_sum(hr, batch, num_segments=G) / counts
        p = params["preds"][i]
        score_over_layer = score_over_layer + (pooled @ p["W"] + p["b"])
    out = jnp.maximum(score_over_layer @ params["Wf"] + params["bf"], 0.0)
    out = out @ params["Wc"] + params["bc"]
    return out

if __name__ == "__main__":
    import jax
    _d = setup_inputs()
    print(jax.jit(kernel)(*tuple(_d.values())))

</pallas_src>

<mosaic_0001>
#map = affine_map<(d0, d1) -> (0, 0)>
#map1 = affine_map<(d0, d1) -> (0)>
module attributes {stable_mosaic.version = 14 : i64} {
  func.func @k(%arg0: i32, %arg1: i32, %arg2: memref<20000x128xf32, #tpu.memory_space<hbm>>, %arg3: memref<320000xi32, #tpu.memory_space<hbm>>, %arg4: memref<320000xi32, #tpu.memory_space<hbm>>, %arg5: memref<10112x128xf32, #tpu.memory_space<hbm>>, %arg6: memref<20224x128xf32, #tpu.memory_space<hbm>>, %arg7: memref<10112x128xf32, #tpu.memory_space<vmem_shared>>, %arg8: memref<80xi32, #tpu.memory_space<vmem>>, %arg9: memref<80xi32, #tpu.memory_space<vmem>>, %arg10: memref<80x128xf32, #tpu.memory_space<vmem>>, %arg11: memref<!tpu.dma_semaphore, #tpu.memory_space<semaphore_mem>>) attributes {dimension_semantics = [#tpu.dimension_semantics<core_parallel>, #tpu.dimension_semantics<subcore_parallel>], iteration_bounds = array<i64: 2, 16>, scalar_prefetch = 0 : i64, scratch_operands = 5 : i64, tpu.core_type = #tpu.core_type<sc_vector_subcore>, window_params = [{transform_indices = #map}, {transform_indices = #map1}, {transform_indices = #map1}, {transform_indices = #map}, {transform_indices = #map}]} {
    %mul3A = arith.constant 632 : i32
    %mul3A_0 = arith.muli %arg1, %mul3A : i32
    %mul3A_1 = arith.constant 632 : i32
    %mul3A_2 = arith.muli %arg1, %mul3A_1 : i32
    "tpu.region"() ({
      %run_scoped3A = tpu.sem_alloc : memref<!tpu.dma_semaphore, #tpu.memory_space<semaphore_mem>>
      %dma_start3A = arith.constant 0 : i32
      %dma_start3A_19 = tpu.memref_slice %arg7[%mul3A_2, %dma_start3A] : memref<10112x128xf32, #tpu.memory_space<vmem_shared>> -> memref<632x128xf32, #tpu.memory_space<vmem_shared>>
      %dma_start3A_20 = arith.constant 0 : i32
      %dma_start3A_21 = tpu.memref_slice %arg5[%mul3A_0, %dma_start3A_20] : memref<10112x128xf32, #tpu.memory_space<hbm>> -> memref<632x128xf32, #tpu.memory_space<hbm>>
      tpu.enqueue_dma source(%dma_start3A_21 : memref<632x128xf32, #tpu.memory_space<hbm>>) target(%dma_start3A_19 : memref<632x128xf32, #tpu.memory_space<vmem_shared>>) target_semaphore(%run_scoped3A : memref<!tpu.dma_semaphore, #tpu.memory_space<semaphore_mem>>)
      %dma_wait3A = arith.constant 0 : i32
      %dma_wait3A_22 = tpu.memref_slice %arg7[%mul3A_2, %dma_wait3A] : memref<10112x128xf32, #tpu.memory_space<vmem_shared>> -> memref<632x128xf32, #tpu.memory_space<vmem_shared>>
      %dma_wait3A_23 = arith.constant 0 : i32
      %dma_wait3A_24 = tpu.memref_slice %arg5[%mul3A_0, %dma_wait3A_23] : memref<10112x128xf32, #tpu.memory_space<hbm>> -> memref<632x128xf32, #tpu.memory_space<hbm>>
      tpu.wait_dma2 semaphore(%run_scoped3A : memref<!tpu.dma_semaphore, #tpu.memory_space<semaphore_mem>>) src(%dma_wait3A_24 : memref<632x128xf32, #tpu.memory_space<hbm>>) dst(%dma_wait3A_22 : memref<632x128xf32, #tpu.memory_space<vmem_shared>>)
      tpu.yield
    }) : () -> ()
    %barrier3A = arith.constant 0 : index
    tpu.barrier barrier_id(%barrier3A)
    %mul3A_3 = arith.constant 10112 : i32
    %mul3A_4 = arith.muli %arg0, %mul3A_3 : i32
    %mul3A_5 = arith.constant 20000 : i32
    %mul3A_6 = arith.muli %arg1, %mul3A_5 : i32
    %mul3A_7 = arith.constant 10000 : i32
    %mul3A_8 = arith.muli %arg0, %mul3A_7 : i32
    %scan3A = arith.constant 0 : i32
    %scan3A_9 = arith.constant 0 : i32
    %scan3A_10 = arith.constant 250 : i32
    %scan3A_11 = arith.addi %scan3A_9, %scan3A_10 : i32
    %scan3A_12 = arith.constant 1 : i32
    scf.for %scan3A_19 = %scan3A_9 to %scan3A_11 step %scan3A_12  : i32 {
      %mul3A_20 = arith.constant 80 : i32
      %mul3A_21 = arith.muli %scan3A_19, %mul3A_20 : i32
      %add3A_22 = arith.addi %mul3A_6, %mul3A_21 : i32
      "tpu.region"() ({
        %run_scoped3A = tpu.sem_alloc : memref<!tpu.dma_semaphore, #tpu.memory_space<semaphore_mem>>
        %dma_start3A_70 = tpu.memref_slice %arg3[%add3A_22] : memref<320000xi32, #tpu.memory_space<hbm>> -> memref<80xi32, #tpu.memory_space<hbm>>
        %dma_start3A_71 = tpu.memref_slice %arg3[%add3A_22] : memref<320000xi32, #tpu.memory_space<hbm>> -> memref<80xi32, #tpu.memory_space<hbm>>
        tpu.enqueue_dma source(%dma_start3A_71 : memref<80xi32, #tpu.memory_space<hbm>>) target(%arg8 : memref<80xi32, #tpu.memory_space<vmem>>) target_semaphore(%run_scoped3A : memref<!tpu.dma_semaphore, #tpu.memory_space<semaphore_mem>>)
        %dma_wait3A_72 = tpu.memref_slice %arg3[%add3A_22] : memref<320000xi32, #tpu.memory_space<hbm>> -> memref<80xi32, #tpu.memory_space<hbm>>
        %dma_wait3A_73 = tpu.memref_slice %arg3[%add3A_22] : memref<320000xi32, #tpu.memory_space<hbm>> -> memref<80xi32, #tpu.memory_space<hbm>>
        tpu.wait_dma2 semaphore(%run_scoped3A : memref<!tpu.dma_semaphore, #tpu.memory_space<semaphore_mem>>) src(%dma_wait3A_73 : memref<80xi32, #tpu.memory_space<hbm>>) dst(%arg8 : memref<80xi32, #tpu.memory_space<vmem>>)
        tpu.yield
      }) : () -> ()
      "tpu.region"() ({
        %run_scoped3A = tpu.sem_alloc : memref<!tpu.dma_semaphore, #tpu.memory_space<semaphore_mem>>
        %dma_start3A_70 = tpu.memref_slice %arg4[%add3A_22] : memref<320000xi32, #tpu.memory_space<hbm>> -> memref<80xi32, #tpu.memory_space<hbm>>
        %dma_start3A_71 = tpu.memref_slice %arg4[%add3A_22] : memref<320000xi32, #tpu.memory_space<hbm>> -> memref<80xi32, #tpu.memory_space<hbm>>
        tpu.enqueue_dma source(%dma_start3A_71 : memref<80xi32, #tpu.memory_space<hbm>>) target(%arg9 : memref<80xi32, #tpu.memory_space<vmem>>) target_semaphore(%run_scoped3A : memref<!tpu.dma_semaphore, #tpu.memory_space<semaphore_mem>>)
        %dma_wait3A_72 = tpu.memref_slice %arg4[%add3A_22] : memref<320000xi32, #tpu.memory_space<hbm>> -> memref<80xi32, #tpu.memory_space<hbm>>
        %dma_wait3A_73 = tpu.memref_slice %arg4[%add3A_22] : memref<320000xi32, #tpu.memory_space<hbm>> -> memref<80xi32, #tpu.memory_space<hbm>>
        tpu.wait_dma2 semaphore(%run_scoped3A : memref<!tpu.dma_semaphore, #tpu.memory_space<semaphore_mem>>) src(%dma_wait3A_73 : memref<80xi32, #tpu.memory_space<hbm>>) dst(%arg9 : memref<80xi32, #tpu.memory_space<vmem>>)
        tpu.yield
      }) : () -> ()
      %get3A = arith.constant 0 : index
      %get3A_23 = tpu.vector_load %arg8[%get3A] {strides = array<i32>} : memref<80xi32, #tpu.memory_space<vmem>>, vector<16xi32>,
      %get3A_24 = vector.shape_cast %get3A_23 : vector<16xi32> to vector<16xi32>
      %add3A_25 = vector.broadcast %mul3A_8 : i32 to vector<16xi32>
      %add3A_26 = arith.addi %get3A_24, %add3A_25 : vector<16xi32>
      %swap3A = arith.constant 0 : index
      %swap3A_27 = tpu.vector_load %arg8[%swap3A] {strides = array<i32>} : memref<80xi32, #tpu.memory_space<vmem>>, vector<16xi32>,
      %swap3A_28 = vector.shape_cast %swap3A_27 : vector<16xi32> to vector<16xi32>
      %swap3A_29 = vector.shape_cast %add3A_26 : vector<16xi32> to vector<16xi32>
      tpu.vector_store %arg8[%swap3A], %swap3A_29 {strides = array<i32>} : memref<80xi32, #tpu.memory_space<vmem>>, vector<16xi32>,
      %get3A_30 = arith.constant 16 : index
      %get3A_31 = tpu.vector_load %arg8[%get3A_30] {strides = array<i32>} : memref<80xi32, #tpu.memory_space<vmem>>, vector<16xi32>,
      %get3A_32 = vector.shape_cast %get3A_31 : vector<16xi32> to vector<16xi32>
      %add3A_33 = vector.broadcast %mul3A_8 : i32 to vector<16xi32>
      %add3A_34 = arith.addi %get3A_32, %add3A_33 : vector<16xi32>
      %swap3A_35 = arith.constant 16 : index
      %swap3A_36 = tpu.vector_load %arg8[%swap3A_35] {strides = array<i32>} : memref<80xi32, #tpu.memory_space<vmem>>, vector<16xi32>,
      %swap3A_37 = vector.shape_cast %swap3A_36 : vector<16xi32> to vector<16xi32>
      %swap3A_38 = vector.shape_cast %add3A_34 : vector<16xi32> to vector<16xi32>
      tpu.vector_store %arg8[%swap3A_35], %swap3A_38 {strides = array<i32>} : memref<80xi32, #tpu.memory_space<vmem>>, vector<16xi32>,
      %get3A_39 = arith.constant 32 : index
      %get3A_40 = tpu.vector_load %arg8[%get3A_39] {strides = array<i32>} : memref<80xi32, #tpu.memory_space<vmem>>, vector<16xi32>,
      %get3A_41 = vector.shape_cast %get3A_40 : vector<16xi32> to vector<16xi32>
      %add3A_42 = vector.broadcast %mul3A_8 : i32 to vector<16xi32>
      %add3A_43 = arith.addi %get3A_41, %add3A_42 : vector<16xi32>
      %swap3A_44 = arith.constant 32 : index
      %swap3A_45 = tpu.vector_load %arg8[%swap3A_44] {strides = array<i32>} : memref<80xi32, #tpu.memory_space<vmem>>, vector<16xi32>,
      %swap3A_46 = vector.shape_cast %swap3A_45 : vector<16xi32> to vector<16xi32>
      %swap3A_47 = vector.shape_cast %add3A_43 : vector<16xi32> to vector<16xi32>
      tpu.vector_store %arg8[%swap3A_44], %swap3A_47 {strides = array<i32>} : memref<80xi32, #tpu.memory_space<vmem>>, vector<16xi32>,
      %get3A_48 = arith.constant 48 : index
      %get3A_49 = tpu.vector_load %arg8[%get3A_48] {strides = array<i32>} : memref<80xi32, #tpu.memory_space<vmem>>, vector<16xi32>,
      %get3A_50 = vector.shape_cast %get3A_49 : vector<16xi32> to vector<16xi32>
      %add3A_51 = vector.broadcast %mul3A_8 : i32 to vector<16xi32>
      %add3A_52 = arith.addi %get3A_50, %add3A_51 : vector<16xi32>
      %swap3A_53 = arith.constant 48 : index
      %swap3A_54 = tpu.vector_load %arg8[%swap3A_53] {strides = array<i32>} : memref<80xi32, #tpu.memory_space<vmem>>, vector<16xi32>,
      %swap3A_55 = vector.shape_cast %swap3A_54 : vector<16xi32> to vector<16xi32>
      %swap3A_56 = vector.shape_cast %add3A_52 : vector<16xi32> to vector<16xi32>
      tpu.vector_store %arg8[%swap3A_53], %swap3A_56 {strides = array<i32>} : memref<80xi32, #tpu.memory_space<vmem>>, vector<16xi32>,
      %get3A_57 = arith.constant 64 : index
      %get3A_58 = tpu.vector_load %arg8[%get3A_57] {strides = array<i32>} : memref<80xi32, #tpu.memory_space<vmem>>, vector<16xi32>,
      %get3A_59 = vector.shape_cast %get3A_58 : vector<16xi32> to vector<16xi32>
      %add3A_60 = vector.broadcast %mul3A_8 : i32 to vector<16xi32>
      %add3A_61 = arith.addi %get3A_59, %add3A_60 : vector<16xi32>
      %swap3A_62 = arith.constant 64 : index
      %swap3A_63 = tpu.vector_load %arg8[%swap3A_62] {strides = array<i32>} : memref<80xi32, #tpu.memory_space<vmem>>, vector<16xi32>,
      %swap3A_64 = vector.shape_cast %swap3A_63 : vector<16xi32> to vector<16xi32>
      %swap3A_65 = vector.shape_cast %add3A_61 : vector<16xi32> to vector<16xi32>
      tpu.vector_store %arg8[%swap3A_62], %swap3A_65 {strides = array<i32>} : memref<80xi32, #tpu.memory_space<vmem>>, vector<16xi32>,
      %dma_start3A = arith.constant 0 : i32
      %dma_start3A_66 = arith.constant 0 : i32
      %dma_start3A_67 = tpu.memref_slice %arg2[%dma_start3A, %dma_start3A_66] : memref<20000x128xf32, #tpu.memory_space<hbm>> -> memref<20000x128xf32, #tpu.memory_space<hbm>>
      tpu.enqueue_indirect_dma source(%dma_start3A_67 : memref<20000x128xf32, #tpu.memory_space<hbm>>) target(%arg10 : memref<80x128xf32, #tpu.memory_space<vmem>>) offsets(%arg8 : memref<80xi32, #tpu.memory_space<vmem>>) semaphore(%arg11 : memref<!tpu.dma_semaphore, #tpu.memory_space<semaphore_mem>>)
      %dma_wait3A = arith.constant 0 : i32
      %dma_wait3A_68 = arith.constant 0 : i32
      %dma_wait3A_69 = tpu.memref_slice %arg2[%dma_wait3A, %dma_wait3A_68] : memref<20000x128xf32, #tpu.memory_space<hbm>> -> memref<20000x128xf32, #tpu.memory_space<hbm>>
      tpu.wait_indirect_dma semaphore(%arg11 : memref<!tpu.dma_semaphore, #tpu.memory_space<semaphore_mem>>) src(%dma_wait3A_69 : memref<20000x128xf32, #tpu.memory_space<hbm>>) dst(%arg10 : memref<80x128xf32, #tpu.memory_space<vmem>>)
      "tpu.region"() ({
        %run_scoped3A = tpu.sem_alloc : memref<!tpu.dma_semaphore, #tpu.memory_space<semaphore_mem>>
        %dma_start3A_70 = arith.constant 0 : i32
        %dma_start3A_71 = arith.constant 0 : i32
        %dma_start3A_72 = tpu.memref_slice %arg7[%dma_start3A_70, %dma_start3A_71] : memref<10112x128xf32, #tpu.memory_space<vmem_shared>> -> memref<10112x128xf32, #tpu.memory_space<vmem_shared>>
        tpu.enqueue_indirect_dma source(%arg10 : memref<80x128xf32, #tpu.memory_space<vmem>>) target(%dma_start3A_72 : memref<10112x128xf32, #tpu.memory_space<vmem_shared>>) offsets(%arg9 : memref<80xi32, #tpu.memory_space<vmem>>) semaphore(%run_scoped3A : memref<!tpu.dma_semaphore, #tpu.memory_space<semaphore_mem>>) {add = true}
        %dma_wait3A_73 = arith.constant 0 : i32
        %dma_wait3A_74 = arith.constant 0 : i32
        %dma_wait3A_75 = tpu.memref_slice %arg7[%dma_wait3A_73, %dma_wait3A_74] : memref<10112x128xf32, #tpu.memory_space<vmem_shared>> -> memref<10112x128xf32, #tpu.memory_space<vmem_shared>>
        tpu.wait_indirect_dma semaphore(%run_scoped3A : memref<!tpu.dma_semaphore, #tpu.memory_space<semaphore_mem>>) src(%arg10 : memref<80x128xf32, #tpu.memory_space<vmem>>) dst(%dma_wait3A_75 : memref<10112x128xf32, #tpu.memory_space<vmem_shared>>)
        tpu.yield
      }) : () -> ()
    }
    %scan3A_13 = arith.constant 250 : i32
    %barrier3A_14 = arith.constant 0 : index
    tpu.barrier barrier_id(%barrier3A_14)
    %mul3A_15 = arith.constant 632 : i32
    %mul3A_16 = arith.muli %arg1, %mul3A_15 : i32
    %mul3A_17 = arith.constant 632 : i32
    %mul3A_18 = arith.muli %arg1, %mul3A_17 : i32
    %add3A = arith.addi %mul3A_4, %mul3A_18 : i32
    "tpu.region"() ({
      %run_scoped3A = tpu.sem_alloc : memref<!tpu.dma_semaphore, #tpu.memory_space<semaphore_mem>>
      %dma_start3A = arith.constant 0 : i32
      %dma_start3A_19 = tpu.memref_slice %arg6[%add3A, %dma_start3A] : memref<20224x128xf32, #tpu.memory_space<hbm>> -> memref<632x128xf32, #tpu.memory_space<hbm>>
      %dma_start3A_20 = arith.constant 0 : i32
      %dma_start3A_21 = tpu.memref_slice %arg7[%mul3A_16, %dma_start3A_20] : memref<10112x128xf32, #tpu.memory_space<vmem_shared>> -> memref<632x128xf32, #tpu.memory_space<vmem_shared>>
      tpu.enqueue_dma source(%dma_start3A_21 : memref<632x128xf32, #tpu.memory_space<vmem_shared>>) target(%dma_start3A_19 : memref<632x128xf32, #tpu.memory_space<hbm>>) target_semaphore(%run_scoped3A : memref<!tpu.dma_semaphore, #tpu.memory_space<semaphore_mem>>)
      %dma_wait3A = arith.constant 0 : i32
      %dma_wait3A_22 = tpu.memref_slice %arg6[%add3A, %dma_wait3A] : memref<20224x128xf32, #tpu.memory_space<hbm>> -> memref<632x128xf32, #tpu.memory_space<hbm>>
      %dma_wait3A_23 = arith.constant 0 : i32
      %dma_wait3A_24 = tpu.memref_slice %arg7[%mul3A_16, %dma_wait3A_23] : memref<10112x128xf32, #tpu.memory_space<vmem_shared>> -> memref<632x128xf32, #tpu.memory_space<vmem_shared>>
      tpu.wait_dma2 semaphore(%run_scoped3A : memref<!tpu.dma_semaphore, #tpu.memory_space<semaphore_mem>>) src(%dma_wait3A_24 : memref<632x128xf32, #tpu.memory_space<vmem_shared>>) dst(%dma_wait3A_22 : memref<632x128xf32, #tpu.memory_space<hbm>>)
      tpu.yield
    }) : () -> ()
    return
  }
}

#map = affine_map<(d0, d1) -> (0, 0)>
#map1 = affine_map<(d0, d1) -> (0)>
module attributes {stable_mosaic.version = 14 : i64} {
  func.func @k(%arg0: i32, %arg1: i32, %arg2: memref<10000x128xf32, #tpu.memory_space<hbm>>, %arg3: memref<320000xi32, #tpu.memory_space<hbm>>, %arg4: memref<320000xi32, #tpu.memory_space<hbm>>, %arg5: memref<10112x128xf32, #tpu.memory_space<hbm>>, %arg6: memref<20224x128xf32, #tpu.memory_space<hbm>>, %arg7: memref<10112x128xf32, #tpu.memory_space<vmem_shared>>, %arg8: memref<80xi32, #tpu.memory_space<vmem>>, %arg9: memref<80xi32, #tpu.memory_space<vmem>>, %arg10: memref<80x128xf32, #tpu.memory_space<vmem>>, %arg11: memref<!tpu.dma_semaphore, #tpu.memory_space<semaphore_mem>>) attributes {dimension_semantics = [#tpu.dimension_semantics<core_parallel>, #tpu.dimension_semantics<subcore_parallel>], iteration_bounds = array<i64: 2, 16>, scalar_prefetch = 0 : i64, scratch_operands = 5 : i64, tpu.core_type = #tpu.core_type<sc_vector_subcore>, window_params = [{transform_indices = #map}, {transform_indices = #map1}, {transform_indices = #map1}, {transform_indices = #map}, {transform_indices = #map}]} {
    %mul3A = arith.constant 632 : i32
    %mul3A_0 = arith.muli %arg1, %mul3A : i32
    %mul3A_1 = arith.constant 632 : i32
    %mul3A_2 = arith.muli %arg1, %mul3A_1 : i32
    "tpu.region"() ({
      %run_scoped3A = tpu.sem_alloc : memref<!tpu.dma_semaphore, #tpu.memory_space<semaphore_mem>>
      %dma_start3A = arith.constant 0 : i32
      %dma_start3A_20 = tpu.memref_slice %arg7[%mul3A_2, %dma_start3A] : memref<10112x128xf32, #tpu.memory_space<vmem_shared>> -> memref<632x128xf32, #tpu.memory_space<vmem_shared>>
      %dma_start3A_21 = arith.constant 0 : i32
      %dma_start3A_22 = tpu.memref_slice %arg5[%mul3A_0, %dma_start3A_21] : memref<10112x128xf32, #tpu.memory_space<hbm>> -> memref<632x128xf32, #tpu.memory_space<hbm>>
      tpu.enqueue_dma source(%dma_start3A_22 : memref<632x128xf32, #tpu.memory_space<hbm>>) target(%dma_start3A_20 : memref<632x128xf32, #tpu.memory_space<vmem_shared>>) target_semaphore(%run_scoped3A : memref<!tpu.dma_semaphore, #tpu.memory_space<semaphore_mem>>)
      %dma_wait3A = arith.constant 0 : i32
      %dma_wait3A_23 = tpu.memref_slice %arg7[%mul3A_2, %dma_wait3A] : memref<10112x128xf32, #tpu.memory_space<vmem_shared>> -> memref<632x128xf32, #tpu.memory_space<vmem_shared>>
      %dma_wait3A_24 = arith.constant 0 : i32
      %dma_wait3A_25 = tpu.memref_slice %arg5[%mul3A_0, %dma_wait3A_24] : memref<10112x128xf32, #tpu.memory_space<hbm>> -> memref<632x128xf32, #tpu.memory_space<hbm>>
      tpu.wait_dma2 semaphore(%run_scoped3A : memref<!tpu.dma_semaphore, #tpu.memory_space<semaphore_mem>>) src(%dma_wait3A_25 : memref<632x128xf32, #tpu.memory_space<hbm>>) dst(%dma_wait3A_23 : memref<632x128xf32, #tpu.memory_space<vmem_shared>>)
      tpu.yield
    }) : () -> ()
    %barrier3A = arith.constant 0 : index
    tpu.barrier barrier_id(%barrier3A)
    %mul3A_3 = arith.constant 10112 : i32
    %mul3A_4 = arith.muli %arg0, %mul3A_3 : i32
    %mul3A_5 = arith.constant 160000 : i32
    %mul3A_6 = arith.muli %arg0, %mul3A_5 : i32
    %mul3A_7 = arith.constant 10000 : i32
    %mul3A_8 = arith.muli %arg1, %mul3A_7 : i32
    %add3A = arith.addi %mul3A_6, %mul3A_8 : i32
    %scan3A = arith.constant 0 : i32
    %scan3A_9 = arith.constant 0 : i32
    %scan3A_10 = arith.constant 125 : i32
    %scan3A_11 = arith.addi %scan3A_9, %scan3A_10 : i32
    %scan3A_12 = arith.constant 1 : i32
    scf.for %scan3A_20 = %scan3A_9 to %scan3A_11 step %scan3A_12  : i32 {
      %mul3A_21 = arith.constant 80 : i32
      %mul3A_22 = arith.muli %scan3A_20, %mul3A_21 : i32
      %add3A_23 = arith.addi %add3A, %mul3A_22 : i32
      "tpu.region"() ({
        %run_scoped3A = tpu.sem_alloc : memref<!tpu.dma_semaphore, #tpu.memory_space<semaphore_mem>>
        %dma_start3A_28 = tpu.memref_slice %arg3[%add3A_23] : memref<320000xi32, #tpu.memory_space<hbm>> -> memref<80xi32, #tpu.memory_space<hbm>>
        %dma_start3A_29 = tpu.memref_slice %arg3[%add3A_23] : memref<320000xi32, #tpu.memory_space<hbm>> -> memref<80xi32, #tpu.memory_space<hbm>>
        tpu.enqueue_dma source(%dma_start3A_29 : memref<80xi32, #tpu.memory_space<hbm>>) target(%arg8 : memref<80xi32, #tpu.memory_space<vmem>>) target_semaphore(%run_scoped3A : memref<!tpu.dma_semaphore, #tpu.memory_space<semaphore_mem>>)
        %dma_wait3A_30 = tpu.memref_slice %arg3[%add3A_23] : memref<320000xi32, #tpu.memory_space<hbm>> -> memref<80xi32, #tpu.memory_space<hbm>>
        %dma_wait3A_31 = tpu.memref_slice %arg3[%add3A_23] : memref<320000xi32, #tpu.memory_space<hbm>> -> memref<80xi32, #tpu.memory_space<hbm>>
        tpu.wait_dma2 semaphore(%run_scoped3A : memref<!tpu.dma_semaphore, #tpu.memory_space<semaphore_mem>>) src(%dma_wait3A_31 : memref<80xi32, #tpu.memory_space<hbm>>) dst(%arg8 : memref<80xi32, #tpu.memory_space<vmem>>)
        tpu.yield
      }) : () -> ()
      "tpu.region"() ({
        %run_scoped3A = tpu.sem_alloc : memref<!tpu.dma_semaphore, #tpu.memory_space<semaphore_mem>>
        %dma_start3A_28 = tpu.memref_slice %arg4[%add3A_23] : memref<320000xi32, #tpu.memory_space<hbm>> -> memref<80xi32, #tpu.memory_space<hbm>>
        %dma_start3A_29 = tpu.memref_slice %arg4[%add3A_23] : memref<320000xi32, #tpu.memory_space<hbm>> -> memref<80xi32, #tpu.memory_space<hbm>>
        tpu.enqueue_dma source(%dma_start3A_29 : memref<80xi32, #tpu.memory_space<hbm>>) target(%arg9 : memref<80xi32, #tpu.memory_space<vmem>>) target_semaphore(%run_scoped3A : memref<!tpu.dma_semaphore, #tpu.memory_space<semaphore_mem>>)
        %dma_wait3A_30 = tpu.memref_slice %arg4[%add3A_23] : memref<320000xi32, #tpu.memory_space<hbm>> -> memref<80xi32, #tpu.memory_space<hbm>>
        %dma_wait3A_31 = tpu.memref_slice %arg4[%add3A_23] : memref<320000xi32, #tpu.memory_space<hbm>> -> memref<80xi32, #tpu.memory_space<hbm>>
        tpu.wait_dma2 semaphore(%run_scoped3A : memref<!tpu.dma_semaphore, #tpu.memory_space<semaphore_mem>>) src(%dma_wait3A_31 : memref<80xi32, #tpu.memory_space<hbm>>) dst(%arg9 : memref<80xi32, #tpu.memory_space<vmem>>)
        tpu.yield
      }) : () -> ()
      %dma_start3A = arith.constant 0 : i32
      %dma_start3A_24 = arith.constant 0 : i32
      %dma_start3A_25 = tpu.memref_slice %arg2[%dma_start3A, %dma_start3A_24] : memref<10000x128xf32, #tpu.memory_space<hbm>> -> memref<10000x128xf32, #tpu.memory_space<hbm>>
      tpu.enqueue_indirect_dma source(%dma_start3A_25 : memref<10000x128xf32, #tpu.memory_space<hbm>>) target(%arg10 : memref<80x128xf32, #tpu.memory_space<vmem>>) offsets(%arg8 : memref<80xi32, #tpu.memory_space<vmem>>) semaphore(%arg11 : memref<!tpu.dma_semaphore, #tpu.memory_space<semaphore_mem>>)
      %dma_wait3A = arith.constant 0 : i32
      %dma_wait3A_26 = arith.constant 0 : i32
      %dma_wait3A_27 = tpu.memref_slice %arg2[%dma_wait3A, %dma_wait3A_26] : memref<10000x128xf32, #tpu.memory_space<hbm>> -> memref<10000x128xf32, #tpu.memory_space<hbm>>
      tpu.wait_indirect_dma semaphore(%arg11 : memref<!tpu.dma_semaphore, #tpu.memory_space<semaphore_mem>>) src(%dma_wait3A_27 : memref<10000x128xf32, #tpu.memory_space<hbm>>) dst(%arg10 : memref<80x128xf32, #tpu.memory_space<vmem>>)
      "tpu.region"() ({
        %run_scoped3A = tpu.sem_alloc : memref<!tpu.dma_semaphore, #tpu.memory_space<semaphore_mem>>
        %dma_start3A_28 = arith.constant 0 : i32
        %dma_start3A_29 = arith.constant 0 : i32
        %dma_start3A_30 = tpu.memref_slice %arg7[%dma_start3A_28, %dma_start3A_29] : memref<10112x128xf32, #tpu.memory_space<vmem_shared>> -> memref<10112x128xf32, #tpu.memory_space<vmem_shared>>
        tpu.enqueue_indirect_dma source(%arg10 : memref<80x128xf32, #tpu.memory_space<vmem>>) target(%dma_start3A_30 : memref<10112x128xf32, #tpu.memory_space<vmem_shared>>) offsets(%arg9 : memref<80xi32, #tpu.memory_space<vmem>>) semaphore(%run_scoped3A : memref<!tpu.dma_semaphore, #tpu.memory_space<semaphore_mem>>) {add = true}
        %dma_wait3A_31 = arith.constant 0 : i32
        %dma_wait3A_32 = arith.constant 0 : i32
        %dma_wait3A_33 = tpu.memref_slice %arg7[%dma_wait3A_31, %dma_wait3A_32] : memref<10112x128xf32, #tpu.memory_space<vmem_shared>> -> memref<10112x128xf32, #tpu.memory_space<vmem_shared>>
        tpu.wait_indirect_dma semaphore(%run_scoped3A : memref<!tpu.dma_semaphore, #tpu.memory_space<semaphore_mem>>) src(%arg10 : memref<80x128xf32, #tpu.memory_space<vmem>>) dst(%dma_wait3A_33 : memref<10112x128xf32, #tpu.memory_space<vmem_shared>>)
        tpu.yield
      }) : () -> ()
    }
    %scan3A_13 = arith.constant 125 : i32
    %barrier3A_14 = arith.constant 0 : index
    tpu.barrier barrier_id(%barrier3A_14)
    %mul3A_15 = arith.constant 632 : i32
    %mul3A_16 = arith.muli %arg1, %mul3A_15 : i32
    %mul3A_17 = arith.constant 632 : i32
    %mul3A_18 = arith.muli %arg1, %mul3A_17 : i32
    %add3A_19 = arith.addi %mul3A_4, %mul3A_18 : i32
    "tpu.region"() ({
      %run_scoped3A = tpu.sem_alloc : memref<!tpu.dma_semaphore, #tpu.memory_space<semaphore_mem>>
      %dma_start3A = arith.constant 0 : i32
      %dma_start3A_20 = tpu.memref_slice %arg6[%add3A_19, %dma_start3A] : memref<20224x128xf32, #tpu.memory_space<hbm>> -> memref<632x128xf32, #tpu.memory_space<hbm>>
      %dma_start3A_21 = arith.constant 0 : i32
      %dma_start3A_22 = tpu.memref_slice %arg7[%mul3A_16, %dma_start3A_21] : memref<10112x128xf32, #tpu.memory_space<vmem_shared>> -> memref<632x128xf32, #tpu.memory_space<vmem_shared>>
      tpu.enqueue_dma source(%dma_start3A_22 : memref<632x128xf32, #tpu.memory_space<vmem_shared>>) target(%dma_start3A_20 : memref<632x128xf32, #tpu.memory_space<hbm>>) target_semaphore(%run_scoped3A : memref<!tpu.dma_semaphore, #tpu.memory_space<semaphore_mem>>)
      %dma_wait3A = arith.constant 0 : i32
      %dma_wait3A_23 = tpu.memref_slice %arg6[%add3A_19, %dma_wait3A] : memref<20224x128xf32, #tpu.memory_space<hbm>> -> memref<632x128xf32, #tpu.memory_space<hbm>>
      %dma_wait3A_24 = arith.constant 0 : i32
      %dma_wait3A_25 = tpu.memref_slice %arg7[%mul3A_16, %dma_wait3A_24] : memref<10112x128xf32, #tpu.memory_space<vmem_shared>> -> memref<632x128xf32, #tpu.memory_space<vmem_shared>>
      tpu.wait_dma2 semaphore(%run_scoped3A : memref<!tpu.dma_semaphore, #tpu.memory_space<semaphore_mem>>) src(%dma_wait3A_25 : memref<632x128xf32, #tpu.memory_space<vmem_shared>>) dst(%dma_wait3A_23 : memref<632x128xf32, #tpu.memory_space<hbm>>)
      tpu.yield
    }) : () -> ()
    return
  }
}

#map = affine_map<(d0, d1) -> (0, 0)>
#map1 = affine_map<(d0, d1) -> (0)>
module attributes {stable_mosaic.version = 14 : i64} {
  func.func @k(%arg0: i32, %arg1: i32, %arg2: memref<20000x128xf32, #tpu.memory_space<hbm>>, %arg3: memref<320000xi32, #tpu.memory_space<hbm>>, %arg4: memref<320000xi32, #tpu.memory_space<hbm>>, %arg5: memref<10112x128xf32, #tpu.memory_space<hbm>>, %arg6: memref<20224x128xf32, #tpu.memory_space<hbm>>, %arg7: memref<10112x128xf32, #tpu.memory_space<vmem_shared>>, %arg8: memref<80xi32, #tpu.memory_space<vmem>>, %arg9: memref<80xi32, #tpu.memory_space<vmem>>, %arg10: memref<80x128xf32, #tpu.memory_space<vmem>>, %arg11: memref<!tpu.dma_semaphore, #tpu.memory_space<semaphore_mem>>) attributes {dimension_semantics = [#tpu.dimension_semantics<core_parallel>, #tpu.dimension_semantics<subcore_parallel>], iteration_bounds = array<i64: 2, 16>, scalar_prefetch = 0 : i64, scratch_operands = 5 : i64, tpu.core_type = #tpu.core_type<sc_vector_subcore>, window_params = [{transform_indices = #map}, {transform_indices = #map1}, {transform_indices = #map1}, {transform_indices = #map}, {transform_indices = #map}]} {
    %mul3A = arith.constant 632 : i32
    %mul3A_0 = arith.muli %arg1, %mul3A : i32
    %mul3A_1 = arith.constant 632 : i32
    %mul3A_2 = arith.muli %arg1, %mul3A_1 : i32
    "tpu.region"() ({
      %run_scoped3A = tpu.sem_alloc : memref<!tpu.dma_semaphore, #tpu.memory_space<semaphore_mem>>
      %dma_start3A = arith.constant 0 : i32
      %dma_start3A_19 = tpu.memref_slice %arg7[%mul3A_2, %dma_start3A] : memref<10112x128xf32, #tpu.memory_space<vmem_shared>> -> memref<632x128xf32, #tpu.memory_space<vmem_shared>>
      %dma_start3A_20 = arith.constant 0 : i32
      %dma_start3A_21 = tpu.memref_slice %arg5[%mul3A_0, %dma_start3A_20] : memref<10112x128xf32, #tpu.memory_space<hbm>> -> memref<632x128xf32, #tpu.memory_space<hbm>>
      tpu.enqueue_dma source(%dma_start3A_21 : memref<632x128xf32, #tpu.memory_space<hbm>>) target(%dma_start3A_19 : memref<632x128xf32, #tpu.memory_space<vmem_shared>>) target_semaphore(%run_scoped3A : memref<!tpu.dma_semaphore, #tpu.memory_space<semaphore_mem>>)
      %dma_wait3A = arith.constant 0 : i32
      %dma_wait3A_22 = tpu.memref_slice %arg7[%mul3A_2, %dma_wait3A] : memref<10112x128xf32, #tpu.memory_space<vmem_shared>> -> memref<632x128xf32, #tpu.memory_space<vmem_shared>>
      %dma_wait3A_23 = arith.constant 0 : i32
      %dma_wait3A_24 = tpu.memref_slice %arg5[%mul3A_0, %dma_wait3A_23] : memref<10112x128xf32, #tpu.memory_space<hbm>> -> memref<632x128xf32, #tpu.memory_space<hbm>>
      tpu.wait_dma2 semaphore(%run_scoped3A : memref<!tpu.dma_semaphore, #tpu.memory_space<semaphore_mem>>) src(%dma_wait3A_24 : memref<632x128xf32, #tpu.memory_space<hbm>>) dst(%dma_wait3A_22 : memref<632x128xf32, #tpu.memory_space<vmem_shared>>)
      tpu.yield
    }) : () -> ()
    %barrier3A = arith.constant 0 : index
    tpu.barrier barrier_id(%barrier3A)
    %mul3A_3 = arith.constant 10112 : i32
    %mul3A_4 = arith.muli %arg0, %mul3A_3 : i32
    %mul3A_5 = arith.constant 20000 : i32
    %mul3A_6 = arith.muli %arg1, %mul3A_5 : i32
    %mul3A_7 = arith.constant 10000 : i32
    %mul3A_8 = arith.muli %arg0, %mul3A_7 : i32
    %scan3A = arith.constant 0 : i32
    %scan3A_9 = arith.constant 0 : i32
    %scan3A_10 = arith.constant 250 : i32
    %scan3A_11 = arith.addi %scan3A_9, %scan3A_10 : i32
    %scan3A_12 = arith.constant 1 : i32
    scf.for %scan3A_19 = %scan3A_9 to %scan3A_11 step %scan3A_12  : i32 {
      %mul3A_20 = arith.constant 80 : i32
      %mul3A_21 = arith.muli %scan3A_19, %mul3A_20 : i32
      %add3A_22 = arith.addi %mul3A_6, %mul3A_21 : i32
      "tpu.region"() ({
        %run_scoped3A = tpu.sem_alloc : memref<!tpu.dma_semaphore, #tpu.memory_space<semaphore_mem>>
        %dma_start3A_70 = tpu.memref_slice %arg3[%add3A_22] : memref<320000xi32, #tpu.memory_space<hbm>> -> memref<80xi32, #tpu.memory_space<hbm>>
        %dma_start3A_71 = tpu.memref_slice %arg3[%add3A_22] : memref<320000xi32, #tpu.memory_space<hbm>> -> memref<80xi32, #tpu.memory_space<hbm>>
        tpu.enqueue_dma source(%dma_start3A_71 : memref<80xi32, #tpu.memory_space<hbm>>) target(%arg8 : memref<80xi32, #tpu.memory_space<vmem>>) target_semaphore(%run_scoped3A : memref<!tpu.dma_semaphore, #tpu.memory_space<semaphore_mem>>)
        %dma_wait3A_72 = tpu.memref_slice %arg3[%add3A_22] : memref<320000xi32, #tpu.memory_space<hbm>> -> memref<80xi32, #tpu.memory_space<hbm>>
        %dma_wait3A_73 = tpu.memref_slice %arg3[%add3A_22] : memref<320000xi32, #tpu.memory_space<hbm>> -> memref<80xi32, #tpu.memory_space<hbm>>
        tpu.wait_dma2 semaphore(%run_scoped3A : memref<!tpu.dma_semaphore, #tpu.memory_space<semaphore_mem>>) src(%dma_wait3A_73 : memref<80xi32, #tpu.memory_space<hbm>>) dst(%arg8 : memref<80xi32, #tpu.memory_space<vmem>>)
        tpu.yield
      }) : () -> ()
      "tpu.region"() ({
        %run_scoped3A = tpu.sem_alloc : memref<!tpu.dma_semaphore, #tpu.memory_space<semaphore_mem>>
        %dma_start3A_70 = tpu.memref_slice %arg4[%add3A_22] : memref<320000xi32, #tpu.memory_space<hbm>> -> memref<80xi32, #tpu.memory_space<hbm>>
        %dma_start3A_71 = tpu.memref_slice %arg4[%add3A_22] : memref<320000xi32, #tpu.memory_space<hbm>> -> memref<80xi32, #tpu.memory_space<hbm>>
        tpu.enqueue_dma source(%dma_start3A_71 : memref<80xi32, #tpu.memory_space<hbm>>) target(%arg9 : memref<80xi32, #tpu.memory_space<vmem>>) target_semaphore(%run_scoped3A : memref<!tpu.dma_semaphore, #tpu.memory_space<semaphore_mem>>)
        %dma_wait3A_72 = tpu.memref_slice %arg4[%add3A_22] : memref<320000xi32, #tpu.memory_space<hbm>> -> memref<80xi32, #tpu.memory_space<hbm>>
        %dma_wait3A_73 = tpu.memref_slice %arg4[%add3A_22] : memref<320000xi32, #tpu.memory_space<hbm>> -> memref<80xi32, #tpu.memory_space<hbm>>
        tpu.wait_dma2 semaphore(%run_scoped3A : memref<!tpu.dma_semaphore, #tpu.memory_space<semaphore_mem>>) src(%dma_wait3A_73 : memref<80xi32, #tpu.memory_space<hbm>>) dst(%arg9 : memref<80xi32, #tpu.memory_space<vmem>>)
        tpu.yield
      }) : () -> ()
      %get3A = arith.constant 0 : index
      %get3A_23 = tpu.vector_load %arg8[%get3A] {strides = array<i32>} : memref<80xi32, #tpu.memory_space<vmem>>, vector<16xi32>,
      %get3A_24 = vector.shape_cast %get3A_23 : vector<16xi32> to vector<16xi32>
      %add3A_25 = vector.broadcast %mul3A_8 : i32 to vector<16xi32>
      %add3A_26 = arith.addi %get3A_24, %add3A_25 : vector<16xi32>
      %swap3A = arith.constant 0 : index
      %swap3A_27 = tpu.vector_load %arg8[%swap3A] {strides = array<i32>} : memref<80xi32, #tpu.memory_space<vmem>>, vector<16xi32>,
      %swap3A_28 = vector.shape_cast %swap3A_27 : vector<16xi32> to vector<16xi32>
      %swap3A_29 = vector.shape_cast %add3A_26 : vector<16xi32> to vector<16xi32>
      tpu.vector_store %arg8[%swap3A], %swap3A_29 {strides = array<i32>} : memref<80xi32, #tpu.memory_space<vmem>>, vector<16xi32>,
      %get3A_30 = arith.constant 16 : index
      %get3A_31 = tpu.vector_load %arg8[%get3A_30] {strides = array<i32>} : memref<80xi32, #tpu.memory_space<vmem>>, vector<16xi32>,
      %get3A_32 = vector.shape_cast %get3A_31 : vector<16xi32> to vector<16xi32>
      %add3A_33 = vector.broadcast %mul3A_8 : i32 to vector<16xi32>
      %add3A_34 = arith.addi %get3A_32, %add3A_33 : vector<16xi32>
      %swap3A_35 = arith.constant 16 : index
      %swap3A_36 = tpu.vector_load %arg8[%swap3A_35] {strides = array<i32>} : memref<80xi32, #tpu.memory_space<vmem>>, vector<16xi32>,
      %swap3A_37 = vector.shape_cast %swap3A_36 : vector<16xi32> to vector<16xi32>
      %swap3A_38 = vector.shape_cast %add3A_34 : vector<16xi32> to vector<16xi32>
      tpu.vector_store %arg8[%swap3A_35], %swap3A_38 {strides = array<i32>} : memref<80xi32, #tpu.memory_space<vmem>>, vector<16xi32>,
      %get3A_39 = arith.constant 32 : index
      %get3A_40 = tpu.vector_load %arg8[%get3A_39] {strides = array<i32>} : memref<80xi32, #tpu.memory_space<vmem>>, vector<16xi32>,
      %get3A_41 = vector.shape_cast %get3A_40 : vector<16xi32> to vector<16xi32>
      %add3A_42 = vector.broadcast %mul3A_8 : i32 to vector<16xi32>
      %add3A_43 = arith.addi %get3A_41, %add3A_42 : vector<16xi32>
      %swap3A_44 = arith.constant 32 : index
      %swap3A_45 = tpu.vector_load %arg8[%swap3A_44] {strides = array<i32>} : memref<80xi32, #tpu.memory_space<vmem>>, vector<16xi32>,
      %swap3A_46 = vector.shape_cast %swap3A_45 : vector<16xi32> to vector<16xi32>
      %swap3A_47 = vector.shape_cast %add3A_43 : vector<16xi32> to vector<16xi32>
      tpu.vector_store %arg8[%swap3A_44], %swap3A_47 {strides = array<i32>} : memref<80xi32, #tpu.memory_space<vmem>>, vector<16xi32>,
      %get3A_48 = arith.constant 48 : index
      %get3A_49 = tpu.vector_load %arg8[%get3A_48] {strides = array<i32>} : memref<80xi32, #tpu.memory_space<vmem>>, vector<16xi32>,
      %get3A_50 = vector.shape_cast %get3A_49 : vector<16xi32> to vector<16xi32>
      %add3A_51 = vector.broadcast %mul3A_8 : i32 to vector<16xi32>
      %add3A_52 = arith.addi %get3A_50, %add3A_51 : vector<16xi32>
      %swap3A_53 = arith.constant 48 : index
      %swap3A_54 = tpu.vector_load %arg8[%swap3A_53] {strides = array<i32>} : memref<80xi32, #tpu.memory_space<vmem>>, vector<16xi32>,
      %swap3A_55 = vector.shape_cast %swap3A_54 : vector<16xi32> to vector<16xi32>
      %swap3A_56 = vector.shape_cast %add3A_52 : vector<16xi32> to vector<16xi32>
      tpu.vector_store %arg8[%swap3A_53], %swap3A_56 {strides = array<i32>} : memref<80xi32, #tpu.memory_space<vmem>>, vector<16xi32>,
      %get3A_57 = arith.constant 64 : index
      %get3A_58 = tpu.vector_load %arg8[%get3A_57] {strides = array<i32>} : memref<80xi32, #tpu.memory_space<vmem>>, vector<16xi32>,
      %get3A_59 = vector.shape_cast %get3A_58 : vector<16xi32> to vector<16xi32>
      %add3A_60 = vector.broadcast %mul3A_8 : i32 to vector<16xi32>
      %add3A_61 = arith.addi %get3A_59, %add3A_60 : vector<16xi32>
      %swap3A_62 = arith.constant 64 : index
      %swap3A_63 = tpu.vector_load %arg8[%swap3A_62] {strides = array<i32>} : memref<80xi32, #tpu.memory_space<vmem>>, vector<16xi32>,
      %swap3A_64 = vector.shape_cast %swap3A_63 : vector<16xi32> to vector<16xi32>
      %swap3A_65 = vector.shape_cast %add3A_61 : vector<16xi32> to vector<16xi32>
      tpu.vector_store %arg8[%swap3A_62], %swap3A_65 {strides = array<i32>} : memref<80xi32, #tpu.memory_space<vmem>>, vector<16xi32>,
      %dma_start3A = arith.constant 0 : i32
      %dma_start3A_66 = arith.constant 0 : i32
      %dma_start3A_67 = tpu.memref_slice %arg2[%dma_start3A, %dma_start3A_66] : memref<20000x128xf32, #tpu.memory_space<hbm>> -> memref<20000x128xf32, #tpu.memory_space<hbm>>
      tpu.enqueue_indirect_dma source(%dma_start3A_67 : memref<20000x128xf32, #tpu.memory_space<hbm>>) target(%arg10 : memref<80x128xf32, #tpu.memory_space<vmem>>) offsets(%arg8 : memref<80xi32, #tpu.memory_space<vmem>>) semaphore(%arg11 : memref<!tpu.dma_semaphore, #tpu.memory_space<semaphore_mem>>)
      %dma_wait3A = arith.constant 0 : i32
      %dma_wait3A_68 = arith.constant 0 : i32
      %dma_wait3A_69 = tpu.memref_slice %arg2[%dma_wait3A, %dma_wait3A_68] : memref<20000x128xf32, #tpu.memory_space<hbm>> -> memref<20000x128xf32, #tpu.memory_space<hbm>>
      tpu.wait_indirect_dma semaphore(%arg11 : memref<!tpu.dma_semaphore, #tpu.memory_space<semaphore_mem>>) src(%dma_wait3A_69 : memref<20000x128xf32, #tpu.memory_space<hbm>>) dst(%arg10 : memref<80x128xf32, #tpu.memory_space<vmem>>)
      "tpu.region"() ({
        %run_scoped3A = tpu.sem_alloc : memref<!tpu.dma_semaphore, #tpu.memory_space<semaphore_mem>>
        %dma_start3A_70 = arith.constant 0 : i32
        %dma_start3A_71 = arith.constant 0 : i32
        %dma_start3A_72 = tpu.memref_slice %arg7[%dma_start3A_70, %dma_start3A_71] : memref<10112x128xf32, #tpu.memory_space<vmem_shared>> -> memref<10112x128xf32, #tpu.memory_space<vmem_shared>>
        tpu.enqueue_indirect_dma source(%arg10 : memref<80x128xf32, #tpu.memory_space<vmem>>) target(%dma_start3A_72 : memref<10112x128xf32, #tpu.memory_space<vmem_shared>>) offsets(%arg9 : memref<80xi32, #tpu.memory_space<vmem>>) semaphore(%run_scoped3A : memref<!tpu.dma_semaphore, #tpu.memory_space<semaphore_mem>>) {add = true}
        %dma_wait3A_73 = arith.constant 0 : i32
        %dma_wait3A_74 = arith.constant 0 : i32
        %dma_wait3A_75 = tpu.memref_slice %arg7[%dma_wait3A_73, %dma_wait3A_74] : memref<10112x128xf32, #tpu.memory_space<vmem_shared>> -> memref<10112x128xf32, #tpu.memory_space<vmem_shared>>
        tpu.wait_indirect_dma semaphore(%run_scoped3A : memref<!tpu.dma_semaphore, #tpu.memory_space<semaphore_mem>>) src(%arg10 : memref<80x128xf32, #tpu.memory_space<vmem>>) dst(%dma_wait3A_75 : memref<10112x128xf32, #tpu.memory_space<vmem_shared>>)
        tpu.yield
      }) : () -> ()
    }
    %scan3A_13 = arith.constant 250 : i32
    %barrier3A_14 = arith.constant 0 : index
    tpu.barrier barrier_id(%barrier3A_14)
    %mul3A_15 = arith.constant 632 : i32
    %mul3A_16 = arith.muli %arg1, %mul3A_15 : i32
    %mul3A_17 = arith.constant 632 : i32
    %mul3A_18 = arith.muli %arg1, %mul3A_17 : i32
    %add3A = arith.addi %mul3A_4, %mul3A_18 : i32
    "tpu.region"() ({
      %run_scoped3A = tpu.sem_alloc : memref<!tpu.dma_semaphore, #tpu.memory_space<semaphore_mem>>
      %dma_start3A = arith.constant 0 : i32
      %dma_start3A_19 = tpu.memref_slice %arg6[%add3A, %dma_start3A] : memref<20224x128xf32, #tpu.memory_space<hbm>> -> memref<632x128xf32, #tpu.memory_space<hbm>>
      %dma_start3A_20 = arith.constant 0 : i32
      %dma_start3A_21 = tpu.memref_slice %arg7[%mul3A_16, %dma_start3A_20] : memref<10112x128xf32, #tpu.memory_space<vmem_shared>> -> memref<632x128xf32, #tpu.memory_space<vmem_shared>>
      tpu.enqueue_dma source(%dma_start3A_21 : memref<632x128xf32, #tpu.memory_space<vmem_shared>>) target(%dma_start3A_19 : memref<632x128xf32, #tpu.memory_space<hbm>>) target_semaphore(%run_scoped3A : memref<!tpu.dma_semaphore, #tpu.memory_space<semaphore_mem>>)
      %dma_wait3A = arith.constant 0 : i32
      %dma_wait3A_22 = tpu.memref_slice %arg6[%add3A, %dma_wait3A] : memref<20224x128xf32, #tpu.memory_space<hbm>> -> memref<632x128xf32, #tpu.memory_space<hbm>>
      %dma_wait3A_23 = arith.constant 0 : i32
      %dma_wait3A_24 = tpu.memref_slice %arg7[%mul3A_16, %dma_wait3A_23] : memref<10112x128xf32, #tpu.memory_space<vmem_shared>> -> memref<632x128xf32, #tpu.memory_space<vmem_shared>>
      tpu.wait_dma2 semaphore(%run_scoped3A : memref<!tpu.dma_semaphore, #tpu.memory_space<semaphore_mem>>) src(%dma_wait3A_24 : memref<632x128xf32, #tpu.memory_space<vmem_shared>>) dst(%dma_wait3A_22 : memref<632x128xf32, #tpu.memory_space<hbm>>)
      tpu.yield
    }) : () -> ()
    return
  }
}

#map = affine_map<(d0, d1) -> (0, 0)>
#map1 = affine_map<(d0, d1) -> (0)>
module attributes {stable_mosaic.version = 14 : i64} {
  func.func @k(%arg0: i32, %arg1: i32, %arg2: memref<20000x128xf32, #tpu.memory_space<hbm>>, %arg3: memref<320000xi32, #tpu.memory_space<hbm>>, %arg4: memref<320000xi32, #tpu.memory_space<hbm>>, %arg5: memref<10112x128xf32, #tpu.memory_space<hbm>>, %arg6: memref<20224x128xf32, #tpu.memory_space<hbm>>, %arg7: memref<10112x128xf32, #tpu.memory_space<vmem_shared>>, %arg8: memref<80xi32, #tpu.memory_space<vmem>>, %arg9: memref<80xi32, #tpu.memory_space<vmem>>, %arg10: memref<80x128xf32, #tpu.memory_space<vmem>>, %arg11: memref<!tpu.dma_semaphore, #tpu.memory_space<semaphore_mem>>) attributes {dimension_semantics = [#tpu.dimension_semantics<core_parallel>, #tpu.dimension_semantics<subcore_parallel>], iteration_bounds = array<i64: 2, 16>, scalar_prefetch = 0 : i64, scratch_operands = 5 : i64, tpu.core_type = #tpu.core_type<sc_vector_subcore>, window_params = [{transform_indices = #map}, {transform_indices = #map1}, {transform_indices = #map1}, {transform_indices = #map}, {transform_indices = #map}]} {
    %mul3A = arith.constant 632 : i32
    %mul3A_0 = arith.muli %arg1, %mul3A : i32
    %mul3A_1 = arith.constant 632 : i32
    %mul3A_2 = arith.muli %arg1, %mul3A_1 : i32
    "tpu.region"() ({
      %run_scoped3A = tpu.sem_alloc : memref<!tpu.dma_semaphore, #tpu.memory_space<semaphore_mem>>
      %dma_start3A = arith.constant 0 : i32
      %dma_start3A_19 = tpu.memref_slice %arg7[%mul3A_2, %dma_start3A] : memref<10112x128xf32, #tpu.memory_space<vmem_shared>> -> memref<632x128xf32, #tpu.memory_space<vmem_shared>>
      %dma_start3A_20 = arith.constant 0 : i32
      %dma_start3A_21 = tpu.memref_slice %arg5[%mul3A_0, %dma_start3A_20] : memref<10112x128xf32, #tpu.memory_space<hbm>> -> memref<632x128xf32, #tpu.memory_space<hbm>>
      tpu.enqueue_dma source(%dma_start3A_21 : memref<632x128xf32, #tpu.memory_space<hbm>>) target(%dma_start3A_19 : memref<632x128xf32, #tpu.memory_space<vmem_shared>>) target_semaphore(%run_scoped3A : memref<!tpu.dma_semaphore, #tpu.memory_space<semaphore_mem>>)
      %dma_wait3A = arith.constant 0 : i32
      %dma_wait3A_22 = tpu.memref_slice %arg7[%mul3A_2, %dma_wait3A] : memref<10112x128xf32, #tpu.memory_space<vmem_shared>> -> memref<632x128xf32, #tpu.memory_space<vmem_shared>>
      %dma_wait3A_23 = arith.constant 0 : i32
      %dma_wait3A_24 = tpu.memref_slice %arg5[%mul3A_0, %dma_wait3A_23] : memref<10112x128xf32, #tpu.memory_space<hbm>> -> memref<632x128xf32, #tpu.memory_space<hbm>>
      tpu.wait_dma2 semaphore(%run_scoped3A : memref<!tpu.dma_semaphore, #tpu.memory_space<semaphore_mem>>) src(%dma_wait3A_24 : memref<632x128xf32, #tpu.memory_space<hbm>>) dst(%dma_wait3A_22 : memref<632x128xf32, #tpu.memory_space<vmem_shared>>)
      tpu.yield
    }) : () -> ()
    %barrier3A = arith.constant 0 : index
    tpu.barrier barrier_id(%barrier3A)
    %mul3A_3 = arith.constant 10112 : i32
    %mul3A_4 = arith.muli %arg0, %mul3A_3 : i32
    %mul3A_5 = arith.constant 20000 : i32
    %mul3A_6 = arith.muli %arg1, %mul3A_5 : i32
    %mul3A_7 = arith.constant 10000 : i32
    %mul3A_8 = arith.muli %arg0, %mul3A_7 : i32
    %scan3A = arith.constant 0 : i32
    %scan3A_9 = arith.constant 0 : i32
    %scan3A_10 = arith.constant 250 : i32
    %scan3A_11 = arith.addi %scan3A_9, %scan3A_10 : i32
    %scan3A_12 = arith.constant 1 : i32
    scf.for %scan3A_19 = %scan3A_9 to %scan3A_11 step %scan3A_12  : i32 {
      %mul3A_20 = arith.constant 80 : i32
      %mul3A_21 = arith.muli %scan3A_19, %mul3A_20 : i32
      %add3A_22 = arith.addi %mul3A_6, %mul3A_21 : i32
      "tpu.region"() ({
        %run_scoped3A = tpu.sem_alloc : memref<!tpu.dma_semaphore, #tpu.memory_space<semaphore_mem>>
        %dma_start3A_70 = tpu.memref_slice %arg3[%add3A_22] : memref<320000xi32, #tpu.memory_space<hbm>> -> memref<80xi32, #tpu.memory_space<hbm>>
        %dma_start3A_71 = tpu.memref_slice %arg3[%add3A_22] : memref<320000xi32, #tpu.memory_space<hbm>> -> memref<80xi32, #tpu.memory_space<hbm>>
        tpu.enqueue_dma source(%dma_start3A_71 : memref<80xi32, #tpu.memory_space<hbm>>) target(%arg8 : memref<80xi32, #tpu.memory_space<vmem>>) target_semaphore(%run_scoped3A : memref<!tpu.dma_semaphore, #tpu.memory_space<semaphore_mem>>)
        %dma_wait3A_72 = tpu.memref_slice %arg3[%add3A_22] : memref<320000xi32, #tpu.memory_space<hbm>> -> memref<80xi32, #tpu.memory_space<hbm>>
        %dma_wait3A_73 = tpu.memref_slice %arg3[%add3A_22] : memref<320000xi32, #tpu.memory_space<hbm>> -> memref<80xi32, #tpu.memory_space<hbm>>
        tpu.wait_dma2 semaphore(%run_scoped3A : memref<!tpu.dma_semaphore, #tpu.memory_space<semaphore_mem>>) src(%dma_wait3A_73 : memref<80xi32, #tpu.memory_space<hbm>>) dst(%arg8 : memref<80xi32, #tpu.memory_space<vmem>>)
        tpu.yield
      }) : () -> ()
      "tpu.region"() ({
        %run_scoped3A = tpu.sem_alloc : memref<!tpu.dma_semaphore, #tpu.memory_space<semaphore_mem>>
        %dma_start3A_70 = tpu.memref_slice %arg4[%add3A_22] : memref<320000xi32, #tpu.memory_space<hbm>> -> memref<80xi32, #tpu.memory_space<hbm>>
        %dma_start3A_71 = tpu.memref_slice %arg4[%add3A_22] : memref<320000xi32, #tpu.memory_space<hbm>> -> memref<80xi32, #tpu.memory_space<hbm>>
        tpu.enqueue_dma source(%dma_start3A_71 : memref<80xi32, #tpu.memory_space<hbm>>) target(%arg9 : memref<80xi32, #tpu.memory_space<vmem>>) target_semaphore(%run_scoped3A : memref<!tpu.dma_semaphore, #tpu.memory_space<semaphore_mem>>)
        %dma_wait3A_72 = tpu.memref_slice %arg4[%add3A_22] : memref<320000xi32, #tpu.memory_space<hbm>> -> memref<80xi32, #tpu.memory_space<hbm>>
        %dma_wait3A_73 = tpu.memref_slice %arg4[%add3A_22] : memref<320000xi32, #tpu.memory_space<hbm>> -> memref<80xi32, #tpu.memory_space<hbm>>
        tpu.wait_dma2 semaphore(%run_scoped3A : memref<!tpu.dma_semaphore, #tpu.memory_space<semaphore_mem>>) src(%dma_wait3A_73 : memref<80xi32, #tpu.memory_space<hbm>>) dst(%arg9 : memref<80xi32, #tpu.memory_space<vmem>>)
        tpu.yield
      }) : () -> ()
      %get3A = arith.constant 0 : index
      %get3A_23 = tpu.vector_load %arg8[%get3A] {strides = array<i32>} : memref<80xi32, #tpu.memory_space<vmem>>, vector<16xi32>,
      %get3A_24 = vector.shape_cast %get3A_23 : vector<16xi32> to vector<16xi32>
      %add3A_25 = vector.broadcast %mul3A_8 : i32 to vector<16xi32>
      %add3A_26 = arith.addi %get3A_24, %add3A_25 : vector<16xi32>
      %swap3A = arith.constant 0 : index
      %swap3A_27 = tpu.vector_load %arg8[%swap3A] {strides = array<i32>} : memref<80xi32, #tpu.memory_space<vmem>>, vector<16xi32>,
      %swap3A_28 = vector.shape_cast %swap3A_27 : vector<16xi32> to vector<16xi32>
      %swap3A_29 = vector.shape_cast %add3A_26 : vector<16xi32> to vector<16xi32>
      tpu.vector_store %arg8[%swap3A], %swap3A_29 {strides = array<i32>} : memref<80xi32, #tpu.memory_space<vmem>>, vector<16xi32>,
      %get3A_30 = arith.constant 16 : index
      %get3A_31 = tpu.vector_load %arg8[%get3A_30] {strides = array<i32>} : memref<80xi32, #tpu.memory_space<vmem>>, vector<16xi32>,
      %get3A_32 = vector.shape_cast %get3A_31 : vector<16xi32> to vector<16xi32>
      %add3A_33 = vector.broadcast %mul3A_8 : i32 to vector<16xi32>
      %add3A_34 = arith.addi %get3A_32, %add3A_33 : vector<16xi32>
      %swap3A_35 = arith.constant 16 : index
      %swap3A_36 = tpu.vector_load %arg8[%swap3A_35] {strides = array<i32>} : memref<80xi32, #tpu.memory_space<vmem>>, vector<16xi32>,
      %swap3A_37 = vector.shape_cast %swap3A_36 : vector<16xi32> to vector<16xi32>
      %swap3A_38 = vector.shape_cast %add3A_34 : vector<16xi32> to vector<16xi32>
      tpu.vector_store %arg8[%swap3A_35], %swap3A_38 {strides = array<i32>} : memref<80xi32, #tpu.memory_space<vmem>>, vector<16xi32>,
      %get3A_39 = arith.constant 32 : index
      %get3A_40 = tpu.vector_load %arg8[%get3A_39] {strides = array<i32>} : memref<80xi32, #tpu.memory_space<vmem>>, vector<16xi32>,
      %get3A_41 = vector.shape_cast %get3A_40 : vector<16xi32> to vector<16xi32>
      %add3A_42 = vector.broadcast %mul3A_8 : i32 to vector<16xi32>
      %add3A_43 = arith.addi %get3A_41, %add3A_42 : vector<16xi32>
      %swap3A_44 = arith.constant 32 : index
      %swap3A_45 = tpu.vector_load %arg8[%swap3A_44] {strides = array<i32>} : memref<80xi32, #tpu.memory_space<vmem>>, vector<16xi32>,
      %swap3A_46 = vector.shape_cast %swap3A_45 : vector<16xi32> to vector<16xi32>
      %swap3A_47 = vector.shape_cast %add3A_43 : vector<16xi32> to vector<16xi32>
      tpu.vector_store %arg8[%swap3A_44], %swap3A_47 {strides = array<i32>} : memref<80xi32, #tpu.memory_space<vmem>>, vector<16xi32>,
      %get3A_48 = arith.constant 48 : index
      %get3A_49 = tpu.vector_load %arg8[%get3A_48] {strides = array<i32>} : memref<80xi32, #tpu.memory_space<vmem>>, vector<16xi32>,
      %get3A_50 = vector.shape_cast %get3A_49 : vector<16xi32> to vector<16xi32>
      %add3A_51 = vector.broadcast %mul3A_8 : i32 to vector<16xi32>
      %add3A_52 = arith.addi %get3A_50, %add3A_51 : vector<16xi32>
      %swap3A_53 = arith.constant 48 : index
      %swap3A_54 = tpu.vector_load %arg8[%swap3A_53] {strides = array<i32>} : memref<80xi32, #tpu.memory_space<vmem>>, vector<16xi32>,
      %swap3A_55 = vector.shape_cast %swap3A_54 : vector<16xi32> to vector<16xi32>
      %swap3A_56 = vector.shape_cast %add3A_52 : vector<16xi32> to vector<16xi32>
      tpu.vector_store %arg8[%swap3A_53], %swap3A_56 {strides = array<i32>} : memref<80xi32, #tpu.memory_space<vmem>>, vector<16xi32>,
      %get3A_57 = arith.constant 64 : index
      %get3A_58 = tpu.vector_load %arg8[%get3A_57] {strides = array<i32>} : memref<80xi32, #tpu.memory_space<vmem>>, vector<16xi32>,
      %get3A_59 = vector.shape_cast %get3A_58 : vector<16xi32> to vector<16xi32>
      %add3A_60 = vector.broadcast %mul3A_8 : i32 to vector<16xi32>
      %add3A_61 = arith.addi %get3A_59, %add3A_60 : vector<16xi32>
      %swap3A_62 = arith.constant 64 : index
      %swap3A_63 = tpu.vector_load %arg8[%swap3A_62] {strides = array<i32>} : memref<80xi32, #tpu.memory_space<vmem>>, vector<16xi32>,
      %swap3A_64 = vector.shape_cast %swap3A_63 : vector<16xi32> to vector<16xi32>
      %swap3A_65 = vector.shape_cast %add3A_61 : vector<16xi32> to vector<16xi32>
      tpu.vector_store %arg8[%swap3A_62], %swap3A_65 {strides = array<i32>} : memref<80xi32, #tpu.memory_space<vmem>>, vector<16xi32>,
      %dma_start3A = arith.constant 0 : i32
      %dma_start3A_66 = arith.constant 0 : i32
      %dma_start3A_67 = tpu.memref_slice %arg2[%dma_start3A, %dma_start3A_66] : memref<20000x128xf32, #tpu.memory_space<hbm>> -> memref<20000x128xf32, #tpu.memory_space<hbm>>
      tpu.enqueue_indirect_dma source(%dma_start3A_67 : memref<20000x128xf32, #tpu.memory_space<hbm>>) target(%arg10 : memref<80x128xf32, #tpu.memory_space<vmem>>) offsets(%arg8 : memref<80xi32, #tpu.memory_space<vmem>>) semaphore(%arg11 : memref<!tpu.dma_semaphore, #tpu.memory_space<semaphore_mem>>)
      %dma_wait3A = arith.constant 0 : i32
      %dma_wait3A_68 = arith.constant 0 : i32
      %dma_wait3A_69 = tpu.memref_slice %arg2[%dma_wait3A, %dma_wait3A_68] : memref<20000x128xf32, #tpu.memory_space<hbm>> -> memref<20000x128xf32, #tpu.memory_space<hbm>>
      tpu.wait_indirect_dma semaphore(%arg11 : memref<!tpu.dma_semaphore, #tpu.memory_space<semaphore_mem>>) src(%dma_wait3A_69 : memref<20000x128xf32, #tpu.memory_space<hbm>>) dst(%arg10 : memref<80x128xf32, #tpu.memory_space<vmem>>)
      "tpu.region"() ({
        %run_scoped3A = tpu.sem_alloc : memref<!tpu.dma_semaphore, #tpu.memory_space<semaphore_mem>>
        %dma_start3A_70 = arith.constant 0 : i32
        %dma_start3A_71 = arith.constant 0 : i32
        %dma_start3A_72 = tpu.memref_slice %arg7[%dma_start3A_70, %dma_start3A_71] : memref<10112x128xf32, #tpu.memory_space<vmem_shared>> -> memref<10112x128xf32, #tpu.memory_space<vmem_shared>>
        tpu.enqueue_indirect_dma source(%arg10 : memref<80x128xf32, #tpu.memory_space<vmem>>) target(%dma_start3A_72 : memref<10112x128xf32, #tpu.memory_space<vmem_shared>>) offsets(%arg9 : memref<80xi32, #tpu.memory_space<vmem>>) semaphore(%run_scoped3A : memref<!tpu.dma_semaphore, #tpu.memory_space<semaphore_mem>>) {add = true}
        %dma_wait3A_73 = arith.constant 0 : i32
        %dma_wait3A_74 = arith.constant 0 : i32
        %dma_wait3A_75 = tpu.memref_slice %arg7[%dma_wait3A_73, %dma_wait3A_74] : memref<10112x128xf32, #tpu.memory_space<vmem_shared>> -> memref<10112x128xf32, #tpu.memory_space<vmem_shared>>
        tpu.wait_indirect_dma semaphore(%run_scoped3A : memref<!tpu.dma_semaphore, #tpu.memory_space<semaphore_mem>>) src(%arg10 : memref<80x128xf32, #tpu.memory_space<vmem>>) dst(%dma_wait3A_75 : memref<10112x128xf32, #tpu.memory_space<vmem_shared>>)
        tpu.yield
      }) : () -> ()
    }
    %scan3A_13 = arith.constant 250 : i32
    %barrier3A_14 = arith.constant 0 : index
    tpu.barrier barrier_id(%barrier3A_14)
    %mul3A_15 = arith.constant 632 : i32
    %mul3A_16 = arith.muli %arg1, %mul3A_15 : i32
    %mul3A_17 = arith.constant 632 : i32
    %mul3A_18 = arith.muli %arg1, %mul3A_17 : i32
    %add3A = arith.addi %mul3A_4, %mul3A_18 : i32
    "tpu.region"() ({
      %run_scoped3A = tpu.sem_alloc : memref<!tpu.dma_semaphore, #tpu.memory_space<semaphore_mem>>
      %dma_start3A = arith.constant 0 : i32
      %dma_start3A_19 = tpu.memref_slice %arg6[%add3A, %dma_start3A] : memref<20224x128xf32, #tpu.memory_space<hbm>> -> memref<632x128xf32, #tpu.memory_space<hbm>>
      %dma_start3A_20 = arith.constant 0 : i32
      %dma_start3A_21 = tpu.memref_slice %arg7[%mul3A_16, %dma_start3A_20] : memref<10112x128xf32, #tpu.memory_space<vmem_shared>> -> memref<632x128xf32, #tpu.memory_space<vmem_shared>>
      tpu.enqueue_dma source(%dma_start3A_21 : memref<632x128xf32, #tpu.memory_space<vmem_shared>>) target(%dma_start3A_19 : memref<632x128xf32, #tpu.memory_space<hbm>>) target_semaphore(%run_scoped3A : memref<!tpu.dma_semaphore, #tpu.memory_space<semaphore_mem>>)
      %dma_wait3A = arith.constant 0 : i32
      %dma_wait3A_22 = tpu.memref_slice %arg6[%add3A, %dma_wait3A] : memref<20224x128xf32, #tpu.memory_space<hbm>> -> memref<632x128xf32, #tpu.memory_space<hbm>>
      %dma_wait3A_23 = arith.constant 0 : i32
      %dma_wait3A_24 = tpu.memref_slice %arg7[%mul3A_16, %dma_wait3A_23] : memref<10112x128xf32, #tpu.memory_space<vmem_shared>> -> memref<632x128xf32, #tpu.memory_space<vmem_shared>>
      tpu.wait_dma2 semaphore(%run_scoped3A : memref<!tpu.dma_semaphore, #tpu.memory_space<semaphore_mem>>) src(%dma_wait3A_24 : memref<632x128xf32, #tpu.memory_space<vmem_shared>>) dst(%dma_wait3A_22 : memref<632x128xf32, #tpu.memory_space<hbm>>)
      tpu.yield
    }) : () -> ()
    return
  }
}

#map = affine_map<(d0, d1) -> (0, 0)>
#map1 = affine_map<(d0, d1) -> (0)>
module attributes {stable_mosaic.version = 14 : i64} {
  func.func @k(%arg0: i32, %arg1: i32, %arg2: memref<20000x128xf32, #tpu.memory_space<hbm>>, %arg3: memref<320000xi32, #tpu.memory_space<hbm>>, %arg4: memref<320000xi32, #tpu.memory_space<hbm>>, %arg5: memref<10112x128xf32, #tpu.memory_space<hbm>>, %arg6: memref<20224x128xf32, #tpu.memory_space<hbm>>, %arg7: memref<10112x128xf32, #tpu.memory_space<vmem_shared>>, %arg8: memref<80xi32, #tpu.memory_space<vmem>>, %arg9: memref<80xi32, #tpu.memory_space<vmem>>, %arg10: memref<80x128xf32, #tpu.memory_space<vmem>>, %arg11: memref<!tpu.dma_semaphore, #tpu.memory_space<semaphore_mem>>) attributes {dimension_semantics = [#tpu.dimension_semantics<core_parallel>, #tpu.dimension_semantics<subcore_parallel>], iteration_bounds = array<i64: 2, 16>, scalar_prefetch = 0 : i64, scratch_operands = 5 : i64, tpu.core_type = #tpu.core_type<sc_vector_subcore>, window_params = [{transform_indices = #map}, {transform_indices = #map1}, {transform_indices = #map1}, {transform_indices = #map}, {transform_indices = #map}]} {
    %mul3A = arith.constant 632 : i32
    %mul3A_0 = arith.muli %arg1, %mul3A : i32
    %mul3A_1 = arith.constant 632 : i32
    %mul3A_2 = arith.muli %arg1, %mul3A_1 : i32
    "tpu.region"() ({
      %run_scoped3A = tpu.sem_alloc : memref<!tpu.dma_semaphore, #tpu.memory_space<semaphore_mem>>
      %dma_start3A = arith.constant 0 : i32
      %dma_start3A_19 = tpu.memref_slice %arg7[%mul3A_2, %dma_start3A] : memref<10112x128xf32, #tpu.memory_space<vmem_shared>> -> memref<632x128xf32, #tpu.memory_space<vmem_shared>>
      %dma_start3A_20 = arith.constant 0 : i32
      %dma_start3A_21 = tpu.memref_slice %arg5[%mul3A_0, %dma_start3A_20] : memref<10112x128xf32, #tpu.memory_space<hbm>> -> memref<632x128xf32, #tpu.memory_space<hbm>>
      tpu.enqueue_dma source(%dma_start3A_21 : memref<632x128xf32, #tpu.memory_space<hbm>>) target(%dma_start3A_19 : memref<632x128xf32, #tpu.memory_space<vmem_shared>>) target_semaphore(%run_scoped3A : memref<!tpu.dma_semaphore, #tpu.memory_space<semaphore_mem>>)
      %dma_wait3A = arith.constant 0 : i32
      %dma_wait3A_22 = tpu.memref_slice %arg7[%mul3A_2, %dma_wait3A] : memref<10112x128xf32, #tpu.memory_space<vmem_shared>> -> memref<632x128xf32, #tpu.memory_space<vmem_shared>>
      %dma_wait3A_23 = arith.constant 0 : i32
      %dma_wait3A_24 = tpu.memref_slice %arg5[%mul3A_0, %dma_wait3A_23] : memref<10112x128xf32, #tpu.memory_space<hbm>> -> memref<632x128xf32, #tpu.memory_space<hbm>>
      tpu.wait_dma2 semaphore(%run_scoped3A : memref<!tpu.dma_semaphore, #tpu.memory_space<semaphore_mem>>) src(%dma_wait3A_24 : memref<632x128xf32, #tpu.memory_space<hbm>>) dst(%dma_wait3A_22 : memref<632x128xf32, #tpu.memory_space<vmem_shared>>)
      tpu.yield
    }) : () -> ()
    %barrier3A = arith.constant 0 : index
    tpu.barrier barrier_id(%barrier3A)
    %mul3A_3 = arith.constant 10112 : i32
    %mul3A_4 = arith.muli %arg0, %mul3A_3 : i32
    %mul3A_5 = arith.constant 20000 : i32
    %mul3A_6 = arith.muli %arg1, %mul3A_5 : i32
    %mul3A_7 = arith.constant 10000 : i32
    %mul3A_8 = arith.muli %arg0, %mul3A_7 : i32
    %scan3A = arith.constant 0 : i32
    %scan3A_9 = arith.constant 0 : i32
    %scan3A_10 = arith.constant 250 : i32
    %scan3A_11 = arith.addi %scan3A_9, %scan3A_10 : i32
    %scan3A_12 = arith.constant 1 : i32
    scf.for %scan3A_19 = %scan3A_9 to %scan3A_11 step %scan3A_12  : i32 {
      %mul3A_20 = arith.constant 80 : i32
      %mul3A_21 = arith.muli %scan3A_19, %mul3A_20 : i32
      %add3A_22 = arith.addi %mul3A_6, %mul3A_21 : i32
      "tpu.region"() ({
        %run_scoped3A = tpu.sem_alloc : memref<!tpu.dma_semaphore, #tpu.memory_space<semaphore_mem>>
        %dma_start3A_70 = tpu.memref_slice %arg3[%add3A_22] : memref<320000xi32, #tpu.memory_space<hbm>> -> memref<80xi32, #tpu.memory_space<hbm>>
        %dma_start3A_71 = tpu.memref_slice %arg3[%add3A_22] : memref<320000xi32, #tpu.memory_space<hbm>> -> memref<80xi32, #tpu.memory_space<hbm>>
        tpu.enqueue_dma source(%dma_start3A_71 : memref<80xi32, #tpu.memory_space<hbm>>) target(%arg8 : memref<80xi32, #tpu.memory_space<vmem>>) target_semaphore(%run_scoped3A : memref<!tpu.dma_semaphore, #tpu.memory_space<semaphore_mem>>)
        %dma_wait3A_72 = tpu.memref_slice %arg3[%add3A_22] : memref<320000xi32, #tpu.memory_space<hbm>> -> memref<80xi32, #tpu.memory_space<hbm>>
        %dma_wait3A_73 = tpu.memref_slice %arg3[%add3A_22] : memref<320000xi32, #tpu.memory_space<hbm>> -> memref<80xi32, #tpu.memory_space<hbm>>
        tpu.wait_dma2 semaphore(%run_scoped3A : memref<!tpu.dma_semaphore, #tpu.memory_space<semaphore_mem>>) src(%dma_wait3A_73 : memref<80xi32, #tpu.memory_space<hbm>>) dst(%arg8 : memref<80xi32, #tpu.memory_space<vmem>>)
        tpu.yield
      }) : () -> ()
      "tpu.region"() ({
        %run_scoped3A = tpu.sem_alloc : memref<!tpu.dma_semaphore, #tpu.memory_space<semaphore_mem>>
        %dma_start3A_70 = tpu.memref_slice %arg4[%add3A_22] : memref<320000xi32, #tpu.memory_space<hbm>> -> memref<80xi32, #tpu.memory_space<hbm>>
        %dma_start3A_71 = tpu.memref_slice %arg4[%add3A_22] : memref<320000xi32, #tpu.memory_space<hbm>> -> memref<80xi32, #tpu.memory_space<hbm>>
        tpu.enqueue_dma source(%dma_start3A_71 : memref<80xi32, #tpu.memory_space<hbm>>) target(%arg9 : memref<80xi32, #tpu.memory_space<vmem>>) target_semaphore(%run_scoped3A : memref<!tpu.dma_semaphore, #tpu.memory_space<semaphore_mem>>)
        %dma_wait3A_72 = tpu.memref_slice %arg4[%add3A_22] : memref<320000xi32, #tpu.memory_space<hbm>> -> memref<80xi32, #tpu.memory_space<hbm>>
        %dma_wait3A_73 = tpu.memref_slice %arg4[%add3A_22] : memref<320000xi32, #tpu.memory_space<hbm>> -> memref<80xi32, #tpu.memory_space<hbm>>
        tpu.wait_dma2 semaphore(%run_scoped3A : memref<!tpu.dma_semaphore, #tpu.memory_space<semaphore_mem>>) src(%dma_wait3A_73 : memref<80xi32, #tpu.memory_space<hbm>>) dst(%arg9 : memref<80xi32, #tpu.memory_space<vmem>>)
        tpu.yield
      }) : () -> ()
      %get3A = arith.constant 0 : index
      %get3A_23 = tpu.vector_load %arg8[%get3A] {strides = array<i32>} : memref<80xi32, #tpu.memory_space<vmem>>, vector<16xi32>,
      %get3A_24 = vector.shape_cast %get3A_23 : vector<16xi32> to vector<16xi32>
      %add3A_25 = vector.broadcast %mul3A_8 : i32 to vector<16xi32>
      %add3A_26 = arith.addi %get3A_24, %add3A_25 : vector<16xi32>
      %swap3A = arith.constant 0 : index
      %swap3A_27 = tpu.vector_load %arg8[%swap3A] {strides = array<i32>} : memref<80xi32, #tpu.memory_space<vmem>>, vector<16xi32>,
      %swap3A_28 = vector.shape_cast %swap3A_27 : vector<16xi32> to vector<16xi32>
      %swap3A_29 = vector.shape_cast %add3A_26 : vector<16xi32> to vector<16xi32>
      tpu.vector_store %arg8[%swap3A], %swap3A_29 {strides = array<i32>} : memref<80xi32, #tpu.memory_space<vmem>>, vector<16xi32>,
      %get3A_30 = arith.constant 16 : index
      %get3A_31 = tpu.vector_load %arg8[%get3A_30] {strides = array<i32>} : memref<80xi32, #tpu.memory_space<vmem>>, vector<16xi32>,
      %get3A_32 = vector.shape_cast %get3A_31 : vector<16xi32> to vector<16xi32>
      %add3A_33 = vector.broadcast %mul3A_8 : i32 to vector<16xi32>
      %add3A_34 = arith.addi %get3A_32, %add3A_33 : vector<16xi32>
      %swap3A_35 = arith.constant 16 : index
      %swap3A_36 = tpu.vector_load %arg8[%swap3A_35] {strides = array<i32>} : memref<80xi32, #tpu.memory_space<vmem>>, vector<16xi32>,
      %swap3A_37 = vector.shape_cast %swap3A_36 : vector<16xi32> to vector<16xi32>
      %swap3A_38 = vector.shape_cast %add3A_34 : vector<16xi32> to vector<16xi32>
      tpu.vector_store %arg8[%swap3A_35], %swap3A_38 {strides = array<i32>} : memref<80xi32, #tpu.memory_space<vmem>>, vector<16xi32>,
      %get3A_39 = arith.constant 32 : index
      %get3A_40 = tpu.vector_load %arg8[%get3A_39] {strides = array<i32>} : memref<80xi32, #tpu.memory_space<vmem>>, vector<16xi32>,
      %get3A_41 = vector.shape_cast %get3A_40 : vector<16xi32> to vector<16xi32>
      %add3A_42 = vector.broadcast %mul3A_8 : i32 to vector<16xi32>
      %add3A_43 = arith.addi %get3A_41, %add3A_42 : vector<16xi32>
      %swap3A_44 = arith.constant 32 : index
      %swap3A_45 = tpu.vector_load %arg8[%swap3A_44] {strides = array<i32>} : memref<80xi32, #tpu.memory_space<vmem>>, vector<16xi32>,
      %swap3A_46 = vector.shape_cast %swap3A_45 : vector<16xi32> to vector<16xi32>
      %swap3A_47 = vector.shape_cast %add3A_43 : vector<16xi32> to vector<16xi32>
      tpu.vector_store %arg8[%swap3A_44], %swap3A_47 {strides = array<i32>} : memref<80xi32, #tpu.memory_space<vmem>>, vector<16xi32>,
      %get3A_48 = arith.constant 48 : index
      %get3A_49 = tpu.vector_load %arg8[%get3A_48] {strides = array<i32>} : memref<80xi32, #tpu.memory_space<vmem>>, vector<16xi32>,
      %get3A_50 = vector.shape_cast %get3A_49 : vector<16xi32> to vector<16xi32>
      %add3A_51 = vector.broadcast %mul3A_8 : i32 to vector<16xi32>
      %add3A_52 = arith.addi %get3A_50, %add3A_51 : vector<16xi32>
      %swap3A_53 = arith.constant 48 : index
      %swap3A_54 = tpu.vector_load %arg8[%swap3A_53] {strides = array<i32>} : memref<80xi32, #tpu.memory_space<vmem>>, vector<16xi32>,
      %swap3A_55 = vector.shape_cast %swap3A_54 : vector<16xi32> to vector<16xi32>
      %swap3A_56 = vector.shape_cast %add3A_52 : vector<16xi32> to vector<16xi32>
      tpu.vector_store %arg8[%swap3A_53], %swap3A_56 {strides = array<i32>} : memref<80xi32, #tpu.memory_space<vmem>>, vector<16xi32>,
      %get3A_57 = arith.constant 64 : index
      %get3A_58 = tpu.vector_load %arg8[%get3A_57] {strides = array<i32>} : memref<80xi32, #tpu.memory_space<vmem>>, vector<16xi32>,
      %get3A_59 = vector.shape_cast %get3A_58 : vector<16xi32> to vector<16xi32>
      %add3A_60 = vector.broadcast %mul3A_8 : i32 to vector<16xi32>
      %add3A_61 = arith.addi %get3A_59, %add3A_60 : vector<16xi32>
      %swap3A_62 = arith.constant 64 : index
      %swap3A_63 = tpu.vector_load %arg8[%swap3A_62] {strides = array<i32>} : memref<80xi32, #tpu.memory_space<vmem>>, vector<16xi32>,
      %swap3A_64 = vector.shape_cast %swap3A_63 : vector<16xi32> to vector<16xi32>
      %swap3A_65 = vector.shape_cast %add3A_61 : vector<16xi32> to vector<16xi32>
      tpu.vector_store %arg8[%swap3A_62], %swap3A_65 {strides = array<i32>} : memref<80xi32, #tpu.memory_space<vmem>>, vector<16xi32>,
      %dma_start3A = arith.constant 0 : i32
      %dma_start3A_66 = arith.constant 0 : i32
      %dma_start3A_67 = tpu.memref_slice %arg2[%dma_start3A, %dma_start3A_66] : memref<20000x128xf32, #tpu.memory_space<hbm>> -> memref<20000x128xf32, #tpu.memory_space<hbm>>
      tpu.enqueue_indirect_dma source(%dma_start3A_67 : memref<20000x128xf32, #tpu.memory_space<hbm>>) target(%arg10 : memref<80x128xf32, #tpu.memory_space<vmem>>) offsets(%arg8 : memref<80xi32, #tpu.memory_space<vmem>>) semaphore(%arg11 : memref<!tpu.dma_semaphore, #tpu.memory_space<semaphore_mem>>)
      %dma_wait3A = arith.constant 0 : i32
      %dma_wait3A_68 = arith.constant 0 : i32
      %dma_wait3A_69 = tpu.memref_slice %arg2[%dma_wait3A, %dma_wait3A_68] : memref<20000x128xf32, #tpu.memory_space<hbm>> -> memref<20000x128xf32, #tpu.memory_space<hbm>>
      tpu.wait_indirect_dma semaphore(%arg11 : memref<!tpu.dma_semaphore, #tpu.memory_space<semaphore_mem>>) src(%dma_wait3A_69 : memref<20000x128xf32, #tpu.memory_space<hbm>>) dst(%arg10 : memref<80x128xf32, #tpu.memory_space<vmem>>)
      "tpu.region"() ({
        %run_scoped3A = tpu.sem_alloc : memref<!tpu.dma_semaphore, #tpu.memory_space<semaphore_mem>>
        %dma_start3A_70 = arith.constant 0 : i32
        %dma_start3A_71 = arith.constant 0 : i32
        %dma_start3A_72 = tpu.memref_slice %arg7[%dma_start3A_70, %dma_start3A_71] : memref<10112x128xf32, #tpu.memory_space<vmem_shared>> -> memref<10112x128xf32, #tpu.memory_space<vmem_shared>>
        tpu.enqueue_indirect_dma source(%arg10 : memref<80x128xf32, #tpu.memory_space<vmem>>) target(%dma_start3A_72 : memref<10112x128xf32, #tpu.memory_space<vmem_shared>>) offsets(%arg9 : memref<80xi32, #tpu.memory_space<vmem>>) semaphore(%run_scoped3A : memref<!tpu.dma_semaphore, #tpu.memory_space<semaphore_mem>>) {add = true}
        %dma_wait3A_73 = arith.constant 0 : i32
        %dma_wait3A_74 = arith.constant 0 : i32
        %dma_wait3A_75 = tpu.memref_slice %arg7[%dma_wait3A_73, %dma_wait3A_74] : memref<10112x128xf32, #tpu.memory_space<vmem_shared>> -> memref<10112x128xf32, #tpu.memory_space<vmem_shared>>
        tpu.wait_indirect_dma semaphore(%run_scoped3A : memref<!tpu.dma_semaphore, #tpu.memory_space<semaphore_mem>>) src(%arg10 : memref<80x128xf32, #tpu.memory_space<vmem>>) dst(%dma_wait3A_75 : memref<10112x128xf32, #tpu.memory_space<vmem_shared>>)
        tpu.yield
      }) : () -> ()
    }
    %scan3A_13 = arith.constant 250 : i32
    %barrier3A_14 = arith.constant 0 : index
    tpu.barrier barrier_id(%barrier3A_14)
    %mul3A_15 = arith.constant 632 : i32
    %mul3A_16 = arith.muli %arg1, %mul3A_15 : i32
    %mul3A_17 = arith.constant 632 : i32
    %mul3A_18 = arith.muli %arg1, %mul3A_17 : i32
    %add3A = arith.addi %mul3A_4, %mul3A_18 : i32
    "tpu.region"() ({
      %run_scoped3A = tpu.sem_alloc : memref<!tpu.dma_semaphore, #tpu.memory_space<semaphore_mem>>
      %dma_start3A = arith.constant 0 : i32
      %dma_start3A_19 = tpu.memref_slice %arg6[%add3A, %dma_start3A] : memref<20224x128xf32, #tpu.memory_space<hbm>> -> memref<632x128xf32, #tpu.memory_space<hbm>>
      %dma_start3A_20 = arith.constant 0 : i32
      %dma_start3A_21 = tpu.memref_slice %arg7[%mul3A_16, %dma_start3A_20] : memref<10112x128xf32, #tpu.memory_space<vmem_shared>> -> memref<632x128xf32, #tpu.memory_space<vmem_shared>>
      tpu.enqueue_dma source(%dma_start3A_21 : memref<632x128xf32, #tpu.memory_space<vmem_shared>>) target(%dma_start3A_19 : memref<632x128xf32, #tpu.memory_space<hbm>>) target_semaphore(%run_scoped3A : memref<!tpu.dma_semaphore, #tpu.memory_space<semaphore_mem>>)
      %dma_wait3A = arith.constant 0 : i32
      %dma_wait3A_22 = tpu.memref_slice %arg6[%add3A, %dma_wait3A] : memref<20224x128xf32, #tpu.memory_space<hbm>> -> memref<632x128xf32, #tpu.memory_space<hbm>>
      %dma_wait3A_23 = arith.constant 0 : i32
      %dma_wait3A_24 = tpu.memref_slice %arg7[%mul3A_16, %dma_wait3A_23] : memref<10112x128xf32, #tpu.memory_space<vmem_shared>> -> memref<632x128xf32, #tpu.memory_space<vmem_shared>>
      tpu.wait_dma2 semaphore(%run_scoped3A : memref<!tpu.dma_semaphore, #tpu.memory_space<semaphore_mem>>) src(%dma_wait3A_24 : memref<632x128xf32, #tpu.memory_space<vmem_shared>>) dst(%dma_wait3A_22 : memref<632x128xf32, #tpu.memory_space<hbm>>)
      tpu.yield
    }) : () -> ()
    return
  }
}

module attributes {stable_mosaic.version = 14 : i64} {
  func.func @body(%arg0: i32, %arg1: memref<1000x256xf32, #tpu.memory_space<vmem>>, %arg2: memref<8x256xf32, #tpu.memory_space<vmem>>, %arg3: memref<1x256xf32, #tpu.memory_space<vmem>>, %arg4: memref<1x256xf32, #tpu.memory_space<vmem>>, %arg5: memref<1000x1xf32, #tpu.memory_space<vmem>>, %arg6: memref<2x1000x128xf32, #tpu.memory_space<vmem>>, %arg7: memref<64x256xf32, #tpu.memory_space<vmem>>) attributes {dimension_semantics = [#tpu.dimension_semantics<arbitrary>], iteration_bounds = array<i64: 10>, scalar_prefetch = 0 : i64, scratch_operands = 0 : i64, tpu.core_type = #tpu.core_type<tc>, window_params = [{transform_indices = @transform_0, window_bounds = array<i64: 1000, 256>}, {pipeline_mode = #tpu.pipeline_mode<synchronous>, transform_indices = @transform_1, window_bounds = array<i64: 8, 256>}, {pipeline_mode = #tpu.pipeline_mode<synchronous>, transform_indices = @transform_2, window_bounds = array<i64: 1, 256>}, {pipeline_mode = #tpu.pipeline_mode<synchronous>, transform_indices = @transform_3, window_bounds = array<i64: 1, 256>}, {transform_indices = @transform_4, window_bounds = array<i64: 1000, 1>}, {transform_indices = @transform_5, window_bounds = array<i64: 2, 1000, 128>}, {pipeline_mode = #tpu.pipeline_mode<synchronous>, transform_indices = @transform_6, window_bounds = array<i64: 64, 256>}]} {
    %get3A = arith.constant 0 : index
    %get3A_0 = arith.constant 0 : index
    %get3A_1 = vector.load %arg2[%get3A, %get3A_0] : memref<8x256xf32, #tpu.memory_space<vmem>>, vector<1x256xf32>
    %mul3A = arith.constant 9.99999974E-5 : f32
    %mul3A_2 = vector.broadcast %mul3A : f32 to vector<1x256xf32>
    %mul3A_3 = arith.mulf %get3A_1, %mul3A_2 : vector<1x256xf32>
    %get3A_4 = arith.constant 1 : index
    %get3A_5 = arith.constant 0 : index
    %get3A_6 = vector.load %arg2[%get3A_4, %get3A_5] : memref<8x256xf32, #tpu.memory_space<vmem>>, vector<1x256xf32>
    %mul3A_7 = arith.constant 9.99999974E-5 : f32
    %mul3A_8 = vector.broadcast %mul3A_7 : f32 to vector<1x256xf32>
    %mul3A_9 = arith.mulf %get3A_6, %mul3A_8 : vector<1x256xf32>
    %mul3A_10 = arith.mulf %mul3A_3, %mul3A_3 : vector<1x256xf32>
    %sub3A = arith.subf %mul3A_9, %mul3A_10 : vector<1x256xf32>
    %add3A = arith.constant 9.99999974E-6 : f32
    %add3A_11 = vector.broadcast %add3A : f32 to vector<1x256xf32>
    %add3A_12 = arith.addf %sub3A, %add3A_11 : vector<1x256xf32>
    %rsqrt3A = math.rsqrt %add3A_12 : vector<1x256xf32>
    %get3A_13 = arith.constant 0 : index
    %get3A_14 = arith.constant 0 : index
    %get3A_15 = vector.load %arg1[%get3A_13, %get3A_14] : memref<1000x256xf32, #tpu.memory_space<vmem>>, vector<1000x256xf32>
    %sub3A_16 = vector.broadcast %mul3A_3 : vector<1x256xf32> to vector<1000x256xf32>
    %sub3A_17 = arith.subf %get3A_15, %sub3A_16 : vector<1000x256xf32>
    %mul3A_18 = vector.broadcast %rsqrt3A : vector<1x256xf32> to vector<1000x256xf32>
    %mul3A_19 = arith.mulf %sub3A_17, %mul3A_18 : vector<1000x256xf32>
    %get3A_20 = arith.constant 0 : index
    %get3A_21 = arith.constant 0 : index
    %get3A_22 = vector.load %arg3[%get3A_20, %get3A_21] : memref<1x256xf32, #tpu.memory_space<vmem>>, vector<1x256xf32>
    %mul3A_23 = vector.broadcast %get3A_22 : vector<1x256xf32> to vector<1000x256xf32>
    %mul3A_24 = arith.mulf %mul3A_19, %mul3A_23 : vector<1000x256xf32>
    %get3A_25 = arith.constant 0 : index
    %get3A_26 = arith.constant 0 : index
    %get3A_27 = vector.load %arg4[%get3A_25, %get3A_26] : memref<1x256xf32, #tpu.memory_space<vmem>>, vector<1x256xf32>
    %add3A_28 = vector.broadcast %get3A_27 : vector<1x256xf32> to vector<1000x256xf32>
    %add3A_29 = arith.addf %mul3A_24, %add3A_28 : vector<1000x256xf32>
    %max3A = arith.constant 0.000000e+00 : f32
    %max3A_30 = vector.broadcast %max3A : f32 to vector<1000x256xf32>
    %max3A_31 = arith.maximumf %add3A_29, %max3A_30 : vector<1000x256xf32>
    %slice3A = vector.extract_strided_slice %max3A_31 {offsets = [0, 0], sizes = [1000, 128], strides = [1, 1]} : vector<1000x256xf32> to vector<1000x128xf32>
    %swap3A = arith.constant 0 : index
    %swap3A_32 = arith.constant 0 : index
    %swap3A_33 = arith.constant 0 : index
    %swap3A_34 = vector.load %arg6[%swap3A, %swap3A_32, %swap3A_33] : memref<2x1000x128xf32, #tpu.memory_space<vmem>>, vector<1x1000x128xf32>
    %swap3A_35 = vector.shape_cast %swap3A_34 : vector<1x1000x128xf32> to vector<1000x128xf32>
    %swap3A_36 = vector.shape_cast %slice3A : vector<1000x128xf32> to vector<1x1000x128xf32>
    tpu.vector_store %arg6[%swap3A, %swap3A_32, %swap3A_33], %swap3A_36 {strides = array<i32>} : memref<2x1000x128xf32, #tpu.memory_space<vmem>>, vector<1x1000x128xf32>,
    %slice3A_37 = vector.extract_strided_slice %max3A_31 {offsets = [0, 128], sizes = [1000, 128], strides = [1, 1]} : vector<1000x256xf32> to vector<1000x128xf32>
    %swap3A_38 = arith.constant 1 : index
    %swap3A_39 = arith.constant 0 : index
    %swap3A_40 = arith.constant 0 : index
    %swap3A_41 = vector.load %arg6[%swap3A_38, %swap3A_39, %swap3A_40] : memref<2x1000x128xf32, #tpu.memory_space<vmem>>, vector<1x1000x128xf32>
    %swap3A_42 = vector.shape_cast %swap3A_41 : vector<1x1000x128xf32> to vector<1000x128xf32>
    %swap3A_43 = vector.shape_cast %slice3A_37 : vector<1000x128xf32> to vector<1x1000x128xf32>
    tpu.vector_store %arg6[%swap3A_38, %swap3A_39, %swap3A_40], %swap3A_43 {strides = array<i32>} : memref<2x1000x128xf32, #tpu.memory_space<vmem>>, vector<1x1000x128xf32>,
    %iota3A = tpu.iota {dimensions = array<i32: 1>} : vector<1x64xi32>
    %convert_element_type3A = arith.sitofp %iota3A : vector<1x64xi32> to vector<1x64xf32>
    %get3A_44 = arith.constant 0 : index
    %get3A_45 = arith.constant 0 : index
    %get3A_46 = vector.load %arg5[%get3A_44, %get3A_45] : memref<1000x1xf32, #tpu.memory_space<vmem>>, vector<1000x1xf32>
    %eq3A = vector.broadcast %get3A_46 : vector<1000x1xf32> to vector<1000x64xf32>
    %eq3A_47 = vector.broadcast %convert_element_type3A : vector<1x64xf32> to vector<1000x64xf32>
    %eq3A_48 = arith.cmpf oeq, %eq3A, %eq3A_47 : vector<1000x64xf32>
    %jit3A = arith.constant 1.000000e+00 : f32
    %jit3A_49 = arith.constant 0.000000e+00 : f32
    %broadcast_in_dim3A = vector.broadcast %jit3A : f32 to vector<1000x64xf32>
    %broadcast_in_dim3A_50 = vector.broadcast %jit3A_49 : f32 to vector<1000x64xf32>
    %select_n3A = arith.select %eq3A_48, %broadcast_in_dim3A, %broadcast_in_dim3A_50 : vector<1000x64xi1>, vector<1000x64xf32>
    %dot_general3A = arith.constant dense<0.000000e+00> : vector<64x256xf32>
    %dot_general3A_51 = tpu.matmul %select_n3A, %max3A_31, %dot_general3A {dimension_numbers = #tpu.dot_dimension_numbers<[0], [0], [1], [1], [0, 1, 1, 1], [], []>, precision = #tpu.contract_precision<fp32>, transpose_lhs_hint = false} : vector<1000x64xf32>, vector<1000x256xf32>, vector<64x256xf32> -> vector<64x256xf32>
    %eq3A_52 = arith.constant 0 : i32
    %eq3A_53 = arith.cmpi eq, %arg0, %eq3A_52 : i32
    %convert_element_type3A_54 = arith.extui %eq3A_53 : i1 to i32
    %cond3A = arith.constant 0 : i32
    %cond3A_55 = arith.cmpi ne, %convert_element_type3A_54, %cond3A : i32
    scf.if %cond3A_55 {
      %swap3A_60 = arith.constant 0 : index
      %swap3A_61 = arith.constant 0 : index
      %swap3A_62 = vector.load %arg7[%swap3A_60, %swap3A_61] : memref<64x256xf32, #tpu.memory_space<vmem>>, vector<64x256xf32>
      tpu.vector_store %arg7[%swap3A_60, %swap3A_61], %dot_general3A_51 {strides = array<i32>} : memref<64x256xf32, #tpu.memory_space<vmem>>, vector<64x256xf32>,
    } else {
    }
    %gt3A = arith.constant 0 : i32
    %gt3A_56 = arith.cmpi sgt, %arg0, %gt3A : i32
    %convert_element_type3A_57 = arith.extui %gt3A_56 : i1 to i32
    %cond3A_58 = arith.constant 0 : i32
    %cond3A_59 = arith.cmpi ne, %convert_element_type3A_57, %cond3A_58 : i32
    scf.if %cond3A_59 {
      %get3A_60 = arith.constant 0 : index
      %get3A_61 = arith.constant 0 : index
      %get3A_62 = vector.load %arg7[%get3A_60, %get3A_61] : memref<64x256xf32, #tpu.memory_space<vmem>>, vector<64x256xf32>
      %add3A_63 = arith.addf %get3A_62, %dot_general3A_51 : vector<64x256xf32>
      %swap3A_64 = arith.constant 0 : index
      %swap3A_65 = arith.constant 0 : index
      %swap3A_66 = vector.load %arg7[%swap3A_64, %swap3A_65] : memref<64x256xf32, #tpu.memory_space<vmem>>, vector<64x256xf32>
      tpu.vector_store %arg7[%swap3A_64, %swap3A_65], %add3A_63 {strides = array<i32>} : memref<64x256xf32, #tpu.memory_space<vmem>>, vector<64x256xf32>,
    } else {
    }
    return
  }
  func.func @transform_0(%arg0: i32) -> (i32, i32) {
    %c0_i32 = arith.constant 0 : i32
    %c0_i32_0 = arith.constant 0 : i32
    return %arg0, %c0_i32 : i32, i32
  }
  func.func @transform_1(%arg0: i32) -> (i32, i32) {
    %c0_i32 = arith.constant 0 : i32
    %c0_i32_0 = arith.constant 0 : i32
    %c0_i32_1 = arith.constant 0 : i32
    return %c0_i32, %c0_i32_0 : i32, i32
  }
  func.func @transform_2(%arg0: i32) -> (i32, i32) {
    %c0_i32 = arith.constant 0 : i32
    %c0_i32_0 = arith.constant 0 : i32
    %c0_i32_1 = arith.constant 0 : i32
    return %c0_i32, %c0_i32_0 : i32, i32
  }
  func.func @transform_3(%arg0: i32) -> (i32, i32) {
    %c0_i32 = arith.constant 0 : i32
    %c0_i32_0 = arith.constant 0 : i32
    %c0_i32_1 = arith.constant 0 : i32
    return %c0_i32, %c0_i32_0 : i32, i32
  }
  func.func @transform_4(%arg0: i32) -> (i32, i32) {
    %c0_i32 = arith.constant 0 : i32
    %c0_i32_0 = arith.constant 0 : i32
    return %arg0, %c0_i32 : i32, i32
  }
  func.func @transform_5(%arg0: i32) -> (i32, i32, i32) {
    %c0_i32 = arith.constant 0 : i32
    %c0_i32_0 = arith.constant 0 : i32
    %c0_i32_1 = arith.constant 0 : i32
    return %c0_i32, %arg0, %c0_i32_0 : i32, i32, i32
  }
  func.func @transform_6(%arg0: i32) -> (i32, i32) {
    %c0_i32 = arith.constant 0 : i32
    %c0_i32_0 = arith.constant 0 : i32
    %c0_i32_1 = arith.constant 0 : i32
    return %c0_i32, %c0_i32_0 : i32, i32
  }
}

module attributes {stable_mosaic.version = 14 : i64} {
  func.func @body(%arg0: i32, %arg1: memref<1x1000x128xf32, #tpu.memory_space<vmem>>, %arg2: memref<2x1000x128xf32, #tpu.memory_space<vmem>>, %arg3: memref<128x256xf32, #tpu.memory_space<vmem>>, %arg4: memref<1x256xf32, #tpu.memory_space<vmem>>, %arg5: memref<256x256xf32, #tpu.memory_space<vmem>>, %arg6: memref<1x256xf32, #tpu.memory_space<vmem>>, %arg7: memref<1000x256xf32, #tpu.memory_space<vmem>>, %arg8: memref<8x256xf32, #tpu.memory_space<vmem>>) attributes {dimension_semantics = [#tpu.dimension_semantics<arbitrary>], iteration_bounds = array<i64: 10>, scalar_prefetch = 0 : i64, scratch_operands = 0 : i64, tpu.core_type = #tpu.core_type<tc>, window_params = [{transform_indices = @transform_0, window_bounds = array<i64: 1, 1000, 128>}, {transform_indices = @transform_1, window_bounds = array<i64: 2, 1000, 128>}, {pipeline_mode = #tpu.pipeline_mode<synchronous>, transform_indices = @transform_2, window_bounds = array<i64: 128, 256>}, {pipeline_mode = #tpu.pipeline_mode<synchronous>, transform_indices = @transform_3, window_bounds = array<i64: 1, 256>}, {pipeline_mode = #tpu.pipeline_mode<synchronous>, transform_indices = @transform_4, window_bounds = array<i64: 256, 256>}, {pipeline_mode = #tpu.pipeline_mode<synchronous>, transform_indices = @transform_5, window_bounds = array<i64: 1, 256>}, {transform_indices = @transform_6, window_bounds = array<i64: 1000, 256>}, {pipeline_mode = #tpu.pipeline_mode<synchronous>, transform_indices = @transform_7, window_bounds = array<i64: 8, 256>}]} {
    %get3A = arith.constant 0 : index
    %get3A_0 = arith.constant 0 : index
    %get3A_1 = arith.constant 0 : index
    %get3A_2 = vector.load %arg1[%get3A, %get3A_0, %get3A_1] : memref<1x1000x128xf32, #tpu.memory_space<vmem>>, vector<1x1000x128xf32>
    %get3A_3 = vector.shape_cast %get3A_2 : vector<1x1000x128xf32> to vector<1000x128xf32>
    %get3A_4 = arith.constant 0 : index
    %get3A_5 = arith.constant 0 : index
    %get3A_6 = arith.constant 0 : index
    %get3A_7 = vector.load %arg2[%get3A_4, %get3A_5, %get3A_6] : memref<2x1000x128xf32, #tpu.memory_space<vmem>>, vector<1x1000x128xf32>
    %get3A_8 = vector.shape_cast %get3A_7 : vector<1x1000x128xf32> to vector<1000x128xf32>
    %get3A_9 = arith.constant 1 : index
    %get3A_10 = arith.constant 0 : index
    %get3A_11 = arith.constant 0 : index
    %get3A_12 = vector.load %arg2[%get3A_9, %get3A_10, %get3A_11] : memref<2x1000x128xf32, #tpu.memory_space<vmem>>, vector<1x1000x128xf32>
    %get3A_13 = vector.shape_cast %get3A_12 : vector<1x1000x128xf32> to vector<1000x128xf32>
    %add3A = arith.addf %get3A_8, %get3A_13 : vector<1000x128xf32>
    %add3A_14 = arith.addf %get3A_3, %add3A : vector<1000x128xf32>
    %get3A_15 = arith.constant 0 : index
    %get3A_16 = arith.constant 0 : index
    %get3A_17 = vector.load %arg3[%get3A_15, %get3A_16] : memref<128x256xf32, #tpu.memory_space<vmem>>, vector<128x256xf32>
    %dot_general3A = arith.constant dense<0.000000e+00> : vector<1000x256xf32>
    %dot_general3A_18 = tpu.matmul %add3A_14, %get3A_17, %dot_general3A {dimension_numbers = #tpu.dot_dimension_numbers<[1], [0], [0], [1], [0, 0, 1, 1], [], []>, precision = #tpu.contract_precision<fp32>, transpose_lhs_hint = false} : vector<1000x128xf32>, vector<128x256xf32>, vector<1000x256xf32> -> vector<1000x256xf32>
    %get3A_19 = arith.constant 0 : index
    %get3A_20 = arith.constant 0 : index
    %get3A_21 = vector.load %arg4[%get3A_19, %get3A_20] : memref<1x256xf32, #tpu.memory_space<vmem>>, vector<1x256xf32>
    %add3A_22 = vector.broadcast %get3A_21 : vector<1x256xf32> to vector<1000x256xf32>
    %add3A_23 = arith.addf %dot_general3A_18, %add3A_22 : vector<1000x256xf32>
    %max3A = arith.constant 0.000000e+00 : f32
    %max3A_24 = vector.broadcast %max3A : f32 to vector<1000x256xf32>
    %max3A_25 = arith.maximumf %add3A_23, %max3A_24 : vector<1000x256xf32>
    %get3A_26 = arith.constant 0 : index
    %get3A_27 = arith.constant 0 : index
    %get3A_28 = vector.load %arg5[%get3A_26, %get3A_27] : memref<256x256xf32, #tpu.memory_space<vmem>>, vector<256x256xf32>
    %dot_general3A_29 = arith.constant dense<0.000000e+00> : vector<1000x256xf32>
    %dot_general3A_30 = tpu.matmul %max3A_25, %get3A_28, %dot_general3A_29 {dimension_numbers = #tpu.dot_dimension_numbers<[1], [0], [0], [1], [0, 0, 1, 1], [], []>, precision = #tpu.contract_precision<fp32>, transpose_lhs_hint = false} : vector<1000x256xf32>, vector<256x256xf32>, vector<1000x256xf32> -> vector<1000x256xf32>
    %get3A_31 = arith.constant 0 : index
    %get3A_32 = arith.constant 0 : index
    %get3A_33 = vector.load %arg6[%get3A_31, %get3A_32] : memref<1x256xf32, #tpu.memory_space<vmem>>, vector<1x256xf32>
    %add3A_34 = vector.broadcast %get3A_33 : vector<1x256xf32> to vector<1000x256xf32>
    %add3A_35 = arith.addf %dot_general3A_30, %add3A_34 : vector<1000x256xf32>
    %swap3A = arith.constant 0 : index
    %swap3A_36 = arith.constant 0 : index
    %swap3A_37 = vector.load %arg7[%swap3A, %swap3A_36] : memref<1000x256xf32, #tpu.memory_space<vmem>>, vector<1000x256xf32>
    tpu.vector_store %arg7[%swap3A, %swap3A_36], %add3A_35 {strides = array<i32>} : memref<1000x256xf32, #tpu.memory_space<vmem>>, vector<1000x256xf32>,
    %reduce_sum3A = arith.constant dense<0.000000e+00> : vector<256xf32>
    %reduce_sum3A_38 = vector.multi_reduction <add>, %add3A_35, %reduce_sum3A [0] : vector<1000x256xf32> to vector<256xf32>
    %broadcast_in_dim3A = vector.shape_cast %reduce_sum3A_38 : vector<256xf32> to vector<1x256xf32>
    %mul3A = arith.mulf %add3A_35, %add3A_35 : vector<1000x256xf32>
    %reduce_sum3A_39 = arith.constant dense<0.000000e+00> : vector<256xf32>
    %reduce_sum3A_40 = vector.multi_reduction <add>, %mul3A, %reduce_sum3A_39 [0] : vector<1000x256xf32> to vector<256xf32>
    %broadcast_in_dim3A_41 = vector.shape_cast %reduce_sum3A_40 : vector<256xf32> to vector<1x256xf32>
    %broadcast_in_dim3A_42 = arith.constant 0.000000e+00 : f32
    %broadcast_in_dim3A_43 = vector.broadcast %broadcast_in_dim3A_42 : f32 to vector<6x256xf32>
    %concatenate3A = tpu.concatenate %broadcast_in_dim3A, %broadcast_in_dim3A_41, %broadcast_in_dim3A_43 in 0 : vector<1x256xf32>, vector<1x256xf32>, vector<6x256xf32> -> vector<8x256xf32>
    %eq3A = arith.constant 0 : i32
    %eq3A_44 = arith.cmpi eq, %arg0, %eq3A : i32
    %convert_element_type3A = arith.extui %eq3A_44 : i1 to i32
    %cond3A = arith.constant 0 : i32
    %cond3A_45 = arith.cmpi ne, %convert_element_type3A, %cond3A : i32
    scf.if %cond3A_45 {
      %swap3A_50 = arith.constant 0 : index
      %swap3A_51 = arith.constant 0 : index
      %swap3A_52 = vector.load %arg8[%swap3A_50, %swap3A_51] : memref<8x256xf32, #tpu.memory_space<vmem>>, vector<8x256xf32>
      tpu.vector_store %arg8[%swap3A_50, %swap3A_51], %concatenate3A {strides = array<i32>} : memref<8x256xf32, #tpu.memory_space<vmem>>, vector<8x256xf32>,
    } else {
    }
    %gt3A = arith.constant 0 : i32
    %gt3A_46 = arith.cmpi sgt, %arg0, %gt3A : i32
    %convert_element_type3A_47 = arith.extui %gt3A_46 : i1 to i32
    %cond3A_48 = arith.constant 0 : i32
    %cond3A_49 = arith.cmpi ne, %convert_element_type3A_47, %cond3A_48 : i32
    scf.if %cond3A_49 {
      %get3A_50 = arith.constant 0 : index
      %get3A_51 = arith.constant 0 : index
      %get3A_52 = vector.load %arg8[%get3A_50, %get3A_51] : memref<8x256xf32, #tpu.memory_space<vmem>>, vector<8x256xf32>
      %add3A_53 = arith.addf %get3A_52, %concatenate3A : vector<8x256xf32>
      %swap3A_54 = arith.constant 0 : index
      %swap3A_55 = arith.constant 0 : index
      %swap3A_56 = vector.load %arg8[%swap3A_54, %swap3A_55] : memref<8x256xf32, #tpu.memory_space<vmem>>, vector<8x256xf32>
      tpu.vector_store %arg8[%swap3A_54, %swap3A_55], %add3A_53 {strides = array<i32>} : memref<8x256xf32, #tpu.memory_space<vmem>>, vector<8x256xf32>,
    } else {
    }
    return
  }
  func.func @transform_0(%arg0: i32) -> (i32, i32, i32) {
    %c0_i32 = arith.constant 0 : i32
    %c0_i32_0 = arith.constant 0 : i32
    %c0_i32_1 = arith.constant 0 : i32
    return %c0_i32, %arg0, %c0_i32_0 : i32, i32, i32
  }
  func.func @transform_1(%arg0: i32) -> (i32, i32, i32) {
    %c0_i32 = arith.constant 0 : i32
    %c0_i32_0 = arith.constant 0 : i32
    %c0_i32_1 = arith.constant 0 : i32
    return %c0_i32, %arg0, %c0_i32_0 : i32, i32, i32
  }
  func.func @transform_2(%arg0: i32) -> (i32, i32) {
    %c0_i32 = arith.constant 0 : i32
    %c0_i32_0 = arith.constant 0 : i32
    %c0_i32_1 = arith.constant 0 : i32
    return %c0_i32, %c0_i32_0 : i32, i32
  }
  func.func @transform_3(%arg0: i32) -> (i32, i32) {
    %c0_i32 = arith.constant 0 : i32
    %c0_i32_0 = arith.constant 0 : i32
    %c0_i32_1 = arith.constant 0 : i32
    return %c0_i32, %c0_i32_0 : i32, i32
  }
  func.func @transform_4(%arg0: i32) -> (i32, i32) {
    %c0_i32 = arith.constant 0 : i32
    %c0_i32_0 = arith.constant 0 : i32
    %c0_i32_1 = arith.constant 0 : i32
    return %c0_i32, %c0_i32_0 : i32, i32
  }
  func.func @transform_5(%arg0: i32) -> (i32, i32) {
    %c0_i32 = arith.constant 0 : i32
    %c0_i32_0 = arith.constant 0 : i32
    %c0_i32_1 = arith.constant 0 : i32
    return %c0_i32, %c0_i32_0 : i32, i32
  }
  func.func @transform_6(%arg0: i32) -> (i32, i32) {
    %c0_i32 = arith.constant 0 : i32
    %c0_i32_0 = arith.constant 0 : i32
    return %arg0, %c0_i32 : i32, i32
  }
  func.func @transform_7(%arg0: i32) -> (i32, i32) {
    %c0_i32 = arith.constant 0 : i32
    %c0_i32_0 = arith.constant 0 : i32
    %c0_i32_1 = arith.constant 0 : i32
    return %c0_i32, %c0_i32_0 : i32, i32
  }
}

module attributes {stable_mosaic.version = 14 : i64} {
  func.func @body(%arg0: i32, %arg1: memref<2x1000x128xf32, #tpu.memory_space<vmem>>, %arg2: memref<2x1000x128xf32, #tpu.memory_space<vmem>>, %arg3: memref<256x256xf32, #tpu.memory_space<vmem>>, %arg4: memref<1x256xf32, #tpu.memory_space<vmem>>, %arg5: memref<256x256xf32, #tpu.memory_space<vmem>>, %arg6: memref<1x256xf32, #tpu.memory_space<vmem>>, %arg7: memref<1000x256xf32, #tpu.memory_space<vmem>>, %arg8: memref<8x256xf32, #tpu.memory_space<vmem>>) attributes {dimension_semantics = [#tpu.dimension_semantics<arbitrary>], iteration_bounds = array<i64: 10>, scalar_prefetch = 0 : i64, scratch_operands = 0 : i64, tpu.core_type = #tpu.core_type<tc>, window_params = [{transform_indices = @transform_0, window_bounds = array<i64: 2, 1000, 128>}, {transform_indices = @transform_1, window_bounds = array<i64: 2, 1000, 128>}, {pipeline_mode = #tpu.pipeline_mode<synchronous>, transform_indices = @transform_2, window_bounds = array<i64: 256, 256>}, {pipeline_mode = #tpu.pipeline_mode<synchronous>, transform_indices = @transform_3, window_bounds = array<i64: 1, 256>}, {pipeline_mode = #tpu.pipeline_mode<synchronous>, transform_indices = @transform_4, window_bounds = array<i64: 256, 256>}, {pipeline_mode = #tpu.pipeline_mode<synchronous>, transform_indices = @transform_5, window_bounds = array<i64: 1, 256>}, {transform_indices = @transform_6, window_bounds = array<i64: 1000, 256>}, {pipeline_mode = #tpu.pipeline_mode<synchronous>, transform_indices = @transform_7, window_bounds = array<i64: 8, 256>}]} {
    %get3A = arith.constant 0 : index
    %get3A_0 = arith.constant 0 : index
    %get3A_1 = arith.constant 0 : index
    %get3A_2 = vector.load %arg1[%get3A, %get3A_0, %get3A_1] : memref<2x1000x128xf32, #tpu.memory_space<vmem>>, vector<1x1000x128xf32>
    %get3A_3 = vector.shape_cast %get3A_2 : vector<1x1000x128xf32> to vector<1000x128xf32>
    %get3A_4 = arith.constant 1 : index
    %get3A_5 = arith.constant 0 : index
    %get3A_6 = arith.constant 0 : index
    %get3A_7 = vector.load %arg1[%get3A_4, %get3A_5, %get3A_6] : memref<2x1000x128xf32, #tpu.memory_space<vmem>>, vector<1x1000x128xf32>
    %get3A_8 = vector.shape_cast %get3A_7 : vector<1x1000x128xf32> to vector<1000x128xf32>
    %concatenate3A = tpu.concatenate %get3A_3, %get3A_8 in 1 : vector<1000x128xf32>, vector<1000x128xf32> -> vector<1000x256xf32>
    %get3A_9 = arith.constant 0 : index
    %get3A_10 = arith.constant 0 : index
    %get3A_11 = arith.constant 0 : index
    %get3A_12 = vector.load %arg2[%get3A_9, %get3A_10, %get3A_11] : memref<2x1000x128xf32, #tpu.memory_space<vmem>>, vector<1x1000x128xf32>
    %get3A_13 = vector.shape_cast %get3A_12 : vector<1x1000x128xf32> to vector<1000x128xf32>
    %get3A_14 = arith.constant 1 : index
    %get3A_15 = arith.constant 0 : index
    %get3A_16 = arith.constant 0 : index
    %get3A_17 = vector.load %arg2[%get3A_14, %get3A_15, %get3A_16] : memref<2x1000x128xf32, #tpu.memory_space<vmem>>, vector<1x1000x128xf32>
    %get3A_18 = vector.shape_cast %get3A_17 : vector<1x1000x128xf32> to vector<1000x128xf32>
    %concatenate3A_19 = tpu.concatenate %get3A_13, %get3A_18 in 1 : vector<1000x128xf32>, vector<1000x128xf32> -> vector<1000x256xf32>
    %add3A = arith.addf %concatenate3A, %concatenate3A_19 : vector<1000x256xf32>
    %get3A_20 = arith.constant 0 : index
    %get3A_21 = arith.constant 0 : index
    %get3A_22 = vector.load %arg3[%get3A_20, %get3A_21] : memref<256x256xf32, #tpu.memory_space<vmem>>, vector<256x256xf32>
    %dot_general3A = arith.constant dense<0.000000e+00> : vector<1000x256xf32>
    %dot_general3A_23 = tpu.matmul %add3A, %get3A_22, %dot_general3A {dimension_numbers = #tpu.dot_dimension_numbers<[1], [0], [0], [1], [0, 0, 1, 1], [], []>, precision = #tpu.contract_precision<fp32>, transpose_lhs_hint = false} : vector<1000x256xf32>, vector<256x256xf32>, vector<1000x256xf32> -> vector<1000x256xf32>
    %get3A_24 = arith.constant 0 : index
    %get3A_25 = arith.constant 0 : index
    %get3A_26 = vector.load %arg4[%get3A_24, %get3A_25] : memref<1x256xf32, #tpu.memory_space<vmem>>, vector<1x256xf32>
    %add3A_27 = vector.broadcast %get3A_26 : vector<1x256xf32> to vector<1000x256xf32>
    %add3A_28 = arith.addf %dot_general3A_23, %add3A_27 : vector<1000x256xf32>
    %max3A = arith.constant 0.000000e+00 : f32
    %max3A_29 = vector.broadcast %max3A : f32 to vector<1000x256xf32>
    %max3A_30 = arith.maximumf %add3A_28, %max3A_29 : vector<1000x256xf32>
    %get3A_31 = arith.constant 0 : index
    %get3A_32 = arith.constant 0 : index
    %get3A_33 = vector.load %arg5[%get3A_31, %get3A_32] : memref<256x256xf32, #tpu.memory_space<vmem>>, vector<256x256xf32>
    %dot_general3A_34 = arith.constant dense<0.000000e+00> : vector<1000x256xf32>
    %dot_general3A_35 = tpu.matmul %max3A_30, %get3A_33, %dot_general3A_34 {dimension_numbers = #tpu.dot_dimension_numbers<[1], [0], [0], [1], [0, 0, 1, 1], [], []>, precision = #tpu.contract_precision<fp32>, transpose_lhs_hint = false} : vector<1000x256xf32>, vector<256x256xf32>, vector<1000x256xf32> -> vector<1000x256xf32>
    %get3A_36 = arith.constant 0 : index
    %get3A_37 = arith.constant 0 : index
    %get3A_38 = vector.load %arg6[%get3A_36, %get3A_37] : memref<1x256xf32, #tpu.memory_space<vmem>>, vector<1x256xf32>
    %add3A_39 = vector.broadcast %get3A_38 : vector<1x256xf32> to vector<1000x256xf32>
    %add3A_40 = arith.addf %dot_general3A_35, %add3A_39 : vector<1000x256xf32>
    %swap3A = arith.constant 0 : index
    %swap3A_41 = arith.constant 0 : index
    %swap3A_42 = vector.load %arg7[%swap3A, %swap3A_41] : memref<1000x256xf32, #tpu.memory_space<vmem>>, vector<1000x256xf32>
    tpu.vector_store %arg7[%swap3A, %swap3A_41], %add3A_40 {strides = array<i32>} : memref<1000x256xf32, #tpu.memory_space<vmem>>, vector<1000x256xf32>,
    %reduce_sum3A = arith.constant dense<0.000000e+00> : vector<256xf32>
    %reduce_sum3A_43 = vector.multi_reduction <add>, %add3A_40, %reduce_sum3A [0] : vector<1000x256xf32> to vector<256xf32>
    %broadcast_in_dim3A = vector.shape_cast %reduce_sum3A_43 : vector<256xf32> to vector<1x256xf32>
    %mul3A = arith.mulf %add3A_40, %add3A_40 : vector<1000x256xf32>
    %reduce_sum3A_44 = arith.constant dense<0.000000e+00> : vector<256xf32>
    %reduce_sum3A_45 = vector.multi_reduction <add>, %mul3A, %reduce_sum3A_44 [0] : vector<1000x256xf32> to vector<256xf32>
    %broadcast_in_dim3A_46 = vector.shape_cast %reduce_sum3A_45 : vector<256xf32> to vector<1x256xf32>
    %broadcast_in_dim3A_47 = arith.constant 0.000000e+00 : f32
    %broadcast_in_dim3A_48 = vector.broadcast %broadcast_in_dim3A_47 : f32 to vector<6x256xf32>
    %concatenate3A_49 = tpu.concatenate %broadcast_in_dim3A, %broadcast_in_dim3A_46, %broadcast_in_dim3A_48 in 0 : vector<1x256xf32>, vector<1x256xf32>, vector<6x256xf32> -> vector<8x256xf32>
    %eq3A = arith.constant 0 : i32
    %eq3A_50 = arith.cmpi eq, %arg0, %eq3A : i32
    %convert_element_type3A = arith.extui %eq3A_50 : i1 to i32
    %cond3A = arith.constant 0 : i32
    %cond3A_51 = arith.cmpi ne, %convert_element_type3A, %cond3A : i32
    scf.if %cond3A_51 {
      %swap3A_56 = arith.constant 0 : index
      %swap3A_57 = arith.constant 0 : index
      %swap3A_58 = vector.load %arg8[%swap3A_56, %swap3A_57] : memref<8x256xf32, #tpu.memory_space<vmem>>, vector<8x256xf32>
      tpu.vector_store %arg8[%swap3A_56, %swap3A_57], %concatenate3A_49 {strides = array<i32>} : memref<8x256xf32, #tpu.memory_space<vmem>>, vector<8x256xf32>,
    } else {
    }
    %gt3A = arith.constant 0 : i32
    %gt3A_52 = arith.cmpi sgt, %arg0, %gt3A : i32
    %convert_element_type3A_53 = arith.extui %gt3A_52 : i1 to i32
    %cond3A_54 = arith.constant 0 : i32
    %cond3A_55 = arith.cmpi ne, %convert_element_type3A_53, %cond3A_54 : i32
    scf.if %cond3A_55 {
      %get3A_56 = arith.constant 0 : index
      %get3A_57 = arith.constant 0 : index
      %get3A_58 = vector.load %arg8[%get3A_56, %get3A_57] : memref<8x256xf32, #tpu.memory_space<vmem>>, vector<8x256xf32>
      %add3A_59 = arith.addf %get3A_58, %concatenate3A_49 : vector<8x256xf32>
      %swap3A_60 = arith.constant 0 : index
      %swap3A_61 = arith.constant 0 : index
      %swap3A_62 = vector.load %arg8[%swap3A_60, %swap3A_61] : memref<8x256xf32, #tpu.memory_space<vmem>>, vector<8x256xf32>
      tpu.vector_store %arg8[%swap3A_60, %swap3A_61], %add3A_59 {strides = array<i32>} : memref<8x256xf32, #tpu.memory_space<vmem>>, vector<8x256xf32>,
    } else {
    }
    return
  }
  func.func @transform_0(%arg0: i32) -> (i32, i32, i32) {
    %c0_i32 = arith.constant 0 : i32
    %c0_i32_0 = arith.constant 0 : i32
    %c0_i32_1 = arith.constant 0 : i32
    return %c0_i32, %arg0, %c0_i32_0 : i32, i32, i32
  }
  func.func @transform_1(%arg0: i32) -> (i32, i32, i32) {
    %c0_i32 = arith.constant 0 : i32
    %c0_i32_0 = arith.constant 0 : i32
    %c0_i32_1 = arith.constant 0 : i32
    return %c0_i32, %arg0, %c0_i32_0 : i32, i32, i32
  }
  func.func @transform_2(%arg0: i32) -> (i32, i32) {
    %c0_i32 = arith.constant 0 : i32
    %c0_i32_0 = arith.constant 0 : i32
    %c0_i32_1 = arith.constant 0 : i32
    return %c0_i32, %c0_i32_0 : i32, i32
  }
  func.func @transform_3(%arg0: i32) -> (i32, i32) {
    %c0_i32 = arith.constant 0 : i32
    %c0_i32_0 = arith.constant 0 : i32
    %c0_i32_1 = arith.constant 0 : i32
    return %c0_i32, %c0_i32_0 : i32, i32
  }
  func.func @transform_4(%arg0: i32) -> (i32, i32) {
    %c0_i32 = arith.constant 0 : i32
    %c0_i32_0 = arith.constant 0 : i32
    %c0_i32_1 = arith.constant 0 : i32
    return %c0_i32, %c0_i32_0 : i32, i32
  }
  func.func @transform_5(%arg0: i32) -> (i32, i32) {
    %c0_i32 = arith.constant 0 : i32
    %c0_i32_0 = arith.constant 0 : i32
    %c0_i32_1 = arith.constant 0 : i32
    return %c0_i32, %c0_i32_0 : i32, i32
  }
  func.func @transform_6(%arg0: i32) -> (i32, i32) {
    %c0_i32 = arith.constant 0 : i32
    %c0_i32_0 = arith.constant 0 : i32
    return %arg0, %c0_i32 : i32, i32
  }
  func.func @transform_7(%arg0: i32) -> (i32, i32) {
    %c0_i32 = arith.constant 0 : i32
    %c0_i32_0 = arith.constant 0 : i32
    %c0_i32_1 = arith.constant 0 : i32
    return %c0_i32, %c0_i32_0 : i32, i32
  }
}

module attributes {stable_mosaic.version = 14 : i64} {
  func.func @body(%arg0: i32, %arg1: memref<1000x128xf32, #tpu.memory_space<vmem>>, %arg2: memref<1000x1xf32, #tpu.memory_space<vmem>>, %arg3: memref<64x128xf32, #tpu.memory_space<vmem>>, %arg4: memref<64x8xf32, #tpu.memory_space<vmem>>) attributes {dimension_semantics = [#tpu.dimension_semantics<arbitrary>], iteration_bounds = array<i64: 10>, scalar_prefetch = 0 : i64, scratch_operands = 0 : i64, tpu.core_type = #tpu.core_type<tc>, window_params = [{transform_indices = @transform_0, window_bounds = array<i64: 1000, 128>}, {transform_indices = @transform_1, window_bounds = array<i64: 1000, 1>}, {pipeline_mode = #tpu.pipeline_mode<synchronous>, transform_indices = @transform_2, window_bounds = array<i64: 64, 128>}, {pipeline_mode = #tpu.pipeline_mode<synchronous>, transform_indices = @transform_3, window_bounds = array<i64: 64, 8>}]} {
    %iota3A = tpu.iota {dimensions = array<i32: 1>} : vector<1x64xi32>
    %convert_element_type3A = arith.sitofp %iota3A : vector<1x64xi32> to vector<1x64xf32>
    %get3A = arith.constant 0 : index
    %get3A_0 = arith.constant 0 : index
    %get3A_1 = vector.load %arg2[%get3A, %get3A_0] : memref<1000x1xf32, #tpu.memory_space<vmem>>, vector<1000x1xf32>
    %eq3A = vector.broadcast %get3A_1 : vector<1000x1xf32> to vector<1000x64xf32>
    %eq3A_2 = vector.broadcast %convert_element_type3A : vector<1x64xf32> to vector<1000x64xf32>
    %eq3A_3 = arith.cmpf oeq, %eq3A, %eq3A_2 : vector<1000x64xf32>
    %jit3A = arith.constant 1.000000e+00 : f32
    %jit3A_4 = arith.constant 0.000000e+00 : f32
    %broadcast_in_dim3A = vector.broadcast %jit3A : f32 to vector<1000x64xf32>
    %broadcast_in_dim3A_5 = vector.broadcast %jit3A_4 : f32 to vector<1000x64xf32>
    %select_n3A = arith.select %eq3A_3, %broadcast_in_dim3A, %broadcast_in_dim3A_5 : vector<1000x64xi1>, vector<1000x64xf32>
    %get3A_6 = arith.constant 0 : index
    %get3A_7 = arith.constant 0 : index
    %get3A_8 = vector.load %arg1[%get3A_6, %get3A_7] : memref<1000x128xf32, #tpu.memory_space<vmem>>, vector<1000x128xf32>
    %dot_general3A = arith.constant dense<0.000000e+00> : vector<64x128xf32>
    %dot_general3A_9 = tpu.matmul %select_n3A, %get3A_8, %dot_general3A {dimension_numbers = #tpu.dot_dimension_numbers<[0], [0], [1], [1], [0, 1, 1, 1], [], []>, precision = #tpu.contract_precision<fp32>, transpose_lhs_hint = false} : vector<1000x64xf32>, vector<1000x128xf32>, vector<64x128xf32> -> vector<64x128xf32>
    %broadcast_in_dim3A_10 = arith.constant 1.000000e+00 : f32
    %broadcast_in_dim3A_11 = vector.broadcast %broadcast_in_dim3A_10 : f32 to vector<1000x8xf32>
    %dot_general3A_12 = arith.constant dense<0.000000e+00> : vector<64x8xf32>
    %dot_general3A_13 = tpu.matmul %select_n3A, %broadcast_in_dim3A_11, %dot_general3A_12 {dimension_numbers = #tpu.dot_dimension_numbers<[0], [0], [1], [1], [0, 1, 1, 1], [], []>, precision = #tpu.contract_precision<fp32>, transpose_lhs_hint = false} : vector<1000x64xf32>, vector<1000x8xf32>, vector<64x8xf32> -> vector<64x8xf32>
    %eq3A_14 = arith.constant 0 : i32
    %eq3A_15 = arith.cmpi eq, %arg0, %eq3A_14 : i32
    %convert_element_type3A_16 = arith.extui %eq3A_15 : i1 to i32
    %cond3A = arith.constant 0 : i32
    %cond3A_17 = arith.cmpi ne, %convert_element_type3A_16, %cond3A : i32
    scf.if %cond3A_17 {
      %swap3A = arith.constant 0 : index
      %swap3A_22 = arith.constant 0 : index
      %swap3A_23 = vector.load %arg3[%swap3A, %swap3A_22] : memref<64x128xf32, #tpu.memory_space<vmem>>, vector<64x128xf32>
      tpu.vector_store %arg3[%swap3A, %swap3A_22], %dot_general3A_9 {strides = array<i32>} : memref<64x128xf32, #tpu.memory_space<vmem>>, vector<64x128xf32>,
      %swap3A_24 = arith.constant 0 : index
      %swap3A_25 = arith.constant 0 : index
      %swap3A_26 = vector.load %arg4[%swap3A_24, %swap3A_25] : memref<64x8xf32, #tpu.memory_space<vmem>>, vector<64x8xf32>
      tpu.vector_store %arg4[%swap3A_24, %swap3A_25], %dot_general3A_13 {strides = array<i32>} : memref<64x8xf32, #tpu.memory_space<vmem>>, vector<64x8xf32>,
    } else {
    }
    %gt3A = arith.constant 0 : i32
    %gt3A_18 = arith.cmpi sgt, %arg0, %gt3A : i32
    %convert_element_type3A_19 = arith.extui %gt3A_18 : i1 to i32
    %cond3A_20 = arith.constant 0 : i32
    %cond3A_21 = arith.cmpi ne, %convert_element_type3A_19, %cond3A_20 : i32
    scf.if %cond3A_21 {
      %get3A_22 = arith.constant 0 : index
      %get3A_23 = arith.constant 0 : index
      %get3A_24 = vector.load %arg3[%get3A_22, %get3A_23] : memref<64x128xf32, #tpu.memory_space<vmem>>, vector<64x128xf32>
      %add3A = arith.addf %get3A_24, %dot_general3A_9 : vector<64x128xf32>
      %swap3A = arith.constant 0 : index
      %swap3A_25 = arith.constant 0 : index
      %swap3A_26 = vector.load %arg3[%swap3A, %swap3A_25] : memref<64x128xf32, #tpu.memory_space<vmem>>, vector<64x128xf32>
      tpu.vector_store %arg3[%swap3A, %swap3A_25], %add3A {strides = array<i32>} : memref<64x128xf32, #tpu.memory_space<vmem>>, vector<64x128xf32>,
      %get3A_27 = arith.constant 0 : index
      %get3A_28 = arith.constant 0 : index
      %get3A_29 = vector.load %arg4[%get3A_27, %get3A_28] : memref<64x8xf32, #tpu.memory_space<vmem>>, vector<64x8xf32>
      %add3A_30 = arith.addf %get3A_29, %dot_general3A_13 : vector<64x8xf32>
      %swap3A_31 = arith.constant 0 : index
      %swap3A_32 = arith.constant 0 : index
      %swap3A_33 = vector.load %arg4[%swap3A_31, %swap3A_32] : memref<64x8xf32, #tpu.memory_space<vmem>>, vector<64x8xf32>
      tpu.vector_store %arg4[%swap3A_31, %swap3A_32], %add3A_30 {strides = array<i32>} : memref<64x8xf32, #tpu.memory_space<vmem>>, vector<64x8xf32>,
    } else {
    }
    return
  }
  func.func @transform_0(%arg0: i32) -> (i32, i32) {
    %c0_i32 = arith.constant 0 : i32
    %c0_i32_0 = arith.constant 0 : i32
    return %arg0, %c0_i32 : i32, i32
  }
  func.func @transform_1(%arg0: i32) -> (i32, i32) {
    %c0_i32 = arith.constant 0 : i32
    %c0_i32_0 = arith.constant 0 : i32
    return %arg0, %c0_i32 : i32, i32
  }
  func.func @transform_2(%arg0: i32) -> (i32, i32) {
    %c0_i32 = arith.constant 0 : i32
    %c0_i32_0 = arith.constant 0 : i32
    %c0_i32_1 = arith.constant 0 : i32
    return %c0_i32, %c0_i32_0 : i32, i32
  }
  func.func @transform_3(%arg0: i32) -> (i32, i32) {
    %c0_i32 = arith.constant 0 : i32
    %c0_i32_0 = arith.constant 0 : i32
    %c0_i32_1 = arith.constant 0 : i32
    return %c0_i32, %c0_i32_0 : i32, i32
  }
}

module attributes {stable_mosaic.version = 14 : i64} {
  func.func @body(%arg0: i32, %arg1: memref<1000x256xf32, #tpu.memory_space<vmem>>, %arg2: memref<8x256xf32, #tpu.memory_space<vmem>>, %arg3: memref<1x256xf32, #tpu.memory_space<vmem>>, %arg4: memref<1x256xf32, #tpu.memory_space<vmem>>, %arg5: memref<1000x1xf32, #tpu.memory_space<vmem>>, %arg6: memref<2x1000x128xf32, #tpu.memory_space<vmem>>, %arg7: memref<64x256xf32, #tpu.memory_space<vmem>>) attributes {dimension_semantics = [#tpu.dimension_semantics<arbitrary>], iteration_bounds = array<i64: 10>, scalar_prefetch = 0 : i64, scratch_operands = 0 : i64, tpu.core_type = #tpu.core_type<tc>, window_params = [{transform_indices = @transform_0, window_bounds = array<i64: 1000, 256>}, {pipeline_mode = #tpu.pipeline_mode<synchronous>, transform_indices = @transform_1, window_bounds = array<i64: 8, 256>}, {pipeline_mode = #tpu.pipeline_mode<synchronous>, transform_indices = @transform_2, window_bounds = array<i64: 1, 256>}, {pipeline_mode = #tpu.pipeline_mode<synchronous>, transform_indices = @transform_3, window_bounds = array<i64: 1, 256>}, {transform_indices = @transform_4, window_bounds = array<i64: 1000, 1>}, {transform_indices = @transform_5, window_bounds = array<i64: 2, 1000, 128>}, {pipeline_mode = #tpu.pipeline_mode<synchronous>, transform_indices = @transform_6, window_bounds = array<i64: 64, 256>}]} {
    %get3A = arith.constant 0 : index
    %get3A_0 = arith.constant 0 : index
    %get3A_1 = vector.load %arg2[%get3A, %get3A_0] : memref<8x256xf32, #tpu.memory_space<vmem>>, vector<1x256xf32>
    %mul3A = arith.constant 9.99999974E-5 : f32
    %mul3A_2 = vector.broadcast %mul3A : f32 to vector<1x256xf32>
    %mul3A_3 = arith.mulf %get3A_1, %mul3A_2 : vector<1x256xf32>
    %get3A_4 = arith.constant 1 : index
    %get3A_5 = arith.constant 0 : index
    %get3A_6 = vector.load %arg2[%get3A_4, %get3A_5] : memref<8x256xf32, #tpu.memory_space<vmem>>, vector<1x256xf32>
    %mul3A_7 = arith.constant 9.99999974E-5 : f32
    %mul3A_8 = vector.broadcast %mul3A_7 : f32 to vector<1x256xf32>
    %mul3A_9 = arith.mulf %get3A_6, %mul3A_8 : vector<1x256xf32>
    %mul3A_10 = arith.mulf %mul3A_3, %mul3A_3 : vector<1x256xf32>
    %sub3A = arith.subf %mul3A_9, %mul3A_10 : vector<1x256xf32>
    %add3A = arith.constant 9.99999974E-6 : f32
    %add3A_11 = vector.broadcast %add3A : f32 to vector<1x256xf32>
    %add3A_12 = arith.addf %sub3A, %add3A_11 : vector<1x256xf32>
    %rsqrt3A = math.rsqrt %add3A_12 : vector<1x256xf32>
    %get3A_13 = arith.constant 0 : index
    %get3A_14 = arith.constant 0 : index
    %get3A_15 = vector.load %arg1[%get3A_13, %get3A_14] : memref<1000x256xf32, #tpu.memory_space<vmem>>, vector<1000x256xf32>
    %sub3A_16 = vector.broadcast %mul3A_3 : vector<1x256xf32> to vector<1000x256xf32>
    %sub3A_17 = arith.subf %get3A_15, %sub3A_16 : vector<1000x256xf32>
    %mul3A_18 = vector.broadcast %rsqrt3A : vector<1x256xf32> to vector<1000x256xf32>
    %mul3A_19 = arith.mulf %sub3A_17, %mul3A_18 : vector<1000x256xf32>
    %get3A_20 = arith.constant 0 : index
    %get3A_21 = arith.constant 0 : index
    %get3A_22 = vector.load %arg3[%get3A_20, %get3A_21] : memref<1x256xf32, #tpu.memory_space<vmem>>, vector<1x256xf32>
    %mul3A_23 = vector.broadcast %get3A_22 : vector<1x256xf32> to vector<1000x256xf32>
    %mul3A_24 = arith.mulf %mul3A_19, %mul3A_23 : vector<1000x256xf32>
    %get3A_25 = arith.constant 0 : index
    %get3A_26 = arith.constant 0 : index
    %get3A_27 = vector.load %arg4[%get3A_25, %get3A_26] : memref<1x256xf32, #tpu.memory_space<vmem>>, vector<1x256xf32>
    %add3A_28 = vector.broadcast %get3A_27 : vector<1x256xf32> to vector<1000x256xf32>
    %add3A_29 = arith.addf %mul3A_24, %add3A_28 : vector<1000x256xf32>
    %max3A = arith.constant 0.000000e+00 : f32
    %max3A_30 = vector.broadcast %max3A : f32 to vector<1000x256xf32>
    %max3A_31 = arith.maximumf %add3A_29, %max3A_30 : vector<1000x256xf32>
    %slice3A = vector.extract_strided_slice %max3A_31 {offsets = [0, 0], sizes = [1000, 128], strides = [1, 1]} : vector<1000x256xf32> to vector<1000x128xf32>
    %swap3A = arith.constant 0 : index
    %swap3A_32 = arith.constant 0 : index
    %swap3A_33 = arith.constant 0 : index
    %swap3A_34 = vector.load %arg6[%swap3A, %swap3A_32, %swap3A_33] : memref<2x1000x128xf32, #tpu.memory_space<vmem>>, vector<1x1000x128xf32>
    %swap3A_35 = vector.shape_cast %swap3A_34 : vector<1x1000x128xf32> to vector<1000x128xf32>
    %swap3A_36 = vector.shape_cast %slice3A : vector<1000x128xf32> to vector<1x1000x128xf32>
    tpu.vector_store %arg6[%swap3A, %swap3A_32, %swap3A_33], %swap3A_36 {strides = array<i32>} : memref<2x1000x128xf32, #tpu.memory_space<vmem>>, vector<1x1000x128xf32>,
    %slice3A_37 = vector.extract_strided_slice %max3A_31 {offsets = [0, 128], sizes = [1000, 128], strides = [1, 1]} : vector<1000x256xf32> to vector<1000x128xf32>
    %swap3A_38 = arith.constant 1 : index
    %swap3A_39 = arith.constant 0 : index
    %swap3A_40 = arith.constant 0 : index
    %swap3A_41 = vector.load %arg6[%swap3A_38, %swap3A_39, %swap3A_40] : memref<2x1000x128xf32, #tpu.memory_space<vmem>>, vector<1x1000x128xf32>
    %swap3A_42 = vector.shape_cast %swap3A_41 : vector<1x1000x128xf32> to vector<1000x128xf32>
    %swap3A_43 = vector.shape_cast %slice3A_37 : vector<1000x128xf32> to vector<1x1000x128xf32>
    tpu.vector_store %arg6[%swap3A_38, %swap3A_39, %swap3A_40], %swap3A_43 {strides = array<i32>} : memref<2x1000x128xf32, #tpu.memory_space<vmem>>, vector<1x1000x128xf32>,
    %iota3A = tpu.iota {dimensions = array<i32: 1>} : vector<1x64xi32>
    %convert_element_type3A = arith.sitofp %iota3A : vector<1x64xi32> to vector<1x64xf32>
    %get3A_44 = arith.constant 0 : index
    %get3A_45 = arith.constant 0 : index
    %get3A_46 = vector.load %arg5[%get3A_44, %get3A_45] : memref<1000x1xf32, #tpu.memory_space<vmem>>, vector<1000x1xf32>
    %eq3A = vector.broadcast %get3A_46 : vector<1000x1xf32> to vector<1000x64xf32>
    %eq3A_47 = vector.broadcast %convert_element_type3A : vector<1x64xf32> to vector<1000x64xf32>
    %eq3A_48 = arith.cmpf oeq, %eq3A, %eq3A_47 : vector<1000x64xf32>
    %jit3A = arith.constant 1.000000e+00 : f32
    %jit3A_49 = arith.constant 0.000000e+00 : f32
    %broadcast_in_dim3A = vector.broadcast %jit3A : f32 to vector<1000x64xf32>
    %broadcast_in_dim3A_50 = vector.broadcast %jit3A_49 : f32 to vector<1000x64xf32>
    %select_n3A = arith.select %eq3A_48, %broadcast_in_dim3A, %broadcast_in_dim3A_50 : vector<1000x64xi1>, vector<1000x64xf32>
    %dot_general3A = arith.constant dense<0.000000e+00> : vector<64x256xf32>
    %dot_general3A_51 = tpu.matmul %select_n3A, %max3A_31, %dot_general3A {dimension_numbers = #tpu.dot_dimension_numbers<[0], [0], [1], [1], [0, 1, 1, 1], [], []>, precision = #tpu.contract_precision<fp32>, transpose_lhs_hint = false} : vector<1000x64xf32>, vector<1000x256xf32>, vector<64x256xf32> -> vector<64x256xf32>
    %eq3A_52 = arith.constant 0 : i32
    %eq3A_53 = arith.cmpi eq, %arg0, %eq3A_52 : i32
    %convert_element_type3A_54 = arith.extui %eq3A_53 : i1 to i32
    %cond3A = arith.constant 0 : i32
    %cond3A_55 = arith.cmpi ne, %convert_element_type3A_54, %cond3A : i32
    scf.if %cond3A_55 {
      %swap3A_60 = arith.constant 0 : index
      %swap3A_61 = arith.constant 0 : index
      %swap3A_62 = vector.load %arg7[%swap3A_60, %swap3A_61] : memref<64x256xf32, #tpu.memory_space<vmem>>, vector<64x256xf32>
      tpu.vector_store %arg7[%swap3A_60, %swap3A_61], %dot_general3A_51 {strides = array<i32>} : memref<64x256xf32, #tpu.memory_space<vmem>>, vector<64x256xf32>,
    } else {
    }
    %gt3A = arith.constant 0 : i32
    %gt3A_56 = arith.cmpi sgt, %arg0, %gt3A : i32
    %convert_element_type3A_57 = arith.extui %gt3A_56 : i1 to i32
    %cond3A_58 = arith.constant 0 : i32
    %cond3A_59 = arith.cmpi ne, %convert_element_type3A_57, %cond3A_58 : i32
    scf.if %cond3A_59 {
      %get3A_60 = arith.constant 0 : index
      %get3A_61 = arith.constant 0 : index
      %get3A_62 = vector.load %arg7[%get3A_60, %get3A_61] : memref<64x256xf32, #tpu.memory_space<vmem>>, vector<64x256xf32>
      %add3A_63 = arith.addf %get3A_62, %dot_general3A_51 : vector<64x256xf32>
      %swap3A_64 = arith.constant 0 : index
      %swap3A_65 = arith.constant 0 : index
      %swap3A_66 = vector.load %arg7[%swap3A_64, %swap3A_65] : memref<64x256xf32, #tpu.memory_space<vmem>>, vector<64x256xf32>
      tpu.vector_store %arg7[%swap3A_64, %swap3A_65], %add3A_63 {strides = array<i32>} : memref<64x256xf32, #tpu.memory_space<vmem>>, vector<64x256xf32>,
    } else {
    }
    return
  }
  func.func @transform_0(%arg0: i32) -> (i32, i32) {
    %c0_i32 = arith.constant 0 : i32
    %c0_i32_0 = arith.constant 0 : i32
    return %arg0, %c0_i32 : i32, i32
  }
  func.func @transform_1(%arg0: i32) -> (i32, i32) {
    %c0_i32 = arith.constant 0 : i32
    %c0_i32_0 = arith.constant 0 : i32
    %c0_i32_1 = arith.constant 0 : i32
    return %c0_i32, %c0_i32_0 : i32, i32
  }
  func.func @transform_2(%arg0: i32) -> (i32, i32) {
    %c0_i32 = arith.constant 0 : i32
    %c0_i32_0 = arith.constant 0 : i32
    %c0_i32_1 = arith.constant 0 : i32
    return %c0_i32, %c0_i32_0 : i32, i32
  }
  func.func @transform_3(%arg0: i32) -> (i32, i32) {
    %c0_i32 = arith.constant 0 : i32
    %c0_i32_0 = arith.constant 0 : i32
    %c0_i32_1 = arith.constant 0 : i32
    return %c0_i32, %c0_i32_0 : i32, i32
  }
  func.func @transform_4(%arg0: i32) -> (i32, i32) {
    %c0_i32 = arith.constant 0 : i32
    %c0_i32_0 = arith.constant 0 : i32
    return %arg0, %c0_i32 : i32, i32
  }
  func.func @transform_5(%arg0: i32) -> (i32, i32, i32) {
    %c0_i32 = arith.constant 0 : i32
    %c0_i32_0 = arith.constant 0 : i32
    %c0_i32_1 = arith.constant 0 : i32
    return %c0_i32, %arg0, %c0_i32_0 : i32, i32, i32
  }
  func.func @transform_6(%arg0: i32) -> (i32, i32) {
    %c0_i32 = arith.constant 0 : i32
    %c0_i32_0 = arith.constant 0 : i32
    %c0_i32_1 = arith.constant 0 : i32
    return %c0_i32, %c0_i32_0 : i32, i32
  }
}

module attributes {stable_mosaic.version = 14 : i64} {
  func.func @body(%arg0: memref<64x128xf32, #tpu.memory_space<vmem>>, %arg1: memref<64x256xf32, #tpu.memory_space<vmem>>, %arg2: memref<64x256xf32, #tpu.memory_space<vmem>>, %arg3: memref<64x256xf32, #tpu.memory_space<vmem>>, %arg4: memref<64x256xf32, #tpu.memory_space<vmem>>, %arg5: memref<64x256xf32, #tpu.memory_space<vmem>>, %arg6: memref<64x8xf32, #tpu.memory_space<vmem>>, %arg7: memref<128x256xf32, #tpu.memory_space<vmem>>, %arg8: memref<256x256xf32, #tpu.memory_space<vmem>>, %arg9: memref<256x256xf32, #tpu.memory_space<vmem>>, %arg10: memref<256x256xf32, #tpu.memory_space<vmem>>, %arg11: memref<256x256xf32, #tpu.memory_space<vmem>>, %arg12: memref<256x256xf32, #tpu.memory_space<vmem>>, %arg13: memref<1x256xf32, #tpu.memory_space<vmem>>, %arg14: memref<1x256xf32, #tpu.memory_space<vmem>>, %arg15: memref<1x256xf32, #tpu.memory_space<vmem>>, %arg16: memref<1x256xf32, #tpu.memory_space<vmem>>, %arg17: memref<1x256xf32, #tpu.memory_space<vmem>>, %arg18: memref<1x256xf32, #tpu.memory_space<vmem>>, %arg19: memref<256x256xf32, #tpu.memory_space<vmem>>, %arg20: memref<1x256xf32, #tpu.memory_space<vmem>>, %arg21: memref<256x1xf32, #tpu.memory_space<vmem>>, %arg22: memref<1x1xf32, #tpu.memory_space<vmem>>, %arg23: memref<64x1xf32, #tpu.memory_space<vmem>>) attributes {dimension_semantics = [], scalar_prefetch = 0 : i64, scratch_operands = 0 : i64, tpu.core_type = #tpu.core_type<tc>} {
    %get3A = arith.constant 0 : index
    %get3A_0 = arith.constant 0 : index
    %get3A_1 = vector.load %arg6[%get3A, %get3A_0] : memref<64x8xf32, #tpu.memory_space<vmem>>, vector<64x1xf32>
    %max3A = arith.constant 1.000000e+00 : f32
    %max3A_2 = vector.broadcast %max3A : f32 to vector<64x1xf32>
    %max3A_3 = arith.maximumf %get3A_1, %max3A_2 : vector<64x1xf32>
    %broadcast_in_dim3A = arith.constant 0.000000e+00 : f32
    %broadcast_in_dim3A_4 = vector.broadcast %broadcast_in_dim3A : f32 to vector<64x256xf32>
    %get3A_5 = arith.constant 0 : index
    %get3A_6 = arith.constant 0 : index
    %get3A_7 = vector.load %arg0[%get3A_5, %get3A_6] : memref<64x128xf32, #tpu.memory_space<vmem>>, vector<64x128xf32>
    %div3A = vector.broadcast %max3A_3 : vector<64x1xf32> to vector<64x128xf32>
    %div3A_8 = arith.divf %get3A_7, %div3A : vector<64x128xf32>
    %get3A_9 = arith.constant 0 : index
    %get3A_10 = arith.constant 0 : index
    %get3A_11 = vector.load %arg7[%get3A_9, %get3A_10] : memref<128x256xf32, #tpu.memory_space<vmem>>, vector<128x256xf32>
    %dot_general3A = arith.constant dense<0.000000e+00> : vector<64x256xf32>
    %dot_general3A_12 = tpu.matmul %div3A_8, %get3A_11, %dot_general3A {dimension_numbers = #tpu.dot_dimension_numbers<[1], [0], [0], [1], [0, 0, 1, 1], [], []>, precision = #tpu.contract_precision<fp32>, transpose_lhs_hint = false} : vector<64x128xf32>, vector<128x256xf32>, vector<64x256xf32> -> vector<64x256xf32>
    %add3A = arith.addf %broadcast_in_dim3A_4, %dot_general3A_12 : vector<64x256xf32>
    %get3A_13 = arith.constant 0 : index
    %get3A_14 = arith.constant 0 : index
    %get3A_15 = vector.load %arg13[%get3A_13, %get3A_14] : memref<1x256xf32, #tpu.memory_space<vmem>>, vector<1x256xf32>
    %add3A_16 = vector.broadcast %get3A_15 : vector<1x256xf32> to vector<64x256xf32>
    %add3A_17 = arith.addf %add3A, %add3A_16 : vector<64x256xf32>
    %get3A_18 = arith.constant 0 : index
    %get3A_19 = arith.constant 0 : index
    %get3A_20 = vector.load %arg1[%get3A_18, %get3A_19] : memref<64x256xf32, #tpu.memory_space<vmem>>, vector<64x256xf32>
    %div3A_21 = vector.broadcast %max3A_3 : vector<64x1xf32> to vector<64x256xf32>
    %div3A_22 = arith.divf %get3A_20, %div3A_21 : vector<64x256xf32>
    %get3A_23 = arith.constant 0 : index
    %get3A_24 = arith.constant 0 : index
    %get3A_25 = vector.load %arg8[%get3A_23, %get3A_24] : memref<256x256xf32, #tpu.memory_space<vmem>>, vector<256x256xf32>
    %dot_general3A_26 = arith.constant dense<0.000000e+00> : vector<64x256xf32>
    %dot_general3A_27 = tpu.matmul %div3A_22, %get3A_25, %dot_general3A_26 {dimension_numbers = #tpu.dot_dimension_numbers<[1], [0], [0], [1], [0, 0, 1, 1], [], []>, precision = #tpu.contract_precision<fp32>, transpose_lhs_hint = false} : vector<64x256xf32>, vector<256x256xf32>, vector<64x256xf32> -> vector<64x256xf32>
    %add3A_28 = arith.addf %add3A_17, %dot_general3A_27 : vector<64x256xf32>
    %get3A_29 = arith.constant 0 : index
    %get3A_30 = arith.constant 0 : index
    %get3A_31 = vector.load %arg14[%get3A_29, %get3A_30] : memref<1x256xf32, #tpu.memory_space<vmem>>, vector<1x256xf32>
    %add3A_32 = vector.broadcast %get3A_31 : vector<1x256xf32> to vector<64x256xf32>
    %add3A_33 = arith.addf %add3A_28, %add3A_32 : vector<64x256xf32>
    %get3A_34 = arith.constant 0 : index
    %get3A_35 = arith.constant 0 : index
    %get3A_36 = vector.load %arg2[%get3A_34, %get3A_35] : memref<64x256xf32, #tpu.memory_space<vmem>>, vector<64x256xf32>
    %div3A_37 = vector.broadcast %max3A_3 : vector<64x1xf32> to vector<64x256xf32>
    %div3A_38 = arith.divf %get3A_36, %div3A_37 : vector<64x256xf32>
    %get3A_39 = arith.constant 0 : index
    %get3A_40 = arith.constant 0 : index
    %get3A_41 = vector.load %arg9[%get3A_39, %get3A_40] : memref<256x256xf32, #tpu.memory_space<vmem>>, vector<256x256xf32>
    %dot_general3A_42 = arith.constant dense<0.000000e+00> : vector<64x256xf32>
    %dot_general3A_43 = tpu.matmul %div3A_38, %get3A_41, %dot_general3A_42 {dimension_numbers = #tpu.dot_dimension_numbers<[1], [0], [0], [1], [0, 0, 1, 1], [], []>, precision = #tpu.contract_precision<fp32>, transpose_lhs_hint = false} : vector<64x256xf32>, vector<256x256xf32>, vector<64x256xf32> -> vector<64x256xf32>
    %add3A_44 = arith.addf %add3A_33, %dot_general3A_43 : vector<64x256xf32>
    %get3A_45 = arith.constant 0 : index
    %get3A_46 = arith.constant 0 : index
    %get3A_47 = vector.load %arg15[%get3A_45, %get3A_46] : memref<1x256xf32, #tpu.memory_space<vmem>>, vector<1x256xf32>
    %add3A_48 = vector.broadcast %get3A_47 : vector<1x256xf32> to vector<64x256xf32>
    %add3A_49 = arith.addf %add3A_44, %add3A_48 : vector<64x256xf32>
    %get3A_50 = arith.constant 0 : index
    %get3A_51 = arith.constant 0 : index
    %get3A_52 = vector.load %arg3[%get3A_50, %get3A_51] : memref<64x256xf32, #tpu.memory_space<vmem>>, vector<64x256xf32>
    %div3A_53 = vector.broadcast %max3A_3 : vector<64x1xf32> to vector<64x256xf32>
    %div3A_54 = arith.divf %get3A_52, %div3A_53 : vector<64x256xf32>
    %get3A_55 = arith.constant 0 : index
    %get3A_56 = arith.constant 0 : index
    %get3A_57 = vector.load %arg10[%get3A_55, %get3A_56] : memref<256x256xf32, #tpu.memory_space<vmem>>, vector<256x256xf32>
    %dot_general3A_58 = arith.constant dense<0.000000e+00> : vector<64x256xf32>
    %dot_general3A_59 = tpu.matmul %div3A_54, %get3A_57, %dot_general3A_58 {dimension_numbers = #tpu.dot_dimension_numbers<[1], [0], [0], [1], [0, 0, 1, 1], [], []>, precision = #tpu.contract_precision<fp32>, transpose_lhs_hint = false} : vector<64x256xf32>, vector<256x256xf32>, vector<64x256xf32> -> vector<64x256xf32>
    %add3A_60 = arith.addf %add3A_49, %dot_general3A_59 : vector<64x256xf32>
    %get3A_61 = arith.constant 0 : index
    %get3A_62 = arith.constant 0 : index
    %get3A_63 = vector.load %arg16[%get3A_61, %get3A_62] : memref<1x256xf32, #tpu.memory_space<vmem>>, vector<1x256xf32>
    %add3A_64 = vector.broadcast %get3A_63 : vector<1x256xf32> to vector<64x256xf32>
    %add3A_65 = arith.addf %add3A_60, %add3A_64 : vector<64x256xf32>
    %get3A_66 = arith.constant 0 : index
    %get3A_67 = arith.constant 0 : index
    %get3A_68 = vector.load %arg4[%get3A_66, %get3A_67] : memref<64x256xf32, #tpu.memory_space<vmem>>, vector<64x256xf32>
    %div3A_69 = vector.broadcast %max3A_3 : vector<64x1xf32> to vector<64x256xf32>
    %div3A_70 = arith.divf %get3A_68, %div3A_69 : vector<64x256xf32>
    %get3A_71 = arith.constant 0 : index
    %get3A_72 = arith.constant 0 : index
    %get3A_73 = vector.load %arg11[%get3A_71, %get3A_72] : memref<256x256xf32, #tpu.memory_space<vmem>>, vector<256x256xf32>
    %dot_general3A_74 = arith.constant dense<0.000000e+00> : vector<64x256xf32>
    %dot_general3A_75 = tpu.matmul %div3A_70, %get3A_73, %dot_general3A_74 {dimension_numbers = #tpu.dot_dimension_numbers<[1], [0], [0], [1], [0, 0, 1, 1], [], []>, precision = #tpu.contract_precision<fp32>, transpose_lhs_hint = false} : vector<64x256xf32>, vector<256x256xf32>, vector<64x256xf32> -> vector<64x256xf32>
    %add3A_76 = arith.addf %add3A_65, %dot_general3A_75 : vector<64x256xf32>
    %get3A_77 = arith.constant 0 : index
    %get3A_78 = arith.constant 0 : index
    %get3A_79 = vector.load %arg17[%get3A_77, %get3A_78] : memref<1x256xf32, #tpu.memory_space<vmem>>, vector<1x256xf32>
    %add3A_80 = vector.broadcast %get3A_79 : vector<1x256xf32> to vector<64x256xf32>
    %add3A_81 = arith.addf %add3A_76, %add3A_80 : vector<64x256xf32>
    %get3A_82 = arith.constant 0 : index
    %get3A_83 = arith.constant 0 : index
    %get3A_84 = vector.load %arg5[%get3A_82, %get3A_83] : memref<64x256xf32, #tpu.memory_space<vmem>>, vector<64x256xf32>
    %div3A_85 = vector.broadcast %max3A_3 : vector<64x1xf32> to vector<64x256xf32>
    %div3A_86 = arith.divf %get3A_84, %div3A_85 : vector<64x256xf32>
    %get3A_87 = arith.constant 0 : index
    %get3A_88 = arith.constant 0 : index
    %get3A_89 = vector.load %arg12[%get3A_87, %get3A_88] : memref<256x256xf32, #tpu.memory_space<vmem>>, vector<256x256xf32>
    %dot_general3A_90 = arith.constant dense<0.000000e+00> : vector<64x256xf32>
    %dot_general3A_91 = tpu.matmul %div3A_86, %get3A_89, %dot_general3A_90 {dimension_numbers = #tpu.dot_dimension_numbers<[1], [0], [0], [1], [0, 0, 1, 1], [], []>, precision = #tpu.contract_precision<fp32>, transpose_lhs_hint = false} : vector<64x256xf32>, vector<256x256xf32>, vector<64x256xf32> -> vector<64x256xf32>
    %add3A_92 = arith.addf %add3A_81, %dot_general3A_91 : vector<64x256xf32>
    %get3A_93 = arith.constant 0 : index
    %get3A_94 = arith.constant 0 : index
    %get3A_95 = vector.load %arg18[%get3A_93, %get3A_94] : memref<1x256xf32, #tpu.memory_space<vmem>>, vector<1x256xf32>
    %add3A_96 = vector.broadcast %get3A_95 : vector<1x256xf32> to vector<64x256xf32>
    %add3A_97 = arith.addf %add3A_92, %add3A_96 : vector<64x256xf32>
    %get3A_98 = arith.constant 0 : index
    %get3A_99 = arith.constant 0 : index
    %get3A_100 = vector.load %arg19[%get3A_98, %get3A_99] : memref<256x256xf32, #tpu.memory_space<vmem>>, vector<256x256xf32>
    %dot_general3A_101 = arith.constant dense<0.000000e+00> : vector<64x256xf32>
    %dot_general3A_102 = tpu.matmul %add3A_97, %get3A_100, %dot_general3A_101 {dimension_numbers = #tpu.dot_dimension_numbers<[1], [0], [0], [1], [0, 0, 1, 1], [], []>, precision = #tpu.contract_precision<fp32>, transpose_lhs_hint = false} : vector<64x256xf32>, vector<256x256xf32>, vector<64x256xf32> -> vector<64x256xf32>
    %get3A_103 = arith.constant 0 : index
    %get3A_104 = arith.constant 0 : index
    %get3A_105 = vector.load %arg20[%get3A_103, %get3A_104] : memref<1x256xf32, #tpu.memory_space<vmem>>, vector<1x256xf32>
    %add3A_106 = vector.broadcast %get3A_105 : vector<1x256xf32> to vector<64x256xf32>
    %add3A_107 = arith.addf %dot_general3A_102, %add3A_106 : vector<64x256xf32>
    %max3A_108 = arith.constant 0.000000e+00 : f32
    %max3A_109 = vector.broadcast %max3A_108 : f32 to vector<64x256xf32>
    %max3A_110 = arith.maximumf %add3A_107, %max3A_109 : vector<64x256xf32>
    %get3A_111 = arith.constant 0 : index
    %get3A_112 = arith.constant 0 : index
    %get3A_113 = vector.load %arg21[%get3A_111, %get3A_112] : memref<256x1xf32, #tpu.memory_space<vmem>>, vector<256x1xf32>
    %dot_general3A_114 = arith.constant dense<0.000000e+00> : vector<64x1xf32>
    %dot_general3A_115 = tpu.matmul %max3A_110, %get3A_113, %dot_general3A_114 {dimension_numbers = #tpu.dot_dimension_numbers<[1], [0], [0], [1], [0, 0, 1, 1], [], []>, precision = #tpu.contract_precision<fp32>, transpose_lhs_hint = false} : vector<64x256xf32>, vector<256x1xf32>, vector<64x1xf32> -> vector<64x1xf32>
    %get3A_116 = arith.constant 0 : index
    %get3A_117 = arith.constant 0 : index
    %get3A_118 = vector.load %arg22[%get3A_116, %get3A_117] : memref<1x1xf32, #tpu.memory_space<vmem>>, vector<1x1xf32>
    %add3A_119 = vector.broadcast %get3A_118 : vector<1x1xf32> to vector<64x1xf32>
    %add3A_120 = arith.addf %dot_general3A_115, %add3A_119 : vector<64x1xf32>
    %swap3A = arith.constant 0 : index
    %swap3A_121 = arith.constant 0 : index
    %swap3A_122 = vector.load %arg23[%swap3A, %swap3A_121] : memref<64x1xf32, #tpu.memory_space<vmem>>, vector<64x1xf32>
    tpu.vector_store %arg23[%swap3A, %swap3A_121], %add3A_120 {strides = array<i32>} : memref<64x1xf32, #tpu.memory_space<vmem>>, vector<64x1xf32>,
    return
  }
}

</mosaic_0001>

<sc_bundles>
// kernel: kernel.19.cloned.1.call-start
scs
__scs_entry_jumppad:
0x0: {  	(pc) =	sbr.rel $0x88, $3  }
0x1: {  	(tag) =	ssettag $0x0;
	lr =	simm.s32 $0x1  }
0x2: {  	[smem:$0x3F70] =	sst lr;
	_ =	strace $0xD0000000  }
0x3: {  	_ = 	snop  }
0x4: {  	_ = 	snop  }
0x5: {  	_ = 	snop  }
0x6: {  	_ = 	snop  }
0x7: {  	_ = 	snop  }
__scs_overlays_trampoline_lowered:
0x8: {  	[smem:$0x3F7F] =	sst s0  }
0x9: {  	[smem:$0x3F80] =	sst s1  }
0xa: {  	[smem:$0x3F81] =	sst s2  }
0xb: {  	[smem:$0x3F82] =	sst s3  }
0xc: {  	[smem:$0x3F83] =	sst s4  }
0xd: {  	[smem:$0x3F84] =	sst s5  }
0xe: {  	[smem:$0x3F85] =	sst s6  }
0xf: {  	[smem:$0x3F86] =	sst s7  }
0x10: {  	[smem:$0x3F87] =	sst s8  }
0x11: {  	[smem:$0x3F88] =	sst s9;
	s0 =	simm.s32 @!p0 $0x0  }
0x12: {  	s1 =	sld [smem:$0x3F6E];
	s0 =	simm.s32 @p0 $0x1  }
0x13: {  	[smem:$0x3F89] =	sst s0;
	s0 =	simm.s32 @!p1 $0x0  }
0x14: {  	s2 =	sld [smem:$0x3F6D];
	s0 =	simm.s32 @p1 $0x1  }
0x15: {  	[smem:$0x3F8A] =	sst s0;
	s0 =	simm.s32 @!p2 $0x0  }
0x16: {  	s3 =	sld [smem:$0x3FDB];
	s0 =	simm.s32 @p2 $0x1  }
0x17: {  	s4 =	simm.s32 $0x1BF5;
	[smem:$0x3F8C] =	sst s0  }
0x18: {  	s0 =	sld [smem:$0x3F6F];
	_ =	swait.ge [sflag:s4], $0x0  }
0x19: {  	s7 =	sld [smem:$0x3F70]  }
0x1a: {  	s8 =	sadd.s32 $0xFFFFE003, lr  }
0x1b: {  	s9 =	sadd.s32 $0xFFFFFEF7, lr;
	s5 =	simm.s32 $0xFFFFFFFF;
	p2 =	slt.u32 s8, $0xFFFFF086  }
0x1c: {  	p1 =	slt.u32 s9, $0xF7A;
	s5 =	simm.s32 @!p2 $0x0  }
0x1d: {  	s5 =	simm.s32 @p1 $0x1;
	p0 =	seq.s32 s7, s2  }
0x1e: {  	s7 =	smul.u32 @!p0 $0xF7A, s2;
	p2 =	seq.s32 @!p0 s5, $0x0  }
0x1f: {  	s9 =	smul.u32 $0xF7A, s1;
	s8 =	simm.s32 @!p0 $0x1BF5;
	p2 =	por !p2, p0  }
0x20: {  	[sflag:s8] =	ssyncset.s32 @!p0 $0xFFFFF086;
	s6 =	sadd.s32 @!p0 s3, s7;
	s7 =	simm.s32 @!p0 $0x108  }
0x21: {  	s3 =	sadd.s32 s3, s9;
	s6 =	sadd.s32 @!p0 $0x88, s6;
	s7 =	simm.s32 @p2 $0x1082  }
0x22: {  	[simem:s7], [sflag:s8] =	dma.local @!p0 [hbm:s6], $0xF7A  }
0x23: {  	s9 =	sor.u32 $0xD0000000, s2;
	s6 =	simm.s32 $0x108;
	_ =	swait.ge @!p0 [sflag:s8], $0x0  }
0x24: {  	s3 =	sadd.s32 $0x88, s3;
	s6 =	simm.s32 @!p1 $0x1082;
	[sflag:s4] =	ssyncset.s32 $0xFFFFF086  }
0x25: {  	[simem:s6], [sflag:s4] =	dma.local [hbm:s3], $0xF7A  }
0x26: {  	[smem:$0x3F70] =	sst s1;
	(tag) =	ssettag s2;
	_ =	strace s9  }
0x27: {  	s1 =	sld [smem:$0x3F80]  }
0x28: {  	s2 =	sld [smem:$0x3F81]  }
0x29: {  	s4 =	sld [smem:$0x3F83]  }
0x2a: {  	p0 =	seq.s32 s5, $0x0;
	s5 =	sld [smem:$0x3F84]  }
0x2b: {  	s6 =	sld [smem:$0x3F85]  }
0x2c: {  	s7 =	sld [smem:$0x3F86]  }
0x2d: {  	s3 =	simm.s32 $0x108;
	s8 =	sld [smem:$0x3F87]  }
0x2e: {  	s3 =	simm.s32 @!p0 $0x1082;
	s9 =	sld [smem:$0x3F88]  }
0x2f: {  	lr =	sadd.s32 s0, s3;
	s0 =	sld [smem:$0x3F7F]  }
0x30: {  	s3 =	sld [smem:$0x3F82]  }
0x31: {  	[smem:$0x3F8B] =	sst s10  }
0x32: {  	s10 =	sld [smem:$0x3F89];
	_ =	sdelay $0x3  }
0x33: {  	p0 =	seq.s32 s10, $0x1;
	s10 =	sld [smem:$0x3F8B];
	_ =	sdelay $0x3  }
0x34: {  	[smem:$0x3F8B] =	sst s10  }
0x35: {  	s10 =	sld [smem:$0x3F8A];
	_ =	sdelay $0x3  }
0x36: {  	p1 =	seq.s32 s10, $0x1;
	s10 =	sld [smem:$0x3F8B];
	_ =	sdelay $0x3  }
0x37: {  	[smem:$0x3F8B] =	sst s10  }
0x38: {  	s10 =	sld [smem:$0x3F8C]  }
0x39: {  	_ = 	snop;
	(pc) =	sbr.ind lr, $3  }
0x3a: {  	_ = 	snop  }
0x3b: {  	_ = 	snop  }
0x3c: {  	p2 =	seq.s32 s10, $0x1;
	s10 =	sld [smem:$0x3F8B]  }
0x3d: {  	_ =	shalt  }
0x3e: {  	_ =	shalt  }
0x3f: {  	_ =	shalt  }
0x40: {  	_ =	shalt  }
0x41: {  	_ =	shalt  }
0x42: {  	_ =	shalt  }
0x43: {  	_ =	shalt  }
0x44: {  	_ =	shalt  }
0x45: {  	_ =	shalt  }
0x46: {  	_ =	shalt  }
0x47: {  	_ =	shalt  }
0x48: {  	_ =	shalt  }
0x49: {  	_ =	shalt  }
0x4a: {  	_ =	shalt  }
0x4b: {  	_ =	shalt  }
0x4c: {  	_ =	shalt  }
0x4d: {  	_ =	shalt  }
0x4e: {  	_ =	shalt  }
0x4f: {  	_ =	shalt  }
0x50: {  	_ =	shalt  }
0x51: {  	_ =	shalt  }
0x52: {  	_ =	shalt  }
0x53: {  	_ =	shalt  }
0x54: {  	_ =	shalt  }
0x55: {  	_ =	shalt  }
0x56: {  	_ =	shalt  }
0x57: {  	_ =	shalt  }
0x58: {  	_ =	shalt  }
0x59: {  	_ =	shalt  }
0x5a: {  	_ =	shalt  }
0x5b: {  	_ =	shalt  }
0x5c: {  	_ =	shalt  }
0x5d: {  	_ =	shalt  }
0x5e: {  	_ =	shalt  }
0x5f: {  	_ =	shalt  }
0x60: {  	_ =	shalt  }
0x61: {  	_ =	shalt  }
0x62: {  	_ =	shalt  }
0x63: {  	_ =	shalt  }
0x64: {  	_ =	shalt  }
0x65: {  	_ =	shalt  }
0x66: {  	_ =	shalt  }
0x67: {  	_ =	shalt  }
0x68: {  	_ =	shalt  }
0x69: {  	_ =	shalt  }
0x6a: {  	_ =	shalt  }
0x6b: {  	_ =	shalt  }
0x6c: {  	_ =	shalt  }
0x6d: {  	_ =	shalt  }
0x6e: {  	_ =	shalt  }
0x6f: {  	_ =	shalt  }
0x70: {  	_ =	shalt  }
0x71: {  	_ =	shalt  }
0x72: {  	_ =	shalt  }
0x73: {  	_ =	shalt  }
0x74: {  	_ =	shalt  }
0x75: {  	_ =	shalt  }
0x76: {  	_ =	shalt  }
0x77: {  	_ =	shalt  }
0x78: {  	_ =	shalt  }
0x79: {  	_ =	shalt  }
0x7a: {  	_ =	shalt  }
0x7b: {  	_ =	shalt  }
0x7c: {  	_ =	shalt  }
0x7d: {  	_ =	shalt  }
0x7e: {  	_ =	shalt  }
0x7f: {  	_ =	shalt  }
0x80: {  	_ =	shalt  }
0x81: {  	_ =	shalt  }
0x82: {  	_ =	shalt  }
0x83: {  	_ =	shalt  }
0x84: {  	_ =	shalt  }
0x85: {  	_ =	shalt  }
0x86: {  	_ =	shalt  }
0x87: {  	_ =	shalt  }
.Lfunc_end0:
.L_simem_size_0:
called_computation_lowered:
.L_overlay_start_0:
0x88: {  	s2 =	sld [smem:$0x3FD9]  }
0x89: {  	s3 =	sld [smem:$0x3FFE];
	_ =	sdelay $0x1  }
0x8a: {  	s1 =	srdreg.scid  }
0x8b: {  	s0 =	sand.u32 $0x1, s1  }
0x8c: {  	s17 =	sshll.u32 s0, $0xA;
	s2 =	sadd.s32 s3, s2  }
0x8d: {  	s2 =	sadd.s32 s2, s17  }
0x8e: {  	[smem:$0x3F97] =	sst s2  }
0x8f: {  	_ = 	snop  }
0x90: {  	s2 =	sld [smem:$0x3FC9];
	(tm) =	ssettm $0x1  }
0x91: {  	s18 =	sld [smem:$0x3FFB];
	_ =	sdelay $0x3  }
0x92: {  	_ =	strace s18  }
0x93: {  	s3 =	sld [smem:$0x3FFC];
	_ =	sdelay $0x3  }
0x94: {  	_ =	strace s3  }
0x95: {  	s3 =	sld [smem:$0x3FFD];
	_ =	sdelay $0x3  }
0x96: {  	_ =	strace s3  }
0x97: {  	_ =	strace $0x8FFFFFFF  }
0x98: {  	s19 =	sld [smem:$0x3FDB];
	_ =	sdelay $0x1  }
0x99: {  	s4 =	simm.s32 $_scs_section_size  }
0x9a: {  	s5 =	simm.s32 $_size__tile_overlayer_lowered;
	s6 =	simm.s32 $_tile_overlayer_lowered  }
0x9b: {  	s22 =	simm.s32 $0x1BFF;
	s21 =	sshll.u32 s6, $0x1;
	s3 =	sadd.s32 s4, s19  }
0x9c: {  	s7 =	simm.s32 $0x0;
	s20 =	sshll.u32 s5, $0x1;
	s5 =	sadd.s32 s21, s3  }
0x9d: {  	[timem:s7], [sflag:s22] =	dma.local [hbm:s5], s20  }
0x9e: {  	_ =	swait.ge [sflag:s22], s20  }
0x9f: {  	s4 =	ssub.s32 $0x0, s20;
	[sflag:s22] =	ssyncset.done $0x0  }
0xa0: {  	[sflag:s22] =	ssyncadd.s32 s4;
	_ =	sdelay $0x1  }
0xa1: {  	s23 =	simm.s32 $0x1B8B  }
0xa2: {  	_ =	swait.ge [sflag:s23], $0x1  }
0xa3: {  	[sflag:s23] =	ssyncset.done $0x0  }
0xa4: {  	s25 =	simm.s32 $0x1B8E;
	s24 =	sld [smem:$0x3FFE];
	[sflag:s23] =	ssyncadd.s32 $0xFFFFFFFF  }
0xa5: {  	s26 =	simm.s32 $execute0_lowered;
	[smem:$0x3FD2] =	sst s25  }
0xa6: {  	s5 =	sshll.u32 s26, $0x1;
	_ =	strace $0x80000046;
	[dreg:$0x1] =	wrdreg $0xFFFFFFFF  }
0xa7: {  	s28 =	simm.s32 $_size_execute0_lowered;
	s3 =	sadd.s32 s3, s5;
	[dreg:$0x0] =	wrdreg $0x0  }
0xa8: {  	s5 =	sshll.u32 s28, $0x1;
	[dreg:$0x2] =	wrdreg s3  }
0xa9: {  	[dreg:$0x3] =	wrdreg s5  }
0xaa: {  	[dreg:$0x4] =	wrdreg $0xC0  }
0xab: {  	_ =	task [dreg:s7], $0x5FFFF  }
0xac: {  	[dreg:$0x1] =	wrdreg $0xFFFFFFFF  }
0xad: {  	[dreg:$0x0] =	wrdreg $0x60  }
0xae: {  	[dreg:$0x2] =	wrdreg s2  }
0xaf: {  	[dreg:$0x3] =	wrdreg s24  }
0xb0: {  	[dreg:$0x4] =	wrdreg $0x0  }
0xb1: {  	[dreg:$0x5] =	wrdreg $0x9  }
0xb2: {  	_ =	task.clear_ibuf [dreg:s7], $0x6FFFF;
	_ =	strace $0x90000046  }
0xb3: {  	s29 =	simm.s32 $0x9;
	_ =	strace $0x80000048  }
0xb4: {  	_ =	swait.ge [sflag:s29], $0x1  }
0xb5: {  	[sflag:s29] =	ssyncadd.s32 $0xFFFFFFFF  }
0xb6: {  	_ =	strace $0x90000048  }
0xb7: {  	_ =	sfence  }
0xb8: {  	s30 =	sld [smem:$0x0];
	_ =	sdelay $0x2  }
0xb9: {  	s31 =	sshll.u32 s1, $0xD;
	s1 =	sshrl.u32 s1, $0x2  }
0xba: {  	s3 =	sand.u32 $0x4000, s31;
	s1 =	sadd.s32 s1, s30  }
0xbb: {  	s0 =	sor.u32 s3, s0;
	s1 =	sshll.u32 s1, $0x11  }
0xbc: {  	s0 =	sor.u32 s1, s0  }
0xbd: {  	s0 =	sadd.s32 $0x8F2B, s0  }
0xbe: {  	[sflag:s0] =	ssyncadd.remote.s32 $0x1  }
0xbf: {  	_ =	sfence.sel $0xFFFF  }
0xc0: {  	[dreg:$0x0] =	wrdreg $0xFFFFFFFF;
	(pc) =	sbr.abs _section_cstart, $3  }
0xc1: {  	[dreg:$0x1] =	wrdreg $0xFFFFFFFF  }
0xc2: {  	_ =	task.clear_ibuf [dreg:s7], $0x2FFFF;
	_ =	strace $0x9FFFFFFF  }
0xc3: {  	(tm) =	ssettm $0x7FFFFFFF  }
tec
execute0_lowered:
.L_overlay_start_1:
0x0: {  	(tag) =	ssettag $0x1  }
0x1: {  	s1 =	rddreg [dreg:$0x0]  }
0x2: {  	s5 =	rddreg [dreg:$0x1]  }
0x3: {  	s3 =	rddreg [dreg:$0x2]  }
0x4: {  	s0 =	srdreg.scid;
	s2 =	rddreg [dreg:$0x3]  }
0x5: {  	s4 =	simm.s32 $0x0;
	s13 =	simm.s32 $0x13C00;
	s6 =	sand.u32 $0x1, s0  }
0x6: {  	s14 =	simm.s32 $0x13C80;
	s0 =	stileid.u32;
	s7 =	smul.u32 $0x27100, s6  }
0x7: {  	s15 =	simm.s32 $0x50;
	s16 =	simm.s32 $0x13D00;
	s8 =	smul.u32 $0x2710, s0  }
0x8: {  	s17 =	simm.s32 $0x1;
	[smem:$0x7FF] =	sst s4;
	s25 =	smul.u32 $0x2780, s0  }
0x9: {  	s18 =	simm.s32 $0x0;
	s9 =	smul.u32 $0x27800, s6;
	_ =	strace $0x80000047  }
0xa: {  	s6 =	ssub.s32 $0x2, s6;
	s28 =	smul.u32 $0x4F000, s0;
	s31 =	sshll.u32 s0, $0x6  }
0xb: {  	s29 =	sshrl.u32 s6, $0x1;
	s7 =	sadd.s32 s8, s7;
	s26 =	sadd.s32 s25, s9  }
0xc: {  	s8 =	sadd.s32 s25, s5;
	s11 =	ssub.s32 s6, s29;
	s30 =	sshrl.u32 s28, $0x2  }
0xd: {  	s6 =	sor.u32 $0x1C02, s31;
	s7 =	sshrl.u32 s7, $0x3;
	s12 =	sadd.s32 s30, s3  }
0xe: {  	s10 =	sadd.s32 s7, s5;
	s7 =	sadd.s32 s26, s5;
	s5 =	sadd.s32 $0x1E000, s8  }
0xf: {  	s8 =	smax.u32 s11, $0x1;
	s11 =	sshrl.u32 s12, $0x3;
	s12 =	simm.s32 $0x2  }
0x10: {  	s7 =	sadd.s32 $0x45800, s7;
	s9 =	sadd.s32 $0xA400, s10;
	s10 =	sadd.s32 $0x14200, s10  }
.LBB2_1:
0x11: {  	[spmem:s11], [sflag:s6] =	dma.local [hbm:s5], $0x2780  }
0x12: {  	_ =	swait.ge [sflag:s12], $0x2780  }
0x13: {  	[sflag:s12] =	ssyncset.done $0x0  }
0x14: {  	[sflag:s12] =	ssyncadd.s32 $0xFFFFD880  }
0x15: {  	s19 =	sadd.s32 $0x0, s10;
	[bflag:$0x0] =	sbarrier.arrive $0xFFFF  }
0x16: {  	[tilespmem:s13], [sflag:$0x2] =	stream.linear.gather [hbm4b:s19+s4], $0x50, $0x38;
	[tilespmem:$0x16500] =	vst v63  }
0x17: {  	_ =	swait.ge [sflag:s12], $0x50  }
0x18: {  	[sflag:s12] =	ssyncset.done $0x0  }
0x19: {  	s31 =	sadd.s32 $0x0, s9;
	[sflag:s12] =	ssyncadd.s32 $0xFFFFFFB0  }
0x1a: {  	[tilespmem:s14], [sflag:$0x2] =	stream.linear.gather [hbm4b:s31+s4], $0x50, $0x38;
	[tilespmem:$0x16500] =	vst v63  }
0x1b: {  	_ =	swait.ge [sflag:s12], $0x50  }
0x1c: {  	[sflag:s12] =	ssyncset.done $0x0  }
0x1d: {  	[sflag:s12] =	ssyncadd.s32 $0xFFFFFFB0  }
0x1e: {  	[tilespmem:s16], [sflag:$0x1] =	stream.indirect.gather [hbm4b:s1+s15], $0x80, s13, s15, $0xb8;
	[tilespmem:$0x16500] =	vst v63  }
0x1f: {  	_ =	swait.ge [sflag:s17], $0x2800  }
0x20: {  	[sflag:s17] =	ssyncset.done $0x0  }
0x21: {  	[sflag:s17] =	ssyncadd.s32 $0xFFFFD800  }
0x22: {  	[spmem:s3] =	stream.indirect.scatter.add.f32 [tilespmem:s16], [sflag:$0x2], $0x80, s14, s15, $0xb8;
	[tilespmem:$0x16500] =	vst v63  }
0x23: {  	_ =	swait.ge [sflag:s12], $0x2800  }
0x24: {  	s20 =	simm.s32 $0x14;
	s19 =	simm.s32 $0xA;
	[sflag:s12] =	ssyncset.done $0x0  }
.LBB2_2:
0x25: {  	s21 =	sadd.s32 s19, s10  }
0x26: {  	[sflag:s12] =	ssyncadd.s32 $0xFFFFD800;
	s22 =	smov.u32 s20;
	s23 =	sadd.s32 $0xA, s20  }
0x27: {  	[tilespmem:s13], [sflag:$0x2] =	stream.linear.gather [hbm4b:s21+s4], $0x50, $0x38;
	[tilespmem:$0x16500] =	vst v63  }
0x28: {  	p0 =	sne.s32 s20, $0x4D8;
	_ =	swait.ge [sflag:s12], $0x50  }
0x29: {  	[sflag:s12] =	ssyncset.done $0x0  }
0x2a: {  	s20 =	sadd.s32 s19, s9;
	s19 =	smov.u32 s22;
	[sflag:s12] =	ssyncadd.s32 $0xFFFFFFB0  }
0x2b: {  	[tilespmem:s14], [sflag:$0x2] =	stream.linear.gather [hbm4b:s20+s4], $0x50, $0x38;
	[tilespmem:$0x16500] =	vst v63  }
0x2c: {  	_ =	swait.ge [sflag:s12], $0x50  }
0x2d: {  	[sflag:s12] =	ssyncset.done $0x0  }
0x2e: {  	[sflag:s12] =	ssyncadd.s32 $0xFFFFFFB0  }
0x2f: {  	[tilespmem:s16], [sflag:$0x1] =	stream.indirect.gather [hbm4b:s1+s15], $0x80, s13, s15, $0xb8;
	[tilespmem:$0x16500] =	vst v63  }
0x30: {  	_ =	swait.ge [sflag:s17], $0x2800  }
.Ltmp0:
0x31: {  	[sflag:s17] =	ssyncset.done $0x0;
	(pc) =	sbr.rel @p0 .LBB2_2-.Ltmp0, $4  }
0x32: {  	[sflag:s17] =	ssyncadd.s32 $0xFFFFD800  }
0x33: {  	[spmem:s3] =	stream.indirect.scatter.add.f32 [tilespmem:s16], [sflag:$0x2], $0x80, s14, s15, $0xb8;
	[tilespmem:$0x16500] =	vst v63  }
0x34: {  	_ =	swait.ge [sflag:s12], $0x2800  }
0x35: {  	s20 =	smov.u32 s23;
	[sflag:s12] =	ssyncset.done $0x0  }
0x36: {  	s20 =	sadd.s32 s19, s10;
	[sflag:s12] =	ssyncadd.s32 $0xFFFFD800  }
0x37: {  	[tilespmem:s13], [sflag:$0x2] =	stream.linear.gather [hbm4b:s20+s4], $0x50, $0x38;
	[tilespmem:$0x16500] =	vst v63  }
0x38: {  	_ =	swait.ge [sflag:s12], $0x50  }
0x39: {  	[sflag:s12] =	ssyncset.done $0x0  }
0x3a: {  	s31 =	sadd.s32 s19, s9;
	[sflag:s12] =	ssyncadd.s32 $0xFFFFFFB0  }
0x3b: {  	[tilespmem:s14], [sflag:$0x2] =	stream.linear.gather [hbm4b:s31+s4], $0x50, $0x38;
	[tilespmem:$0x16500] =	vst v63  }
0x3c: {  	_ =	swait.ge [sflag:s12], $0x50  }
0x3d: {  	[sflag:s12] =	ssyncset.done $0x0  }
0x3e: {  	[sflag:s12] =	ssyncadd.s32 $0xFFFFFFB0  }
0x3f: {  	[tilespmem:s16], [sflag:$0x1] =	stream.indirect.gather [hbm4b:s1+s15], $0x80, s13, s15, $0xb8;
	[tilespmem:$0x16500] =	vst v63  }
0x40: {  	_ =	swait.ge [sflag:s17], $0x2800  }
0x41: {  	[sflag:s17] =	ssyncset.done $0x0  }
0x42: {  	[sflag:s17] =	ssyncadd.s32 $0xFFFFD800  }
0x43: {  	[spmem:s3] =	stream.indirect.scatter.add.f32 [tilespmem:s16], [sflag:$0x2], $0x80, s14, s15, $0xb8;
	[tilespmem:$0x16500] =	vst v63  }
0x44: {  	_ =	swait.ge [sflag:s12], $0x2800  }
0x45: {  	s18 =	sadd.s32 $0x1, s18;
	[sflag:s12] =	ssyncset.done $0x0  }
0x46: {  	p0 =	sne.s32 s18, s8;
	[sflag:s12] =	ssyncadd.s32 $0xFFFFD800  }
.Ltmp1:
0x47: {  	[bflag:$0x0] =	sbarrier.arrive $0xFFFF;
	(pc) =	sbr.rel @p0 .LBB2_1-.Ltmp1, $4  }
0x48: {  	[hbm:s7], [sflag:s6] =	dma.local [spmem:s11], $0x2780  }
0x49: {  	_ =	swait.ge [sflag:s12], $0x2780  }
0x4a: {  	[sflag:s12] =	ssyncset.done $0x0  }
0x4b: {  	[sflag:s12] =	ssyncadd.s32 $0xFFFFD880  }
0x4c: {  	_ =	sfence.sel $0x180000  }
0x4d: {  	[bflag:$0x0] =	sbarrier.arrive $0xFFFF  }
0x4e: {  	p0 =	sne.s32 s0, $0x0;
	_ =	strace $0x90000047  }
0x4f: {  	s0 =	sadd.s32 @!p0 $0x100000, s2;
	[bflag:$0x2] =	sbarrier.arrive $0xFFFF  }
0x50: {  	[sflag:s0] =	ssyncadd.tile.s32 @!p0 $0x1;
	_ =	shalt  }
.Lfunc_end2:
_tile_overlayer_lowered:
.L_overlay_start_2:
0x51: {  	(tag) =	ssettag $0x2  }
0x52: {  	s0 =	rddreg [dreg:$0x0];
	s2 =	stileid.u32  }
0x53: {  	s1 =	rddreg [dreg:$0x1];
	p0 =	sne.s32 s2, $0x0  }
0x54: {  	s3 =	rddreg [dreg:$0x2];
	[bflag:$0x3] =	sbarrier.arrive $0xFFFF;
	s2 =	simm.s32 @!p0 $0x1C02  }
0x55: {  	[timem:s3], [sflag:s2] =	dma.local @!p0 [hbm:s0], s1  }
0x56: {  	s0 =	simm.s32 @!p0 $0x2  }
0x57: {  	_ =	swait.ge @!p0 [sflag:s0], s1  }
0x58: {  	s1 =	ssub.s32 @!p0 $0x0, s1;
	[sflag:s0] =	ssyncset.done @!p0 $0x0  }
0x59: {  	[sflag:s0] =	ssyncadd.s32 @!p0 s1  }
0x5a: {  	[bflag:$0x3] =	sbarrier.arrive $0xFFFF  }
0x5b: {  	_ =	shalt  }

// kernel: kernel.22.cloned.1.call-start
scs
__scs_entry_jumppad:
0x0: {  	(pc) =	sbr.rel $0x88, $3  }
0x1: {  	(tag) =	ssettag $0x0;
	lr =	simm.s32 $0x1  }
0x2: {  	[smem:$0x3F70] =	sst lr;
	_ =	strace $0xD0000000  }
0x3: {  	_ = 	snop  }
0x4: {  	_ = 	snop  }
0x5: {  	_ = 	snop  }
0x6: {  	_ = 	snop  }
0x7: {  	_ = 	snop  }
__scs_overlays_trampoline_lowered:
0x8: {  	[smem:$0x3F7F] =	sst s0  }
0x9: {  	[smem:$0x3F80] =	sst s1  }
0xa: {  	[smem:$0x3F81] =	sst s2  }
0xb: {  	[smem:$0x3F82] =	sst s3  }
0xc: {  	[smem:$0x3F83] =	sst s4  }
0xd: {  	[smem:$0x3F84] =	sst s5  }
0xe: {  	[smem:$0x3F85] =	sst s6  }
0xf: {  	[smem:$0x3F86] =	sst s7  }
0x10: {  	[smem:$0x3F87] =	sst s8  }
0x11: {  	[smem:$0x3F88] =	sst s9;
	s0 =	simm.s32 @!p0 $0x0  }
0x12: {  	s1 =	sld [smem:$0x3F6E];
	s0 =	simm.s32 @p0 $0x1  }
0x13: {  	[smem:$0x3F89] =	sst s0;
	s0 =	simm.s32 @!p1 $0x0  }
0x14: {  	s2 =	sld [smem:$0x3F6D];
	s0 =	simm.s32 @p1 $0x1  }
0x15: {  	[smem:$0x3F8A] =	sst s0;
	s0 =	simm.s32 @!p2 $0x0  }
0x16: {  	s3 =	sld [smem:$0x3FDB];
	s0 =	simm.s32 @p2 $0x1  }
0x17: {  	s4 =	simm.s32 $0x1BF5;
	[smem:$0x3F8C] =	sst s0  }
0x18: {  	s0 =	sld [smem:$0x3F6F];
	_ =	swait.ge [sflag:s4], $0x0  }
0x19: {  	s7 =	sld [smem:$0x3F70]  }
0x1a: {  	s8 =	sadd.s32 $0xFFFFE003, lr  }
0x1b: {  	s9 =	sadd.s32 $0xFFFFFEF7, lr;
	s5 =	simm.s32 $0xFFFFFFFF;
	p2 =	slt.u32 s8, $0xFFFFF086  }
0x1c: {  	p1 =	slt.u32 s9, $0xF7A;
	s5 =	simm.s32 @!p2 $0x0  }
0x1d: {  	s5 =	simm.s32 @p1 $0x1;
	p0 =	seq.s32 s7, s2  }
0x1e: {  	s7 =	smul.u32 @!p0 $0xF7A, s2;
	p2 =	seq.s32 @!p0 s5, $0x0  }
0x1f: {  	s9 =	smul.u32 $0xF7A, s1;
	s8 =	simm.s32 @!p0 $0x1BF5;
	p2 =	por !p2, p0  }
0x20: {  	[sflag:s8] =	ssyncset.s32 @!p0 $0xFFFFF086;
	s6 =	sadd.s32 @!p0 s3, s7;
	s7 =	simm.s32 @!p0 $0x108  }
0x21: {  	s3 =	sadd.s32 s3, s9;
	s6 =	sadd.s32 @!p0 $0x88, s6;
	s7 =	simm.s32 @p2 $0x1082  }
0x22: {  	[simem:s7], [sflag:s8] =	dma.local @!p0 [hbm:s6], $0xF7A  }
0x23: {  	s9 =	sor.u32 $0xD0000000, s2;
	s6 =	simm.s32 $0x108;
	_ =	swait.ge @!p0 [sflag:s8], $0x0  }
0x24: {  	s3 =	sadd.s32 $0x88, s3;
	s6 =	simm.s32 @!p1 $0x1082;
	[sflag:s4] =	ssyncset.s32 $0xFFFFF086  }
0x25: {  	[simem:s6], [sflag:s4] =	dma.local [hbm:s3], $0xF7A  }
0x26: {  	[smem:$0x3F70] =	sst s1;
	(tag) =	ssettag s2;
	_ =	strace s9  }
0x27: {  	s1 =	sld [smem:$0x3F80]  }
0x28: {  	s2 =	sld [smem:$0x3F81]  }
0x29: {  	s4 =	sld [smem:$0x3F83]  }
0x2a: {  	p0 =	seq.s32 s5, $0x0;
	s5 =	sld [smem:$0x3F84]  }
0x2b: {  	s6 =	sld [smem:$0x3F85]  }
0x2c: {  	s7 =	sld [smem:$0x3F86]  }
0x2d: {  	s3 =	simm.s32 $0x108;
	s8 =	sld [smem:$0x3F87]  }
0x2e: {  	s3 =	simm.s32 @!p0 $0x1082;
	s9 =	sld [smem:$0x3F88]  }
0x2f: {  	lr =	sadd.s32 s0, s3;
	s0 =	sld [smem:$0x3F7F]  }
0x30: {  	s3 =	sld [smem:$0x3F82]  }
0x31: {  	[smem:$0x3F8B] =	sst s10  }
0x32: {  	s10 =	sld [smem:$0x3F89];
	_ =	sdelay $0x3  }
0x33: {  	p0 =	seq.s32 s10, $0x1;
	s10 =	sld [smem:$0x3F8B];
	_ =	sdelay $0x3  }
0x34: {  	[smem:$0x3F8B] =	sst s10  }
0x35: {  	s10 =	sld [smem:$0x3F8A];
	_ =	sdelay $0x3  }
0x36: {  	p1 =	seq.s32 s10, $0x1;
	s10 =	sld [smem:$0x3F8B];
	_ =	sdelay $0x3  }
0x37: {  	[smem:$0x3F8B] =	sst s10  }
0x38: {  	s10 =	sld [smem:$0x3F8C]  }
0x39: {  	_ = 	snop;
	(pc) =	sbr.ind lr, $3  }
0x3a: {  	_ = 	snop  }
0x3b: {  	_ = 	snop  }
0x3c: {  	p2 =	seq.s32 s10, $0x1;
	s10 =	sld [smem:$0x3F8B]  }
0x3d: {  	_ =	shalt  }
0x3e: {  	_ =	shalt  }
0x3f: {  	_ =	shalt  }
0x40: {  	_ =	shalt  }
0x41: {  	_ =	shalt  }
0x42: {  	_ =	shalt  }
0x43: {  	_ =	shalt  }
0x44: {  	_ =	shalt  }
0x45: {  	_ =	shalt  }
0x46: {  	_ =	shalt  }
0x47: {  	_ =	shalt  }
0x48: {  	_ =	shalt  }
0x49: {  	_ =	shalt  }
0x4a: {  	_ =	shalt  }
0x4b: {  	_ =	shalt  }
0x4c: {  	_ =	shalt  }
0x4d: {  	_ =	shalt  }
0x4e: {  	_ =	shalt  }
0x4f: {  	_ =	shalt  }
0x50: {  	_ =	shalt  }
0x51: {  	_ =	shalt  }
0x52: {  	_ =	shalt  }
0x53: {  	_ =	shalt  }
0x54: {  	_ =	shalt  }
0x55: {  	_ =	shalt  }
0x56: {  	_ =	shalt  }
0x57: {  	_ =	shalt  }
0x58: {  	_ =	shalt  }
0x59: {  	_ =	shalt  }
0x5a: {  	_ =	shalt  }
0x5b: {  	_ =	shalt  }
0x5c: {  	_ =	shalt  }
0x5d: {  	_ =	shalt  }
0x5e: {  	_ =	shalt  }
0x5f: {  	_ =	shalt  }
0x60: {  	_ =	shalt  }
0x61: {  	_ =	shalt  }
0x62: {  	_ =	shalt  }
0x63: {  	_ =	shalt  }
0x64: {  	_ =	shalt  }
0x65: {  	_ =	shalt  }
0x66: {  	_ =	shalt  }
0x67: {  	_ =	shalt  }
0x68: {  	_ =	shalt  }
0x69: {  	_ =	shalt  }
0x6a: {  	_ =	shalt  }
0x6b: {  	_ =	shalt  }
0x6c: {  	_ =	shalt  }
0x6d: {  	_ =	shalt  }
0x6e: {  	_ =	shalt  }
0x6f: {  	_ =	shalt  }
0x70: {  	_ =	shalt  }
0x71: {  	_ =	shalt  }
0x72: {  	_ =	shalt  }
0x73: {  	_ =	shalt  }
0x74: {  	_ =	shalt  }
0x75: {  	_ =	shalt  }
0x76: {  	_ =	shalt  }
0x77: {  	_ =	shalt  }
0x78: {  	_ =	shalt  }
0x79: {  	_ =	shalt  }
0x7a: {  	_ =	shalt  }
0x7b: {  	_ =	shalt  }
0x7c: {  	_ =	shalt  }
0x7d: {  	_ =	shalt  }
0x7e: {  	_ =	shalt  }
0x7f: {  	_ =	shalt  }
0x80: {  	_ =	shalt  }
0x81: {  	_ =	shalt  }
0x82: {  	_ =	shalt  }
0x83: {  	_ =	shalt  }
0x84: {  	_ =	shalt  }
0x85: {  	_ =	shalt  }
0x86: {  	_ =	shalt  }
0x87: {  	_ =	shalt  }
.Lfunc_end0:
.L_simem_size_0:
called_computation.1_lowered:
.L_overlay_start_0:
0x88: {  	s2 =	sld [smem:$0x3FD9]  }
0x89: {  	s3 =	sld [smem:$0x3FFE];
	_ =	sdelay $0x1  }
0x8a: {  	s1 =	srdreg.scid  }
0x8b: {  	s0 =	sand.u32 $0x1, s1  }
0x8c: {  	s16 =	sshll.u32 s0, $0xA;
	s2 =	sadd.s32 s3, s2  }
0x8d: {  	s2 =	sadd.s32 s2, s16  }
0x8e: {  	[smem:$0x3F97] =	sst s2  }
0x8f: {  	_ = 	snop  }
0x90: {  	(tm) =	ssettm $0x1  }
0x91: {  	s17 =	sld [smem:$0x3FFB];
	_ =	sdelay $0x3  }
0x92: {  	_ =	strace s17  }
0x93: {  	s2 =	sld [smem:$0x3FFC];
	_ =	sdelay $0x3  }
0x94: {  	_ =	strace s2  }
0x95: {  	s2 =	sld [smem:$0x3FFD];
	_ =	sdelay $0x3  }
0x96: {  	_ =	strace s2  }
0x97: {  	_ =	strace $0x8FFFFFFF  }
0x98: {  	s18 =	sld [smem:$0x3FDB];
	_ =	sdelay $0x1  }
0x99: {  	s19 =	simm.s32 $_scs_section_size  }
0x9a: {  	s4 =	simm.s32 $_size__tile_overlayer_lowered;
	s5 =	simm.s32 $_tile_overlayer_lowered  }
0x9b: {  	s22 =	simm.s32 $0x1BFF;
	s21 =	sshll.u32 s5, $0x1;
	s2 =	sadd.s32 s19, s18  }
0x9c: {  	s6 =	simm.s32 $0x0;
	s20 =	sshll.u32 s4, $0x1;
	s4 =	sadd.s32 s21, s2  }
0x9d: {  	[timem:s6], [sflag:s22] =	dma.local [hbm:s4], s20  }
0x9e: {  	_ =	swait.ge [sflag:s22], s20  }
0x9f: {  	s3 =	ssub.s32 $0x0, s20;
	[sflag:s22] =	ssyncset.done $0x0  }
0xa0: {  	[sflag:s22] =	ssyncadd.s32 s3;
	_ =	sdelay $0x1  }
0xa1: {  	s23 =	simm.s32 $0x1B8B  }
0xa2: {  	_ =	swait.ge [sflag:s23], $0x1  }
0xa3: {  	[sflag:s23] =	ssyncset.done $0x0  }
0xa4: {  	s25 =	simm.s32 $0x1B8E;
	s24 =	sld [smem:$0x3FFE];
	[sflag:s23] =	ssyncadd.s32 $0xFFFFFFFF  }
0xa5: {  	s26 =	simm.s32 $execute0_lowered;
	[smem:$0x3FD2] =	sst s25  }
0xa6: {  	s4 =	sshll.u32 s26, $0x1;
	_ =	strace $0x80000049;
	[dreg:$0x1] =	wrdreg $0xFFFFFFFF  }
0xa7: {  	s28 =	simm.s32 $_size_execute0_lowered;
	s2 =	sadd.s32 s2, s4;
	[dreg:$0x0] =	wrdreg $0x0  }
0xa8: {  	s4 =	sshll.u32 s28, $0x1;
	[dreg:$0x2] =	wrdreg s2  }
0xa9: {  	[dreg:$0x3] =	wrdreg s4  }
0xaa: {  	[dreg:$0x4] =	wrdreg $0xC0  }
0xab: {  	_ =	task [dreg:s6], $0x5FFFF  }
0xac: {  	[dreg:$0x1] =	wrdreg $0xFFFFFFFF  }
0xad: {  	[dreg:$0x0] =	wrdreg $0x60  }
0xae: {  	[dreg:$0x2] =	wrdreg s24  }
0xaf: {  	[dreg:$0x3] =	wrdreg $0x0  }
0xb0: {  	[dreg:$0x4] =	wrdreg $0x9  }
0xb1: {  	_ =	task.clear_ibuf [dreg:s6], $0x5FFFF;
	_ =	strace $0x90000049  }
0xb2: {  	s29 =	simm.s32 $0x9;
	_ =	strace $0x8000004B  }
0xb3: {  	_ =	swait.ge [sflag:s29], $0x1  }
0xb4: {  	[sflag:s29] =	ssyncadd.s32 $0xFFFFFFFF  }
0xb5: {  	_ =	strace $0x9000004B  }
0xb6: {  	_ =	sfence  }
0xb7: {  	s30 =	sld [smem:$0x0];
	_ =	sdelay $0x2  }
0xb8: {  	s31 =	sshll.u32 s1, $0xD;
	s1 =	sshrl.u32 s1, $0x2  }
0xb9: {  	s3 =	sand.u32 $0x4000, s31;
	s1 =	sadd.s32 s1, s30  }
0xba: {  	s0 =	sor.u32 s3, s0;
	s1 =	sshll.u32 s1, $0x11  }
0xbb: {  	s0 =	sor.u32 s1, s0  }
0xbc: {  	s0 =	sadd.s32 $0x8F2B, s0  }
0xbd: {  	[sflag:s0] =	ssyncadd.remote.s32 $0x1  }
0xbe: {  	_ =	sfence.sel $0xFFFF  }
0xbf: {  	[dreg:$0x0] =	wrdreg $0xFFFFFFFF;
	(pc) =	sbr.abs _section_cstart, $3  }
0xc0: {  	[dreg:$0x1] =	wrdreg $0xFFFFFFFF  }
0xc1: {  	_ =	task.clear_ibuf [dreg:s6], $0x2FFFF;
	_ =	strace $0x9FFFFFFF  }
0xc2: {  	(tm) =	ssettm $0x7FFFFFFF  }
0xc3: {  	_ =	shalt  }
tec
execute0_lowered:
.L_overlay_start_1:
0x0: {  	(tag) =	ssettag $0x1  }
0x1: {  	s5 =	rddreg [dreg:$0x0]  }
0x2: {  	s2 =	rddreg [dreg:$0x1]  }
0x3: {  	s0 =	rddreg [dreg:$0x2]  }
0x4: {  	s1 =	stileid.u32;
	s3 =	simm.s32 $0x0;
	s4 =	srdreg.scid  }
0x5: {  	s13 =	simm.s32 $0x13C00;
	s14 =	simm.s32 $0x13C80;
	s15 =	simm.s32 $0x50  }
0x6: {  	s17 =	simm.s32 $0x1;
	s18 =	simm.s32 $0x0;
	s6 =	smul.u32 $0x9C4, s1  }
0x7: {  	[smem:$0x7FF] =	sst s3;
	s7 =	smul.u32 $0x2780, s1;
	s8 =	sand.u32 $0x1, s4  }
0x8: {  	s4 =	sadd.s32 $0x45800, s5;
	s28 =	smul.u32 $0x4F000, s1;
	s31 =	sshll.u32 s1, $0x6  }
0x9: {  	_ =	strace $0x8000004A;
	s9 =	smul.u32 $0x27800, s8;
	s29 =	ssub.s32 $0x2, s8  }
0xa: {  	s16 =	smul.u32 $0x2710, s8;
	s10 =	sadd.s32 s6, s5;
	s11 =	sadd.s32 s7, s5  }
0xb: {  	s30 =	sshrl.u32 s29, $0x1;
	s6 =	sshrl.u32 s28, $0x2;
	s7 =	sadd.s32 s7, s9  }
0xc: {  	s9 =	ssub.s32 s29, s30;
	s12 =	sadd.s32 s6, s2;
	s6 =	sor.u32 $0x1C02, s31  }
0xd: {  	v0 =	vmov s16;
	s16 =	simm.s32 $0x13D00;
	s7 =	sadd.s32 s7, s5;
	s5 =	sadd.s32 $0x1E000, s11  }
0xe: {  	s8 =	smax.u32 s9, $0x1;
	s9 =	sadd.s32 $0xA400, s10;
	s10 =	sadd.s32 $0x14200, s10  }
0xf: {  	s11 =	sshrl.u32 s12, $0x3;
	s12 =	simm.s32 $0x2;
	s7 =	sadd.s32 $0x94200, s7  }
.LBB2_1:
0x10: {  	[spmem:s11], [sflag:s6] =	dma.local [hbm:s5], $0x2780  }
0x11: {  	_ =	swait.ge [sflag:s12], $0x2780  }
0x12: {  	[sflag:s12] =	ssyncset.done $0x0  }
0x13: {  	[sflag:s12] =	ssyncadd.s32 $0xFFFFD880  }
0x14: {  	s19 =	sadd.s32 $0x0, s10;
	[bflag:$0x0] =	sbarrier.arrive $0xFFFF  }
0x15: {  	[tilespmem:s13], [sflag:$0x2] =	stream.linear.gather [hbm4b:s19+s3], $0x50, $0x38;
	[tilespmem:$0x16500] =	vst v63  }
0x16: {  	_ =	swait.ge [sflag:s12], $0x50  }
0x17: {  	[sflag:s12] =	ssyncset.done $0x0  }
0x18: {  	s31 =	sadd.s32 $0x0, s9;
	[sflag:s12] =	ssyncadd.s32 $0xFFFFFFB0  }
0x19: {  	[tilespmem:s14], [sflag:$0x2] =	stream.linear.gather [hbm4b:s31+s3], $0x50, $0x38;
	[tilespmem:$0x16500] =	vst v63  }
0x1a: {  	_ =	swait.ge [sflag:s12], $0x50  }
0x1b: {  	[sflag:s12] =	ssyncset.done $0x0  }
0x1c: {  	[sflag:s12] =	ssyncadd.s32 $0xFFFFFFB0  }
0x1d: {  	v1 =	vld [tilespmem:$0x13C40]  }
0x1e: {  	v2 =	vld [tilespmem:$0x13C20]  }
0x1f: {  	v3 =	vld [tilespmem:$0x13C30]  }
0x20: {  	v4 =	vld [tilespmem:$0x13C10]  }
0x21: {  	v5 =	vld [tilespmem:$0x13C00]  }
0x22: {  	v1 =	vadd.s32 v0, v1  }
0x23: {  	v2 =	vadd.s32 v0, v2;
	[tilespmem:$0x13C40] =	vst v1  }
0x24: {  	[tilespmem:$0x13C20] =	vst v2;
	v1 =	vadd.s32 v0, v3  }
0x25: {  	v2 =	vadd.s32 v0, v4;
	[tilespmem:$0x13C30] =	vst v1  }
0x26: {  	v1 =	vadd.s32 v0, v5;
	[tilespmem:$0x13C10] =	vst v2  }
0x27: {  	[tilespmem:$0x13C00] =	vst v1  }
0x28: {  	[tilespmem:s16], [sflag:$0x1] =	stream.indirect.gather [hbm4b:s4+s15], $0x80, s13, s15, $0xb8;
	[tilespmem:$0x16500] =	vst v63  }
0x29: {  	_ =	swait.ge [sflag:s17], $0x2800  }
0x2a: {  	s19 =	simm.s32 $0xA;
	[sflag:s17] =	ssyncset.done $0x0  }
.LBB2_2:
0x2b: {  	p0 =	sne.s32 s19, $0x9BA  }
0x2c: {  	[sflag:s17] =	ssyncadd.s32 $0xFFFFD800;
	s20 =	smov.u32 s19;
	s19 =	sadd.s32 $0xA, s19  }
0x2d: {  	[spmem:s2] =	stream.indirect.scatter.add.f32 [tilespmem:s16], [sflag:$0x2], $0x80, s14, s15, $0xb8;
	[tilespmem:$0x16500] =	vst v63  }
0x2e: {  	_ =	swait.ge [sflag:s12], $0x2800  }
0x2f: {  	[sflag:s12] =	ssyncset.done $0x0  }
0x30: {  	s21 =	sadd.s32 s20, s10;
	[sflag:s12] =	ssyncadd.s32 $0xFFFFD800  }
0x31: {  	[tilespmem:s13], [sflag:$0x2] =	stream.linear.gather [hbm4b:s21+s3], $0x50, $0x38;
	[tilespmem:$0x16500] =	vst v63  }
0x32: {  	_ =	swait.ge [sflag:s12], $0x50  }
0x33: {  	[sflag:s12] =	ssyncset.done $0x0  }
0x34: {  	s20 =	sadd.s32 s20, s9;
	[sflag:s12] =	ssyncadd.s32 $0xFFFFFFB0  }
0x35: {  	[tilespmem:s14], [sflag:$0x2] =	stream.linear.gather [hbm4b:s20+s3], $0x50, $0x38;
	[tilespmem:$0x16500] =	vst v63  }
0x36: {  	_ =	swait.ge [sflag:s12], $0x50  }
0x37: {  	[sflag:s12] =	ssyncset.done $0x0  }
0x38: {  	[sflag:s12] =	ssyncadd.s32 $0xFFFFFFB0  }
0x39: {  	v1 =	vld [tilespmem:$0x13C40]  }
0x3a: {  	v2 =	vld [tilespmem:$0x13C20]  }
0x3b: {  	v3 =	vld [tilespmem:$0x13C30]  }
0x3c: {  	v4 =	vld [tilespmem:$0x13C10]  }
0x3d: {  	v5 =	vld [tilespmem:$0x13C00]  }
0x3e: {  	v1 =	vadd.s32 v0, v1  }
0x3f: {  	v2 =	vadd.s32 v0, v2;
	[tilespmem:$0x13C40] =	vst v1  }
0x40: {  	[tilespmem:$0x13C20] =	vst v2;
	v1 =	vadd.s32 v0, v3  }
0x41: {  	v2 =	vadd.s32 v0, v4;
	[tilespmem:$0x13C30] =	vst v1  }
.Ltmp0:
0x42: {  	v1 =	vadd.s32 v0, v5;
	[tilespmem:$0x13C10] =	vst v2;
	(pc) =	sbr.rel @p0 .LBB2_2-.Ltmp0, $4  }
0x43: {  	[tilespmem:$0x13C00] =	vst v1  }
0x44: {  	[tilespmem:s16], [sflag:$0x1] =	stream.indirect.gather [hbm4b:s4+s15], $0x80, s13, s15, $0xb8;
	[tilespmem:$0x16500] =	vst v63  }
0x45: {  	_ =	swait.ge [sflag:s17], $0x2800  }
0x46: {  	[sflag:s17] =	ssyncset.done $0x0  }
0x47: {  	[sflag:s17] =	ssyncadd.s32 $0xFFFFD800  }
0x48: {  	[spmem:s2] =	stream.indirect.scatter.add.f32 [tilespmem:s16], [sflag:$0x2], $0x80, s14, s15, $0xb8;
	[tilespmem:$0x16500] =	vst v63  }
0x49: {  	_ =	swait.ge [sflag:s12], $0x2800  }
0x4a: {  	s18 =	sadd.s32 $0x1, s18;
	[sflag:s12] =	ssyncset.done $0x0  }
0x4b: {  	p0 =	sne.s32 s18, s8;
	[sflag:s12] =	ssyncadd.s32 $0xFFFFD800  }
.Ltmp1:
0x4c: {  	[bflag:$0x0] =	sbarrier.arrive $0xFFFF;
	(pc) =	sbr.rel @p0 .LBB2_1-.Ltmp1, $4  }
0x4d: {  	[hbm:s7], [sflag:s6] =	dma.local [spmem:s11], $0x2780  }
0x4e: {  	_ =	swait.ge [sflag:s12], $0x2780  }
0x4f: {  	[sflag:s12] =	ssyncset.done $0x0  }
0x50: {  	[sflag:s12] =	ssyncadd.s32 $0xFFFFD880  }
0x51: {  	_ =	sfence.sel $0x180000  }
0x52: {  	[bflag:$0x0] =	sbarrier.arrive $0xFFFF  }
0x53: {  	p0 =	sne.s32 s1, $0x0;
	_ =	strace $0x9000004A  }
0x54: {  	s0 =	sadd.s32 @!p0 $0x100000, s0;
	[bflag:$0x2] =	sbarrier.arrive $0xFFFF  }
0x55: {  	[sflag:s0] =	ssyncadd.tile.s32 @!p0 $0x1;
	_ =	shalt  }
.Lfunc_end2:
_tile_overlayer_lowered:
.L_overlay_start_2:
0x56: {  	(tag) =	ssettag $0x2  }
0x57: {  	s0 =	rddreg [dreg:$0x0];
	s2 =	stileid.u32  }
0x58: {  	s1 =	rddreg [dreg:$0x1];
	p0 =	sne.s32 s2, $0x0  }
0x59: {  	s3 =	rddreg [dreg:$0x2];
	[bflag:$0x3] =	sbarrier.arrive $0xFFFF;
	s2 =	simm.s32 @!p0 $0x1C02  }
0x5a: {  	[timem:s3], [sflag:s2] =	dma.local @!p0 [hbm:s0], s1  }
0x5b: {  	s0 =	simm.s32 @!p0 $0x2  }
0x5c: {  	_ =	swait.ge @!p0 [sflag:s0], s1  }
0x5d: {  	s1 =	ssub.s32 @!p0 $0x0, s1;
	[sflag:s0] =	ssyncset.done @!p0 $0x0  }
0x5e: {  	[sflag:s0] =	ssyncadd.s32 @!p0 s1  }
0x5f: {  	[bflag:$0x3] =	sbarrier.arrive $0xFFFF  }
0x60: {  	_ =	shalt  }

// kernel: kernel.25.cloned.1.call-start
scs
__scs_entry_jumppad:
0x0: {  	(pc) =	sbr.rel $0x88, $3  }
0x1: {  	(tag) =	ssettag $0x0;
	lr =	simm.s32 $0x1  }
0x2: {  	[smem:$0x3F70] =	sst lr;
	_ =	strace $0xD0000000  }
0x3: {  	_ = 	snop  }
0x4: {  	_ = 	snop  }
0x5: {  	_ = 	snop  }
0x6: {  	_ = 	snop  }
0x7: {  	_ = 	snop  }
__scs_overlays_trampoline_lowered:
0x8: {  	[smem:$0x3F7F] =	sst s0  }
0x9: {  	[smem:$0x3F80] =	sst s1  }
0xa: {  	[smem:$0x3F81] =	sst s2  }
0xb: {  	[smem:$0x3F82] =	sst s3  }
0xc: {  	[smem:$0x3F83] =	sst s4  }
0xd: {  	[smem:$0x3F84] =	sst s5  }
0xe: {  	[smem:$0x3F85] =	sst s6  }
0xf: {  	[smem:$0x3F86] =	sst s7  }
0x10: {  	[smem:$0x3F87] =	sst s8  }
0x11: {  	[smem:$0x3F88] =	sst s9;
	s0 =	simm.s32 @!p0 $0x0  }
0x12: {  	s1 =	sld [smem:$0x3F6E];
	s0 =	simm.s32 @p0 $0x1  }
0x13: {  	[smem:$0x3F89] =	sst s0;
	s0 =	simm.s32 @!p1 $0x0  }
0x14: {  	s2 =	sld [smem:$0x3F6D];
	s0 =	simm.s32 @p1 $0x1  }
0x15: {  	[smem:$0x3F8A] =	sst s0;
	s0 =	simm.s32 @!p2 $0x0  }
0x16: {  	s3 =	sld [smem:$0x3FDB];
	s0 =	simm.s32 @p2 $0x1  }
0x17: {  	s4 =	simm.s32 $0x1BF5;
	[smem:$0x3F8C] =	sst s0  }
0x18: {  	s0 =	sld [smem:$0x3F6F];
	_ =	swait.ge [sflag:s4], $0x0  }
0x19: {  	s7 =	sld [smem:$0x3F70]  }
0x1a: {  	s8 =	sadd.s32 $0xFFFFE003, lr  }
0x1b: {  	s9 =	sadd.s32 $0xFFFFFEF7, lr;
	s5 =	simm.s32 $0xFFFFFFFF;
	p2 =	slt.u32 s8, $0xFFFFF086  }
0x1c: {  	p1 =	slt.u32 s9, $0xF7A;
	s5 =	simm.s32 @!p2 $0x0  }
0x1d: {  	s5 =	simm.s32 @p1 $0x1;
	p0 =	seq.s32 s7, s2  }
0x1e: {  	s7 =	smul.u32 @!p0 $0xF7A, s2;
	p2 =	seq.s32 @!p0 s5, $0x0  }
0x1f: {  	s9 =	smul.u32 $0xF7A, s1;
	s8 =	simm.s32 @!p0 $0x1BF5;
	p2 =	por !p2, p0  }
0x20: {  	[sflag:s8] =	ssyncset.s32 @!p0 $0xFFFFF086;
	s6 =	sadd.s32 @!p0 s3, s7;
	s7 =	simm.s32 @!p0 $0x108  }
0x21: {  	s3 =	sadd.s32 s3, s9;
	s6 =	sadd.s32 @!p0 $0x88, s6;
	s7 =	simm.s32 @p2 $0x1082  }
0x22: {  	[simem:s7], [sflag:s8] =	dma.local @!p0 [hbm:s6], $0xF7A  }
0x23: {  	s9 =	sor.u32 $0xD0000000, s2;
	s6 =	simm.s32 $0x108;
	_ =	swait.ge @!p0 [sflag:s8], $0x0  }
0x24: {  	s3 =	sadd.s32 $0x88, s3;
	s6 =	simm.s32 @!p1 $0x1082;
	[sflag:s4] =	ssyncset.s32 $0xFFFFF086  }
0x25: {  	[simem:s6], [sflag:s4] =	dma.local [hbm:s3], $0xF7A  }
0x26: {  	[smem:$0x3F70] =	sst s1;
	(tag) =	ssettag s2;
	_ =	strace s9  }
0x27: {  	s1 =	sld [smem:$0x3F80]  }
0x28: {  	s2 =	sld [smem:$0x3F81]  }
0x29: {  	s4 =	sld [smem:$0x3F83]  }
0x2a: {  	p0 =	seq.s32 s5, $0x0;
	s5 =	sld [smem:$0x3F84]  }
0x2b: {  	s6 =	sld [smem:$0x3F85]  }
0x2c: {  	s7 =	sld [smem:$0x3F86]  }
0x2d: {  	s3 =	simm.s32 $0x108;
	s8 =	sld [smem:$0x3F87]  }
0x2e: {  	s3 =	simm.s32 @!p0 $0x1082;
	s9 =	sld [smem:$0x3F88]  }
0x2f: {  	lr =	sadd.s32 s0, s3;
	s0 =	sld [smem:$0x3F7F]  }
0x30: {  	s3 =	sld [smem:$0x3F82]  }
0x31: {  	[smem:$0x3F8B] =	sst s10  }
0x32: {  	s10 =	sld [smem:$0x3F89];
	_ =	sdelay $0x3  }
0x33: {  	p0 =	seq.s32 s10, $0x1;
	s10 =	sld [smem:$0x3F8B];
	_ =	sdelay $0x3  }
0x34: {  	[smem:$0x3F8B] =	sst s10  }
0x35: {  	s10 =	sld [smem:$0x3F8A];
	_ =	sdelay $0x3  }
0x36: {  	p1 =	seq.s32 s10, $0x1;
	s10 =	sld [smem:$0x3F8B];
	_ =	sdelay $0x3  }
0x37: {  	[smem:$0x3F8B] =	sst s10  }
0x38: {  	s10 =	sld [smem:$0x3F8C]  }
0x39: {  	_ = 	snop;
	(pc) =	sbr.ind lr, $3  }
0x3a: {  	_ = 	snop  }
0x3b: {  	_ = 	snop  }
0x3c: {  	p2 =	seq.s32 s10, $0x1;
	s10 =	sld [smem:$0x3F8B]  }
0x3d: {  	_ =	shalt  }
0x3e: {  	_ =	shalt  }
0x3f: {  	_ =	shalt  }
0x40: {  	_ =	shalt  }
0x41: {  	_ =	shalt  }
0x42: {  	_ =	shalt  }
0x43: {  	_ =	shalt  }
0x44: {  	_ =	shalt  }
0x45: {  	_ =	shalt  }
0x46: {  	_ =	shalt  }
0x47: {  	_ =	shalt  }
0x48: {  	_ =	shalt  }
0x49: {  	_ =	shalt  }
0x4a: {  	_ =	shalt  }
0x4b: {  	_ =	shalt  }
0x4c: {  	_ =	shalt  }
0x4d: {  	_ =	shalt  }
0x4e: {  	_ =	shalt  }
0x4f: {  	_ =	shalt  }
0x50: {  	_ =	shalt  }
0x51: {  	_ =	shalt  }
0x52: {  	_ =	shalt  }
0x53: {  	_ =	shalt  }
0x54: {  	_ =	shalt  }
0x55: {  	_ =	shalt  }
0x56: {  	_ =	shalt  }
0x57: {  	_ =	shalt  }
0x58: {  	_ =	shalt  }
0x59: {  	_ =	shalt  }
0x5a: {  	_ =	shalt  }
0x5b: {  	_ =	shalt  }
0x5c: {  	_ =	shalt  }
0x5d: {  	_ =	shalt  }
0x5e: {  	_ =	shalt  }
0x5f: {  	_ =	shalt  }
0x60: {  	_ =	shalt  }
0x61: {  	_ =	shalt  }
0x62: {  	_ =	shalt  }
0x63: {  	_ =	shalt  }
0x64: {  	_ =	shalt  }
0x65: {  	_ =	shalt  }
0x66: {  	_ =	shalt  }
0x67: {  	_ =	shalt  }
0x68: {  	_ =	shalt  }
0x69: {  	_ =	shalt  }
0x6a: {  	_ =	shalt  }
0x6b: {  	_ =	shalt  }
0x6c: {  	_ =	shalt  }
0x6d: {  	_ =	shalt  }
0x6e: {  	_ =	shalt  }
0x6f: {  	_ =	shalt  }
0x70: {  	_ =	shalt  }
0x71: {  	_ =	shalt  }
0x72: {  	_ =	shalt  }
0x73: {  	_ =	shalt  }
0x74: {  	_ =	shalt  }
0x75: {  	_ =	shalt  }
0x76: {  	_ =	shalt  }
0x77: {  	_ =	shalt  }
0x78: {  	_ =	shalt  }
0x79: {  	_ =	shalt  }
0x7a: {  	_ =	shalt  }
0x7b: {  	_ =	shalt  }
0x7c: {  	_ =	shalt  }
0x7d: {  	_ =	shalt  }
0x7e: {  	_ =	shalt  }
0x7f: {  	_ =	shalt  }
0x80: {  	_ =	shalt  }
0x81: {  	_ =	shalt  }
0x82: {  	_ =	shalt  }
0x83: {  	_ =	shalt  }
0x84: {  	_ =	shalt  }
0x85: {  	_ =	shalt  }
0x86: {  	_ =	shalt  }
0x87: {  	_ =	shalt  }
.Lfunc_end0:
.L_simem_size_0:
called_computation.2_lowered:
.L_overlay_start_0:
0x88: {  	s2 =	sld [smem:$0x3FD9]  }
0x89: {  	s3 =	sld [smem:$0x3FFE];
	_ =	sdelay $0x1  }
0x8a: {  	s1 =	srdreg.scid  }
0x8b: {  	s0 =	sand.u32 $0x1, s1  }
0x8c: {  	s16 =	sshll.u32 s0, $0xA;
	s2 =	sadd.s32 s3, s2  }
0x8d: {  	s2 =	sadd.s32 s2, s16  }
0x8e: {  	[smem:$0x3F97] =	sst s2  }
0x8f: {  	_ = 	snop  }
0x90: {  	(tm) =	ssettm $0x1  }
0x91: {  	s17 =	sld [smem:$0x3FFB];
	_ =	sdelay $0x3  }
0x92: {  	_ =	strace s17  }
0x93: {  	s2 =	sld [smem:$0x3FFC];
	_ =	sdelay $0x3  }
0x94: {  	_ =	strace s2  }
0x95: {  	s2 =	sld [smem:$0x3FFD];
	_ =	sdelay $0x3  }
0x96: {  	_ =	strace s2  }
0x97: {  	_ =	strace $0x8FFFFFFF  }
0x98: {  	s18 =	sld [smem:$0x3FDB];
	_ =	sdelay $0x1  }
0x99: {  	s19 =	simm.s32 $_scs_section_size  }
0x9a: {  	s4 =	simm.s32 $_size__tile_overlayer_lowered;
	s5 =	simm.s32 $_tile_overlayer_lowered  }
0x9b: {  	s22 =	simm.s32 $0x1BFF;
	s21 =	sshll.u32 s5, $0x1;
	s2 =	sadd.s32 s19, s18  }
0x9c: {  	s6 =	simm.s32 $0x0;
	s20 =	sshll.u32 s4, $0x1;
	s4 =	sadd.s32 s21, s2  }
0x9d: {  	[timem:s6], [sflag:s22] =	dma.local [hbm:s4], s20  }
0x9e: {  	_ =	swait.ge [sflag:s22], s20  }
0x9f: {  	s3 =	ssub.s32 $0x0, s20;
	[sflag:s22] =	ssyncset.done $0x0  }
0xa0: {  	[sflag:s22] =	ssyncadd.s32 s3;
	_ =	sdelay $0x1  }
0xa1: {  	s23 =	simm.s32 $0x1B8B  }
0xa2: {  	_ =	swait.ge [sflag:s23], $0x1  }
0xa3: {  	[sflag:s23] =	ssyncset.done $0x0  }
0xa4: {  	s25 =	simm.s32 $0x1B8E;
	s24 =	sld [smem:$0x3FFE];
	[sflag:s23] =	ssyncadd.s32 $0xFFFFFFFF  }
0xa5: {  	s26 =	simm.s32 $execute0_lowered;
	[smem:$0x3FD2] =	sst s25  }
0xa6: {  	s4 =	sshll.u32 s26, $0x1;
	_ =	strace $0x8000004C;
	[dreg:$0x1] =	wrdreg $0xFFFFFFFF  }
0xa7: {  	s28 =	simm.s32 $_size_execute0_lowered;
	s2 =	sadd.s32 s2, s4;
	[dreg:$0x0] =	wrdreg $0x0  }
0xa8: {  	s4 =	sshll.u32 s28, $0x1;
	[dreg:$0x2] =	wrdreg s2  }
0xa9: {  	[dreg:$0x3] =	wrdreg s4  }
0xaa: {  	[dreg:$0x4] =	wrdreg $0xC0  }
0xab: {  	_ =	task [dreg:s6], $0x5FFFF  }
0xac: {  	[dreg:$0x1] =	wrdreg $0xFFFFFFFF  }
0xad: {  	[dreg:$0x0] =	wrdreg $0x60  }
0xae: {  	[dreg:$0x2] =	wrdreg s24  }
0xaf: {  	[dreg:$0x3] =	wrdreg $0x0  }
0xb0: {  	[dreg:$0x4] =	wrdreg $0x9  }
0xb1: {  	_ =	task.clear_ibuf [dreg:s6], $0x5FFFF;
	_ =	strace $0x9000004C  }
0xb2: {  	s29 =	simm.s32 $0x9;
	_ =	strace $0x8000004E  }
0xb3: {  	_ =	swait.ge [sflag:s29], $0x1  }
0xb4: {  	[sflag:s29] =	ssyncadd.s32 $0xFFFFFFFF  }
0xb5: {  	_ =	strace $0x9000004E  }
0xb6: {  	_ =	sfence  }
0xb7: {  	s30 =	sld [smem:$0x0];
	_ =	sdelay $0x2  }
0xb8: {  	s31 =	sshll.u32 s1, $0xD;
	s1 =	sshrl.u32 s1, $0x2  }
0xb9: {  	s3 =	sand.u32 $0x4000, s31;
	s1 =	sadd.s32 s1, s30  }
0xba: {  	s0 =	sor.u32 s3, s0;
	s1 =	sshll.u32 s1, $0x11  }
0xbb: {  	s0 =	sor.u32 s1, s0  }
0xbc: {  	s0 =	sadd.s32 $0x8F2B, s0  }
0xbd: {  	[sflag:s0] =	ssyncadd.remote.s32 $0x1  }
0xbe: {  	_ =	sfence.sel $0xFFFF  }
0xbf: {  	[dreg:$0x0] =	wrdreg $0xFFFFFFFF;
	(pc) =	sbr.abs _section_cstart, $3  }
0xc0: {  	[dreg:$0x1] =	wrdreg $0xFFFFFFFF  }
0xc1: {  	_ =	task.clear_ibuf [dreg:s6], $0x2FFFF;
	_ =	strace $0x9FFFFFFF  }
0xc2: {  	(tm) =	ssettm $0x7FFFFFFF  }
0xc3: {  	_ =	shalt  }
tec
execute0_lowered:
.L_overlay_start_1:
0x0: {  	(tag) =	ssettag $0x1  }
0x1: {  	s5 =	rddreg [dreg:$0x0]  }
0x2: {  	s2 =	rddreg [dreg:$0x1]  }
0x3: {  	s0 =	rddreg [dreg:$0x2]  }
0x4: {  	s1 =	stileid.u32;
	s3 =	simm.s32 $0x0;
	s4 =	srdreg.scid  }
0x5: {  	s13 =	simm.s32 $0x13C00;
	s14 =	simm.s32 $0x13C80;
	s15 =	simm.s32 $0x50  }
0x6: {  	s17 =	simm.s32 $0x1;
	s18 =	simm.s32 $0x0;
	s6 =	smul.u32 $0x9C4, s1  }
0x7: {  	[smem:$0x7FF] =	sst s3;
	s7 =	smul.u32 $0x2780, s1;
	s8 =	sand.u32 $0x1, s4  }
0x8: {  	s4 =	sadd.s32 $0x45800, s5;
	s28 =	smul.u32 $0x4F000, s1;
	s31 =	sshll.u32 s1, $0x6  }
0x9: {  	_ =	strace $0x8000004D;
	s9 =	smul.u32 $0x27800, s8;
	s29 =	ssub.s32 $0x2, s8  }
0xa: {  	s16 =	smul.u32 $0x2710, s8;
	s10 =	sadd.s32 s6, s5;
	s11 =	sadd.s32 s7, s5  }
0xb: {  	s30 =	sshrl.u32 s29, $0x1;
	s6 =	sshrl.u32 s28, $0x2;
	s7 =	sadd.s32 s7, s9  }
0xc: {  	s9 =	ssub.s32 s29, s30;
	s12 =	sadd.s32 s6, s2;
	s6 =	sor.u32 $0x1C02, s31  }
0xd: {  	v0 =	vmov s16;
	s16 =	simm.s32 $0x13D00;
	s7 =	sadd.s32 s7, s5;
	s5 =	sadd.s32 $0x1E000, s11  }
0xe: {  	s8 =	smax.u32 s9, $0x1;
	s9 =	sadd.s32 $0xA400, s10;
	s10 =	sadd.s32 $0x14200, s10  }
0xf: {  	s11 =	sshrl.u32 s12, $0x3;
	s12 =	simm.s32 $0x2;
	s7 =	sadd.s32 $0x94200, s7  }
.LBB2_1:
0x10: {  	[spmem:s11], [sflag:s6] =	dma.local [hbm:s5], $0x2780  }
0x11: {  	_ =	swait.ge [sflag:s12], $0x2780  }
0x12: {  	[sflag:s12] =	ssyncset.done $0x0  }
0x13: {  	[sflag:s12] =	ssyncadd.s32 $0xFFFFD880  }
0x14: {  	s19 =	sadd.s32 $0x0, s10;
	[bflag:$0x0] =	sbarrier.arrive $0xFFFF  }
0x15: {  	[tilespmem:s13], [sflag:$0x2] =	stream.linear.gather [hbm4b:s19+s3], $0x50, $0x38;
	[tilespmem:$0x16500] =	vst v63  }
0x16: {  	_ =	swait.ge [sflag:s12], $0x50  }
0x17: {  	[sflag:s12] =	ssyncset.done $0x0  }
0x18: {  	s31 =	sadd.s32 $0x0, s9;
	[sflag:s12] =	ssyncadd.s32 $0xFFFFFFB0  }
0x19: {  	[tilespmem:s14], [sflag:$0x2] =	stream.linear.gather [hbm4b:s31+s3], $0x50, $0x38;
	[tilespmem:$0x16500] =	vst v63  }
0x1a: {  	_ =	swait.ge [sflag:s12], $0x50  }
0x1b: {  	[sflag:s12] =	ssyncset.done $0x0  }
0x1c: {  	[sflag:s12] =	ssyncadd.s32 $0xFFFFFFB0  }
0x1d: {  	v1 =	vld [tilespmem:$0x13C40]  }
0x1e: {  	v2 =	vld [tilespmem:$0x13C20]  }
0x1f: {  	v3 =	vld [tilespmem:$0x13C30]  }
0x20: {  	v4 =	vld [tilespmem:$0x13C10]  }
0x21: {  	v5 =	vld [tilespmem:$0x13C00]  }
0x22: {  	v1 =	vadd.s32 v0, v1  }
0x23: {  	v2 =	vadd.s32 v0, v2;
	[tilespmem:$0x13C40] =	vst v1  }
0x24: {  	[tilespmem:$0x13C20] =	vst v2;
	v1 =	vadd.s32 v0, v3  }
0x25: {  	v2 =	vadd.s32 v0, v4;
	[tilespmem:$0x13C30] =	vst v1  }
0x26: {  	v1 =	vadd.s32 v0, v5;
	[tilespmem:$0x13C10] =	vst v2  }
0x27: {  	[tilespmem:$0x13C00] =	vst v1  }
0x28: {  	[tilespmem:s16], [sflag:$0x1] =	stream.indirect.gather [hbm4b:s4+s15], $0x80, s13, s15, $0xb8;
	[tilespmem:$0x16500] =	vst v63  }
0x29: {  	_ =	swait.ge [sflag:s17], $0x2800  }
0x2a: {  	s19 =	simm.s32 $0xA;
	[sflag:s17] =	ssyncset.done $0x0  }
.LBB2_2:
0x2b: {  	p0 =	sne.s32 s19, $0x9BA  }
0x2c: {  	[sflag:s17] =	ssyncadd.s32 $0xFFFFD800;
	s20 =	smov.u32 s19;
	s19 =	sadd.s32 $0xA, s19  }
0x2d: {  	[spmem:s2] =	stream.indirect.scatter.add.f32 [tilespmem:s16], [sflag:$0x2], $0x80, s14, s15, $0xb8;
	[tilespmem:$0x16500] =	vst v63  }
0x2e: {  	_ =	swait.ge [sflag:s12], $0x2800  }
0x2f: {  	[sflag:s12] =	ssyncset.done $0x0  }
0x30: {  	s21 =	sadd.s32 s20, s10;
	[sflag:s12] =	ssyncadd.s32 $0xFFFFD800  }
0x31: {  	[tilespmem:s13], [sflag:$0x2] =	stream.linear.gather [hbm4b:s21+s3], $0x50, $0x38;
	[tilespmem:$0x16500] =	vst v63  }
0x32: {  	_ =	swait.ge [sflag:s12], $0x50  }
0x33: {  	[sflag:s12] =	ssyncset.done $0x0  }
0x34: {  	s20 =	sadd.s32 s20, s9;
	[sflag:s12] =	ssyncadd.s32 $0xFFFFFFB0  }
0x35: {  	[tilespmem:s14], [sflag:$0x2] =	stream.linear.gather [hbm4b:s20+s3], $0x50, $0x38;
	[tilespmem:$0x16500] =	vst v63  }
0x36: {  	_ =	swait.ge [sflag:s12], $0x50  }
0x37: {  	[sflag:s12] =	ssyncset.done $0x0  }
0x38: {  	[sflag:s12] =	ssyncadd.s32 $0xFFFFFFB0  }
0x39: {  	v1 =	vld [tilespmem:$0x13C40]  }
0x3a: {  	v2 =	vld [tilespmem:$0x13C20]  }
0x3b: {  	v3 =	vld [tilespmem:$0x13C30]  }
0x3c: {  	v4 =	vld [tilespmem:$0x13C10]  }
0x3d: {  	v5 =	vld [tilespmem:$0x13C00]  }
0x3e: {  	v1 =	vadd.s32 v0, v1  }
0x3f: {  	v2 =	vadd.s32 v0, v2;
	[tilespmem:$0x13C40] =	vst v1  }
0x40: {  	[tilespmem:$0x13C20] =	vst v2;
	v1 =	vadd.s32 v0, v3  }
0x41: {  	v2 =	vadd.s32 v0, v4;
	[tilespmem:$0x13C30] =	vst v1  }
.Ltmp0:
0x42: {  	v1 =	vadd.s32 v0, v5;
	[tilespmem:$0x13C10] =	vst v2;
	(pc) =	sbr.rel @p0 .LBB2_2-.Ltmp0, $4  }
0x43: {  	[tilespmem:$0x13C00] =	vst v1  }
0x44: {  	[tilespmem:s16], [sflag:$0x1] =	stream.indirect.gather [hbm4b:s4+s15], $0x80, s13, s15, $0xb8;
	[tilespmem:$0x16500] =	vst v63  }
0x45: {  	_ =	swait.ge [sflag:s17], $0x2800  }
0x46: {  	[sflag:s17] =	ssyncset.done $0x0  }
0x47: {  	[sflag:s17] =	ssyncadd.s32 $0xFFFFD800  }
0x48: {  	[spmem:s2] =	stream.indirect.scatter.add.f32 [tilespmem:s16], [sflag:$0x2], $0x80, s14, s15, $0xb8;
	[tilespmem:$0x16500] =	vst v63  }
0x49: {  	_ =	swait.ge [sflag:s12], $0x2800  }
0x4a: {  	s18 =	sadd.s32 $0x1, s18;
	[sflag:s12] =	ssyncset.done $0x0  }
0x4b: {  	p0 =	sne.s32 s18, s8;
	[sflag:s12] =	ssyncadd.s32 $0xFFFFD800  }
.Ltmp1:
0x4c: {  	[bflag:$0x0] =	sbarrier.arrive $0xFFFF;
	(pc) =	sbr.rel @p0 .LBB2_1-.Ltmp1, $4  }
0x4d: {  	[hbm:s7], [sflag:s6] =	dma.local [spmem:s11], $0x2780  }
0x4e: {  	_ =	swait.ge [sflag:s12], $0x2780  }
0x4f: {  	[sflag:s12] =	ssyncset.done $0x0  }
0x50: {  	[sflag:s12] =	ssyncadd.s32 $0xFFFFD880  }
0x51: {  	_ =	sfence.sel $0x180000  }
0x52: {  	[bflag:$0x0] =	sbarrier.arrive $0xFFFF  }
0x53: {  	p0 =	sne.s32 s1, $0x0;
	_ =	strace $0x9000004D  }
0x54: {  	s0 =	sadd.s32 @!p0 $0x100000, s0;
	[bflag:$0x2] =	sbarrier.arrive $0xFFFF  }
0x55: {  	[sflag:s0] =	ssyncadd.tile.s32 @!p0 $0x1;
	_ =	shalt  }
.Lfunc_end2:
_tile_overlayer_lowered:
.L_overlay_start_2:
0x56: {  	(tag) =	ssettag $0x2  }
0x57: {  	s0 =	rddreg [dreg:$0x0];
	s2 =	stileid.u32  }
0x58: {  	s1 =	rddreg [dreg:$0x1];
	p0 =	sne.s32 s2, $0x0  }
0x59: {  	s3 =	rddreg [dreg:$0x2];
	[bflag:$0x3] =	sbarrier.arrive $0xFFFF;
	s2 =	simm.s32 @!p0 $0x1C02  }
0x5a: {  	[timem:s3], [sflag:s2] =	dma.local @!p0 [hbm:s0], s1  }
0x5b: {  	s0 =	simm.s32 @!p0 $0x2  }
0x5c: {  	_ =	swait.ge @!p0 [sflag:s0], s1  }
0x5d: {  	s1 =	ssub.s32 @!p0 $0x0, s1;
	[sflag:s0] =	ssyncset.done @!p0 $0x0  }
0x5e: {  	[sflag:s0] =	ssyncadd.s32 @!p0 s1  }
0x5f: {  	[bflag:$0x3] =	sbarrier.arrive $0xFFFF  }
0x60: {  	_ =	shalt  }

// kernel: kernel.28.cloned.1.call-start
scs
__scs_entry_jumppad:
0x0: {  	(pc) =	sbr.rel $0x88, $3  }
0x1: {  	(tag) =	ssettag $0x0;
	lr =	simm.s32 $0x1  }
0x2: {  	[smem:$0x3F70] =	sst lr;
	_ =	strace $0xD0000000  }
0x3: {  	_ = 	snop  }
0x4: {  	_ = 	snop  }
0x5: {  	_ = 	snop  }
0x6: {  	_ = 	snop  }
0x7: {  	_ = 	snop  }
__scs_overlays_trampoline_lowered:
0x8: {  	[smem:$0x3F7F] =	sst s0  }
0x9: {  	[smem:$0x3F80] =	sst s1  }
0xa: {  	[smem:$0x3F81] =	sst s2  }
0xb: {  	[smem:$0x3F82] =	sst s3  }
0xc: {  	[smem:$0x3F83] =	sst s4  }
0xd: {  	[smem:$0x3F84] =	sst s5  }
0xe: {  	[smem:$0x3F85] =	sst s6  }
0xf: {  	[smem:$0x3F86] =	sst s7  }
0x10: {  	[smem:$0x3F87] =	sst s8  }
0x11: {  	[smem:$0x3F88] =	sst s9;
	s0 =	simm.s32 @!p0 $0x0  }
0x12: {  	s1 =	sld [smem:$0x3F6E];
	s0 =	simm.s32 @p0 $0x1  }
0x13: {  	[smem:$0x3F89] =	sst s0;
	s0 =	simm.s32 @!p1 $0x0  }
0x14: {  	s2 =	sld [smem:$0x3F6D];
	s0 =	simm.s32 @p1 $0x1  }
0x15: {  	[smem:$0x3F8A] =	sst s0;
	s0 =	simm.s32 @!p2 $0x0  }
0x16: {  	s3 =	sld [smem:$0x3FDB];
	s0 =	simm.s32 @p2 $0x1  }
0x17: {  	s4 =	simm.s32 $0x1BF5;
	[smem:$0x3F8C] =	sst s0  }
0x18: {  	s0 =	sld [smem:$0x3F6F];
	_ =	swait.ge [sflag:s4], $0x0  }
0x19: {  	s7 =	sld [smem:$0x3F70]  }
0x1a: {  	s8 =	sadd.s32 $0xFFFFE003, lr  }
0x1b: {  	s9 =	sadd.s32 $0xFFFFFEF7, lr;
	s5 =	simm.s32 $0xFFFFFFFF;
	p2 =	slt.u32 s8, $0xFFFFF086  }
0x1c: {  	p1 =	slt.u32 s9, $0xF7A;
	s5 =	simm.s32 @!p2 $0x0  }
0x1d: {  	s5 =	simm.s32 @p1 $0x1;
	p0 =	seq.s32 s7, s2  }
0x1e: {  	s7 =	smul.u32 @!p0 $0xF7A, s2;
	p2 =	seq.s32 @!p0 s5, $0x0  }
0x1f: {  	s9 =	smul.u32 $0xF7A, s1;
	s8 =	simm.s32 @!p0 $0x1BF5;
	p2 =	por !p2, p0  }
0x20: {  	[sflag:s8] =	ssyncset.s32 @!p0 $0xFFFFF086;
	s6 =	sadd.s32 @!p0 s3, s7;
	s7 =	simm.s32 @!p0 $0x108  }
0x21: {  	s3 =	sadd.s32 s3, s9;
	s6 =	sadd.s32 @!p0 $0x88, s6;
	s7 =	simm.s32 @p2 $0x1082  }
0x22: {  	[simem:s7], [sflag:s8] =	dma.local @!p0 [hbm:s6], $0xF7A  }
0x23: {  	s9 =	sor.u32 $0xD0000000, s2;
	s6 =	simm.s32 $0x108;
	_ =	swait.ge @!p0 [sflag:s8], $0x0  }
0x24: {  	s3 =	sadd.s32 $0x88, s3;
	s6 =	simm.s32 @!p1 $0x1082;
	[sflag:s4] =	ssyncset.s32 $0xFFFFF086  }
0x25: {  	[simem:s6], [sflag:s4] =	dma.local [hbm:s3], $0xF7A  }
0x26: {  	[smem:$0x3F70] =	sst s1;
	(tag) =	ssettag s2;
	_ =	strace s9  }
0x27: {  	s1 =	sld [smem:$0x3F80]  }
0x28: {  	s2 =	sld [smem:$0x3F81]  }
0x29: {  	s4 =	sld [smem:$0x3F83]  }
0x2a: {  	p0 =	seq.s32 s5, $0x0;
	s5 =	sld [smem:$0x3F84]  }
0x2b: {  	s6 =	sld [smem:$0x3F85]  }
0x2c: {  	s7 =	sld [smem:$0x3F86]  }
0x2d: {  	s3 =	simm.s32 $0x108;
	s8 =	sld [smem:$0x3F87]  }
0x2e: {  	s3 =	simm.s32 @!p0 $0x1082;
	s9 =	sld [smem:$0x3F88]  }
0x2f: {  	lr =	sadd.s32 s0, s3;
	s0 =	sld [smem:$0x3F7F]  }
0x30: {  	s3 =	sld [smem:$0x3F82]  }
0x31: {  	[smem:$0x3F8B] =	sst s10  }
0x32: {  	s10 =	sld [smem:$0x3F89];
	_ =	sdelay $0x3  }
0x33: {  	p0 =	seq.s32 s10, $0x1;
	s10 =	sld [smem:$0x3F8B];
	_ =	sdelay $0x3  }
0x34: {  	[smem:$0x3F8B] =	sst s10  }
0x35: {  	s10 =	sld [smem:$0x3F8A];
	_ =	sdelay $0x3  }
0x36: {  	p1 =	seq.s32 s10, $0x1;
	s10 =	sld [smem:$0x3F8B];
	_ =	sdelay $0x3  }
0x37: {  	[smem:$0x3F8B] =	sst s10  }
0x38: {  	s10 =	sld [smem:$0x3F8C]  }
0x39: {  	_ = 	snop;
	(pc) =	sbr.ind lr, $3  }
0x3a: {  	_ = 	snop  }
0x3b: {  	_ = 	snop  }
0x3c: {  	p2 =	seq.s32 s10, $0x1;
	s10 =	sld [smem:$0x3F8B]  }
0x3d: {  	_ =	shalt  }
0x3e: {  	_ =	shalt  }
0x3f: {  	_ =	shalt  }
0x40: {  	_ =	shalt  }
0x41: {  	_ =	shalt  }
0x42: {  	_ =	shalt  }
0x43: {  	_ =	shalt  }
0x44: {  	_ =	shalt  }
0x45: {  	_ =	shalt  }
0x46: {  	_ =	shalt  }
0x47: {  	_ =	shalt  }
0x48: {  	_ =	shalt  }
0x49: {  	_ =	shalt  }
0x4a: {  	_ =	shalt  }
0x4b: {  	_ =	shalt  }
0x4c: {  	_ =	shalt  }
0x4d: {  	_ =	shalt  }
0x4e: {  	_ =	shalt  }
0x4f: {  	_ =	shalt  }
0x50: {  	_ =	shalt  }
0x51: {  	_ =	shalt  }
0x52: {  	_ =	shalt  }
0x53: {  	_ =	shalt  }
0x54: {  	_ =	shalt  }
0x55: {  	_ =	shalt  }
0x56: {  	_ =	shalt  }
0x57: {  	_ =	shalt  }
0x58: {  	_ =	shalt  }
0x59: {  	_ =	shalt  }
0x5a: {  	_ =	shalt  }
0x5b: {  	_ =	shalt  }
0x5c: {  	_ =	shalt  }
0x5d: {  	_ =	shalt  }
0x5e: {  	_ =	shalt  }
0x5f: {  	_ =	shalt  }
0x60: {  	_ =	shalt  }
0x61: {  	_ =	shalt  }
0x62: {  	_ =	shalt  }
0x63: {  	_ =	shalt  }
0x64: {  	_ =	shalt  }
0x65: {  	_ =	shalt  }
0x66: {  	_ =	shalt  }
0x67: {  	_ =	shalt  }
0x68: {  	_ =	shalt  }
0x69: {  	_ =	shalt  }
0x6a: {  	_ =	shalt  }
0x6b: {  	_ =	shalt  }
0x6c: {  	_ =	shalt  }
0x6d: {  	_ =	shalt  }
0x6e: {  	_ =	shalt  }
0x6f: {  	_ =	shalt  }
0x70: {  	_ =	shalt  }
0x71: {  	_ =	shalt  }
0x72: {  	_ =	shalt  }
0x73: {  	_ =	shalt  }
0x74: {  	_ =	shalt  }
0x75: {  	_ =	shalt  }
0x76: {  	_ =	shalt  }
0x77: {  	_ =	shalt  }
0x78: {  	_ =	shalt  }
0x79: {  	_ =	shalt  }
0x7a: {  	_ =	shalt  }
0x7b: {  	_ =	shalt  }
0x7c: {  	_ =	shalt  }
0x7d: {  	_ =	shalt  }
0x7e: {  	_ =	shalt  }
0x7f: {  	_ =	shalt  }
0x80: {  	_ =	shalt  }
0x81: {  	_ =	shalt  }
0x82: {  	_ =	shalt  }
0x83: {  	_ =	shalt  }
0x84: {  	_ =	shalt  }
0x85: {  	_ =	shalt  }
0x86: {  	_ =	shalt  }
0x87: {  	_ =	shalt  }
.Lfunc_end0:
.L_simem_size_0:
called_computation.3_lowered:
.L_overlay_start_0:
0x88: {  	s2 =	sld [smem:$0x3FD9]  }
0x89: {  	s3 =	sld [smem:$0x3FFE];
	_ =	sdelay $0x1  }
0x8a: {  	s1 =	srdreg.scid  }
0x8b: {  	s0 =	sand.u32 $0x1, s1  }
0x8c: {  	s16 =	sshll.u32 s0, $0xA;
	s2 =	sadd.s32 s3, s2  }
0x8d: {  	s2 =	sadd.s32 s2, s16  }
0x8e: {  	[smem:$0x3F97] =	sst s2  }
0x8f: {  	_ = 	snop  }
0x90: {  	(tm) =	ssettm $0x1  }
0x91: {  	s17 =	sld [smem:$0x3FFB];
	_ =	sdelay $0x3  }
0x92: {  	_ =	strace s17  }
0x93: {  	s2 =	sld [smem:$0x3FFC];
	_ =	sdelay $0x3  }
0x94: {  	_ =	strace s2  }
0x95: {  	s2 =	sld [smem:$0x3FFD];
	_ =	sdelay $0x3  }
0x96: {  	_ =	strace s2  }
0x97: {  	_ =	strace $0x8FFFFFFF  }
0x98: {  	s18 =	sld [smem:$0x3FDB];
	_ =	sdelay $0x1  }
0x99: {  	s19 =	simm.s32 $_scs_section_size  }
0x9a: {  	s4 =	simm.s32 $_size__tile_overlayer_lowered;
	s5 =	simm.s32 $_tile_overlayer_lowered  }
0x9b: {  	s22 =	simm.s32 $0x1BFF;
	s21 =	sshll.u32 s5, $0x1;
	s2 =	sadd.s32 s19, s18  }
0x9c: {  	s6 =	simm.s32 $0x0;
	s20 =	sshll.u32 s4, $0x1;
	s4 =	sadd.s32 s21, s2  }
0x9d: {  	[timem:s6], [sflag:s22] =	dma.local [hbm:s4], s20  }
0x9e: {  	_ =	swait.ge [sflag:s22], s20  }
0x9f: {  	s3 =	ssub.s32 $0x0, s20;
	[sflag:s22] =	ssyncset.done $0x0  }
0xa0: {  	[sflag:s22] =	ssyncadd.s32 s3;
	_ =	sdelay $0x1  }
0xa1: {  	s23 =	simm.s32 $0x1B8B  }
0xa2: {  	_ =	swait.ge [sflag:s23], $0x1  }
0xa3: {  	[sflag:s23] =	ssyncset.done $0x0  }
0xa4: {  	s25 =	simm.s32 $0x1B8E;
	s24 =	sld [smem:$0x3FFE];
	[sflag:s23] =	ssyncadd.s32 $0xFFFFFFFF  }
0xa5: {  	s26 =	simm.s32 $execute0_lowered;
	[smem:$0x3FD2] =	sst s25  }
0xa6: {  	s4 =	sshll.u32 s26, $0x1;
	_ =	strace $0x8000004F;
	[dreg:$0x1] =	wrdreg $0xFFFFFFFF  }
0xa7: {  	s28 =	simm.s32 $_size_execute0_lowered;
	s2 =	sadd.s32 s2, s4;
	[dreg:$0x0] =	wrdreg $0x0  }
0xa8: {  	s4 =	sshll.u32 s28, $0x1;
	[dreg:$0x2] =	wrdreg s2  }
0xa9: {  	[dreg:$0x3] =	wrdreg s4  }
0xaa: {  	[dreg:$0x4] =	wrdreg $0xC0  }
0xab: {  	_ =	task [dreg:s6], $0x5FFFF  }
0xac: {  	[dreg:$0x1] =	wrdreg $0xFFFFFFFF  }
0xad: {  	[dreg:$0x0] =	wrdreg $0x60  }
0xae: {  	[dreg:$0x2] =	wrdreg s24  }
0xaf: {  	[dreg:$0x3] =	wrdreg $0x0  }
0xb0: {  	[dreg:$0x4] =	wrdreg $0x9  }
0xb1: {  	_ =	task.clear_ibuf [dreg:s6], $0x5FFFF;
	_ =	strace $0x9000004F  }
0xb2: {  	s29 =	simm.s32 $0x9;
	_ =	strace $0x80000051  }
0xb3: {  	_ =	swait.ge [sflag:s29], $0x1  }
0xb4: {  	[sflag:s29] =	ssyncadd.s32 $0xFFFFFFFF  }
0xb5: {  	_ =	strace $0x90000051  }
0xb6: {  	_ =	sfence  }
0xb7: {  	s30 =	sld [smem:$0x0];
	_ =	sdelay $0x2  }
0xb8: {  	s31 =	sshll.u32 s1, $0xD;
	s1 =	sshrl.u32 s1, $0x2  }
0xb9: {  	s3 =	sand.u32 $0x4000, s31;
	s1 =	sadd.s32 s1, s30  }
0xba: {  	s0 =	sor.u32 s3, s0;
	s1 =	sshll.u32 s1, $0x11  }
0xbb: {  	s0 =	sor.u32 s1, s0  }
0xbc: {  	s0 =	sadd.s32 $0x8F2B, s0  }
0xbd: {  	[sflag:s0] =	ssyncadd.remote.s32 $0x1  }
0xbe: {  	_ =	sfence.sel $0xFFFF  }
0xbf: {  	[dreg:$0x0] =	wrdreg $0xFFFFFFFF;
	(pc) =	sbr.abs _section_cstart, $3  }
0xc0: {  	[dreg:$0x1] =	wrdreg $0xFFFFFFFF  }
0xc1: {  	_ =	task.clear_ibuf [dreg:s6], $0x2FFFF;
	_ =	strace $0x9FFFFFFF  }
0xc2: {  	(tm) =	ssettm $0x7FFFFFFF  }
0xc3: {  	_ =	shalt  }
tec
execute0_lowered:
.L_overlay_start_1:
0x0: {  	(tag) =	ssettag $0x1  }
0x1: {  	s5 =	rddreg [dreg:$0x0]  }
0x2: {  	s2 =	rddreg [dreg:$0x1]  }
0x3: {  	s0 =	rddreg [dreg:$0x2]  }
0x4: {  	s1 =	stileid.u32;
	s3 =	simm.s32 $0x0;
	s4 =	srdreg.scid  }
0x5: {  	s13 =	simm.s32 $0x13C00;
	s14 =	simm.s32 $0x13C80;
	s15 =	simm.s32 $0x50  }
0x6: {  	s17 =	simm.s32 $0x1;
	s18 =	simm.s32 $0x0;
	s6 =	smul.u32 $0x9C4, s1  }
0x7: {  	[smem:$0x7FF] =	sst s3;
	s7 =	smul.u32 $0x2780, s1;
	s8 =	sand.u32 $0x1, s4  }
0x8: {  	s4 =	sadd.s32 $0x45800, s5;
	s28 =	smul.u32 $0x4F000, s1;
	s31 =	sshll.u32 s1, $0x6  }
0x9: {  	_ =	strace $0x80000050;
	s9 =	smul.u32 $0x27800, s8;
	s29 =	ssub.s32 $0x2, s8  }
0xa: {  	s16 =	smul.u32 $0x2710, s8;
	s10 =	sadd.s32 s6, s5;
	s11 =	sadd.s32 s7, s5  }
0xb: {  	s30 =	sshrl.u32 s29, $0x1;
	s6 =	sshrl.u32 s28, $0x2;
	s7 =	sadd.s32 s7, s9  }
0xc: {  	s9 =	ssub.s32 s29, s30;
	s12 =	sadd.s32 s6, s2;
	s6 =	sor.u32 $0x1C02, s31  }
0xd: {  	v0 =	vmov s16;
	s16 =	simm.s32 $0x13D00;
	s7 =	sadd.s32 s7, s5;
	s5 =	sadd.s32 $0x1E000, s11  }
0xe: {  	s8 =	smax.u32 s9, $0x1;
	s9 =	sadd.s32 $0xA400, s10;
	s10 =	sadd.s32 $0x14200, s10  }
0xf: {  	s11 =	sshrl.u32 s12, $0x3;
	s12 =	simm.s32 $0x2;
	s7 =	sadd.s32 $0x94200, s7  }
.LBB2_1:
0x10: {  	[spmem:s11], [sflag:s6] =	dma.local [hbm:s5], $0x2780  }
0x11: {  	_ =	swait.ge [sflag:s12], $0x2780  }
0x12: {  	[sflag:s12] =	ssyncset.done $0x0  }
0x13: {  	[sflag:s12] =	ssyncadd.s32 $0xFFFFD880  }
0x14: {  	s19 =	sadd.s32 $0x0, s10;
	[bflag:$0x0] =	sbarrier.arrive $0xFFFF  }
0x15: {  	[tilespmem:s13], [sflag:$0x2] =	stream.linear.gather [hbm4b:s19+s3], $0x50, $0x38;
	[tilespmem:$0x16500] =	vst v63  }
0x16: {  	_ =	swait.ge [sflag:s12], $0x50  }
0x17: {  	[sflag:s12] =	ssyncset.done $0x0  }
0x18: {  	s31 =	sadd.s32 $0x0, s9;
	[sflag:s12] =	ssyncadd.s32 $0xFFFFFFB0  }
0x19: {  	[tilespmem:s14], [sflag:$0x2] =	stream.linear.gather [hbm4b:s31+s3], $0x50, $0x38;
	[tilespmem:$0x16500] =	vst v63  }
0x1a: {  	_ =	swait.ge [sflag:s12], $0x50  }
0x1b: {  	[sflag:s12] =	ssyncset.done $0x0  }
0x1c: {  	[sflag:s12] =	ssyncadd.s32 $0xFFFFFFB0  }
0x1d: {  	v1 =	vld [tilespmem:$0x13C40]  }
0x1e: {  	v2 =	vld [tilespmem:$0x13C20]  }
0x1f: {  	v3 =	vld [tilespmem:$0x13C30]  }
0x20: {  	v4 =	vld [tilespmem:$0x13C10]  }
0x21: {  	v5 =	vld [tilespmem:$0x13C00]  }
0x22: {  	v1 =	vadd.s32 v0, v1  }
0x23: {  	v2 =	vadd.s32 v0, v2;
	[tilespmem:$0x13C40] =	vst v1  }
0x24: {  	[tilespmem:$0x13C20] =	vst v2;
	v1 =	vadd.s32 v0, v3  }
0x25: {  	v2 =	vadd.s32 v0, v4;
	[tilespmem:$0x13C30] =	vst v1  }
0x26: {  	v1 =	vadd.s32 v0, v5;
	[tilespmem:$0x13C10] =	vst v2  }
0x27: {  	[tilespmem:$0x13C00] =	vst v1  }
0x28: {  	[tilespmem:s16], [sflag:$0x1] =	stream.indirect.gather [hbm4b:s4+s15], $0x80, s13, s15, $0xb8;
	[tilespmem:$0x16500] =	vst v63  }
0x29: {  	_ =	swait.ge [sflag:s17], $0x2800  }
0x2a: {  	s19 =	simm.s32 $0xA;
	[sflag:s17] =	ssyncset.done $0x0  }
.LBB2_2:
0x2b: {  	p0 =	sne.s32 s19, $0x9BA  }
0x2c: {  	[sflag:s17] =	ssyncadd.s32 $0xFFFFD800;
	s20 =	smov.u32 s19;
	s19 =	sadd.s32 $0xA, s19  }
0x2d: {  	[spmem:s2] =	stream.indirect.scatter.add.f32 [tilespmem:s16], [sflag:$0x2], $0x80, s14, s15, $0xb8;
	[tilespmem:$0x16500] =	vst v63  }
0x2e: {  	_ =	swait.ge [sflag:s12], $0x2800  }
0x2f: {  	[sflag:s12] =	ssyncset.done $0x0  }
0x30: {  	s21 =	sadd.s32 s20, s10;
	[sflag:s12] =	ssyncadd.s32 $0xFFFFD800  }
0x31: {  	[tilespmem:s13], [sflag:$0x2] =	stream.linear.gather [hbm4b:s21+s3], $0x50, $0x38;
	[tilespmem:$0x16500] =	vst v63  }
0x32: {  	_ =	swait.ge [sflag:s12], $0x50  }
0x33: {  	[sflag:s12] =	ssyncset.done $0x0  }
0x34: {  	s20 =	sadd.s32 s20, s9;
	[sflag:s12] =	ssyncadd.s32 $0xFFFFFFB0  }
0x35: {  	[tilespmem:s14], [sflag:$0x2] =	stream.linear.gather [hbm4b:s20+s3], $0x50, $0x38;
	[tilespmem:$0x16500] =	vst v63  }
0x36: {  	_ =	swait.ge [sflag:s12], $0x50  }
0x37: {  	[sflag:s12] =	ssyncset.done $0x0  }
0x38: {  	[sflag:s12] =	ssyncadd.s32 $0xFFFFFFB0  }
0x39: {  	v1 =	vld [tilespmem:$0x13C40]  }
0x3a: {  	v2 =	vld [tilespmem:$0x13C20]  }
0x3b: {  	v3 =	vld [tilespmem:$0x13C30]  }
0x3c: {  	v4 =	vld [tilespmem:$0x13C10]  }
0x3d: {  	v5 =	vld [tilespmem:$0x13C00]  }
0x3e: {  	v1 =	vadd.s32 v0, v1  }
0x3f: {  	v2 =	vadd.s32 v0, v2;
	[tilespmem:$0x13C40] =	vst v1  }
0x40: {  	[tilespmem:$0x13C20] =	vst v2;
	v1 =	vadd.s32 v0, v3  }
0x41: {  	v2 =	vadd.s32 v0, v4;
	[tilespmem:$0x13C30] =	vst v1  }
.Ltmp0:
0x42: {  	v1 =	vadd.s32 v0, v5;
	[tilespmem:$0x13C10] =	vst v2;
	(pc) =	sbr.rel @p0 .LBB2_2-.Ltmp0, $4  }
0x43: {  	[tilespmem:$0x13C00] =	vst v1  }
0x44: {  	[tilespmem:s16], [sflag:$0x1] =	stream.indirect.gather [hbm4b:s4+s15], $0x80, s13, s15, $0xb8;
	[tilespmem:$0x16500] =	vst v63  }
0x45: {  	_ =	swait.ge [sflag:s17], $0x2800  }
0x46: {  	[sflag:s17] =	ssyncset.done $0x0  }
0x47: {  	[sflag:s17] =	ssyncadd.s32 $0xFFFFD800  }
0x48: {  	[spmem:s2] =	stream.indirect.scatter.add.f32 [tilespmem:s16], [sflag:$0x2], $0x80, s14, s15, $0xb8;
	[tilespmem:$0x16500] =	vst v63  }
0x49: {  	_ =	swait.ge [sflag:s12], $0x2800  }
0x4a: {  	s18 =	sadd.s32 $0x1, s18;
	[sflag:s12] =	ssyncset.done $0x0  }
0x4b: {  	p0 =	sne.s32 s18, s8;
	[sflag:s12] =	ssyncadd.s32 $0xFFFFD800  }
.Ltmp1:
0x4c: {  	[bflag:$0x0] =	sbarrier.arrive $0xFFFF;
	(pc) =	sbr.rel @p0 .LBB2_1-.Ltmp1, $4  }
0x4d: {  	[hbm:s7], [sflag:s6] =	dma.local [spmem:s11], $0x2780  }
0x4e: {  	_ =	swait.ge [sflag:s12], $0x2780  }
0x4f: {  	[sflag:s12] =	ssyncset.done $0x0  }
0x50: {  	[sflag:s12] =	ssyncadd.s32 $0xFFFFD880  }
0x51: {  	_ =	sfence.sel $0x180000  }
0x52: {  	[bflag:$0x0] =	sbarrier.arrive $0xFFFF  }
0x53: {  	p0 =	sne.s32 s1, $0x0;
	_ =	strace $0x90000050  }
0x54: {  	s0 =	sadd.s32 @!p0 $0x100000, s0;
	[bflag:$0x2] =	sbarrier.arrive $0xFFFF  }
0x55: {  	[sflag:s0] =	ssyncadd.tile.s32 @!p0 $0x1;
	_ =	shalt  }
.Lfunc_end2:
_tile_overlayer_lowered:
.L_overlay_start_2:
0x56: {  	(tag) =	ssettag $0x2  }
0x57: {  	s0 =	rddreg [dreg:$0x0];
	s2 =	stileid.u32  }
0x58: {  	s1 =	rddreg [dreg:$0x1];
	p0 =	sne.s32 s2, $0x0  }
0x59: {  	s3 =	rddreg [dreg:$0x2];
	[bflag:$0x3] =	sbarrier.arrive $0xFFFF;
	s2 =	simm.s32 @!p0 $0x1C02  }
0x5a: {  	[timem:s3], [sflag:s2] =	dma.local @!p0 [hbm:s0], s1  }
0x5b: {  	s0 =	simm.s32 @!p0 $0x2  }
0x5c: {  	_ =	swait.ge @!p0 [sflag:s0], s1  }
0x5d: {  	s1 =	ssub.s32 @!p0 $0x0, s1;
	[sflag:s0] =	ssyncset.done @!p0 $0x0  }
0x5e: {  	[sflag:s0] =	ssyncadd.s32 @!p0 s1  }
0x5f: {  	[bflag:$0x3] =	sbarrier.arrive $0xFFFF  }
0x60: {  	_ =	shalt  }

// kernel: kernel.31.cloned.1.call-start
scs
__scs_entry_jumppad:
0x0: {  	(pc) =	sbr.rel $0x88, $3  }
0x1: {  	(tag) =	ssettag $0x0;
	lr =	simm.s32 $0x1  }
0x2: {  	[smem:$0x3F70] =	sst lr;
	_ =	strace $0xD0000000  }
0x3: {  	_ = 	snop  }
0x4: {  	_ = 	snop  }
0x5: {  	_ = 	snop  }
0x6: {  	_ = 	snop  }
0x7: {  	_ = 	snop  }
__scs_overlays_trampoline_lowered:
0x8: {  	[smem:$0x3F7F] =	sst s0  }
0x9: {  	[smem:$0x3F80] =	sst s1  }
0xa: {  	[smem:$0x3F81] =	sst s2  }
0xb: {  	[smem:$0x3F82] =	sst s3  }
0xc: {  	[smem:$0x3F83] =	sst s4  }
0xd: {  	[smem:$0x3F84] =	sst s5  }
0xe: {  	[smem:$0x3F85] =	sst s6  }
0xf: {  	[smem:$0x3F86] =	sst s7  }
0x10: {  	[smem:$0x3F87] =	sst s8  }
0x11: {  	[smem:$0x3F88] =	sst s9;
	s0 =	simm.s32 @!p0 $0x0  }
0x12: {  	s1 =	sld [smem:$0x3F6E];
	s0 =	simm.s32 @p0 $0x1  }
0x13: {  	[smem:$0x3F89] =	sst s0;
	s0 =	simm.s32 @!p1 $0x0  }
0x14: {  	s2 =	sld [smem:$0x3F6D];
	s0 =	simm.s32 @p1 $0x1  }
0x15: {  	[smem:$0x3F8A] =	sst s0;
	s0 =	simm.s32 @!p2 $0x0  }
0x16: {  	s3 =	sld [smem:$0x3FDB];
	s0 =	simm.s32 @p2 $0x1  }
0x17: {  	s4 =	simm.s32 $0x1BF5;
	[smem:$0x3F8C] =	sst s0  }
0x18: {  	s0 =	sld [smem:$0x3F6F];
	_ =	swait.ge [sflag:s4], $0x0  }
0x19: {  	s7 =	sld [smem:$0x3F70]  }
0x1a: {  	s8 =	sadd.s32 $0xFFFFE003, lr  }
0x1b: {  	s9 =	sadd.s32 $0xFFFFFEF7, lr;
	s5 =	simm.s32 $0xFFFFFFFF;
	p2 =	slt.u32 s8, $0xFFFFF086  }
0x1c: {  	p1 =	slt.u32 s9, $0xF7A;
	s5 =	simm.s32 @!p2 $0x0  }
0x1d: {  	s5 =	simm.s32 @p1 $0x1;
	p0 =	seq.s32 s7, s2  }
0x1e: {  	s7 =	smul.u32 @!p0 $0xF7A, s2;
	p2 =	seq.s32 @!p0 s5, $0x0  }
0x1f: {  	s9 =	smul.u32 $0xF7A, s1;
	s8 =	simm.s32 @!p0 $0x1BF5;
	p2 =	por !p2, p0  }
0x20: {  	[sflag:s8] =	ssyncset.s32 @!p0 $0xFFFFF086;
	s6 =	sadd.s32 @!p0 s3, s7;
	s7 =	simm.s32 @!p0 $0x108  }
0x21: {  	s3 =	sadd.s32 s3, s9;
	s6 =	sadd.s32 @!p0 $0x88, s6;
	s7 =	simm.s32 @p2 $0x1082  }
0x22: {  	[simem:s7], [sflag:s8] =	dma.local @!p0 [hbm:s6], $0xF7A  }
0x23: {  	s9 =	sor.u32 $0xD0000000, s2;
	s6 =	simm.s32 $0x108;
	_ =	swait.ge @!p0 [sflag:s8], $0x0  }
0x24: {  	s3 =	sadd.s32 $0x88, s3;
	s6 =	simm.s32 @!p1 $0x1082;
	[sflag:s4] =	ssyncset.s32 $0xFFFFF086  }
0x25: {  	[simem:s6], [sflag:s4] =	dma.local [hbm:s3], $0xF7A  }
0x26: {  	[smem:$0x3F70] =	sst s1;
	(tag) =	ssettag s2;
	_ =	strace s9  }
0x27: {  	s1 =	sld [smem:$0x3F80]  }
0x28: {  	s2 =	sld [smem:$0x3F81]  }
0x29: {  	s4 =	sld [smem:$0x3F83]  }
0x2a: {  	p0 =	seq.s32 s5, $0x0;
	s5 =	sld [smem:$0x3F84]  }
0x2b: {  	s6 =	sld [smem:$0x3F85]  }
0x2c: {  	s7 =	sld [smem:$0x3F86]  }
0x2d: {  	s3 =	simm.s32 $0x108;
	s8 =	sld [smem:$0x3F87]  }
0x2e: {  	s3 =	simm.s32 @!p0 $0x1082;
	s9 =	sld [smem:$0x3F88]  }
0x2f: {  	lr =	sadd.s32 s0, s3;
	s0 =	sld [smem:$0x3F7F]  }
0x30: {  	s3 =	sld [smem:$0x3F82]  }
0x31: {  	[smem:$0x3F8B] =	sst s10  }
0x32: {  	s10 =	sld [smem:$0x3F89];
	_ =	sdelay $0x3  }
0x33: {  	p0 =	seq.s32 s10, $0x1;
	s10 =	sld [smem:$0x3F8B];
	_ =	sdelay $0x3  }
0x34: {  	[smem:$0x3F8B] =	sst s10  }
0x35: {  	s10 =	sld [smem:$0x3F8A];
	_ =	sdelay $0x3  }
0x36: {  	p1 =	seq.s32 s10, $0x1;
	s10 =	sld [smem:$0x3F8B];
	_ =	sdelay $0x3  }
0x37: {  	[smem:$0x3F8B] =	sst s10  }
0x38: {  	s10 =	sld [smem:$0x3F8C]  }
0x39: {  	_ = 	snop;
	(pc) =	sbr.ind lr, $3  }
0x3a: {  	_ = 	snop  }
0x3b: {  	_ = 	snop  }
0x3c: {  	p2 =	seq.s32 s10, $0x1;
	s10 =	sld [smem:$0x3F8B]  }
0x3d: {  	_ =	shalt  }
0x3e: {  	_ =	shalt  }
0x3f: {  	_ =	shalt  }
0x40: {  	_ =	shalt  }
0x41: {  	_ =	shalt  }
0x42: {  	_ =	shalt  }
0x43: {  	_ =	shalt  }
0x44: {  	_ =	shalt  }
0x45: {  	_ =	shalt  }
0x46: {  	_ =	shalt  }
0x47: {  	_ =	shalt  }
0x48: {  	_ =	shalt  }
0x49: {  	_ =	shalt  }
0x4a: {  	_ =	shalt  }
0x4b: {  	_ =	shalt  }
0x4c: {  	_ =	shalt  }
0x4d: {  	_ =	shalt  }
0x4e: {  	_ =	shalt  }
0x4f: {  	_ =	shalt  }
0x50: {  	_ =	shalt  }
0x51: {  	_ =	shalt  }
0x52: {  	_ =	shalt  }
0x53: {  	_ =	shalt  }
0x54: {  	_ =	shalt  }
0x55: {  	_ =	shalt  }
0x56: {  	_ =	shalt  }
0x57: {  	_ =	shalt  }
0x58: {  	_ =	shalt  }
0x59: {  	_ =	shalt  }
0x5a: {  	_ =	shalt  }
0x5b: {  	_ =	shalt  }
0x5c: {  	_ =	shalt  }
0x5d: {  	_ =	shalt  }
0x5e: {  	_ =	shalt  }
0x5f: {  	_ =	shalt  }
0x60: {  	_ =	shalt  }
0x61: {  	_ =	shalt  }
0x62: {  	_ =	shalt  }
0x63: {  	_ =	shalt  }
0x64: {  	_ =	shalt  }
0x65: {  	_ =	shalt  }
0x66: {  	_ =	shalt  }
0x67: {  	_ =	shalt  }
0x68: {  	_ =	shalt  }
0x69: {  	_ =	shalt  }
0x6a: {  	_ =	shalt  }
0x6b: {  	_ =	shalt  }
0x6c: {  	_ =	shalt  }
0x6d: {  	_ =	shalt  }
0x6e: {  	_ =	shalt  }
0x6f: {  	_ =	shalt  }
0x70: {  	_ =	shalt  }
0x71: {  	_ =	shalt  }
0x72: {  	_ =	shalt  }
0x73: {  	_ =	shalt  }
0x74: {  	_ =	shalt  }
0x75: {  	_ =	shalt  }
0x76: {  	_ =	shalt  }
0x77: {  	_ =	shalt  }
0x78: {  	_ =	shalt  }
0x79: {  	_ =	shalt  }
0x7a: {  	_ =	shalt  }
0x7b: {  	_ =	shalt  }
0x7c: {  	_ =	shalt  }
0x7d: {  	_ =	shalt  }
0x7e: {  	_ =	shalt  }
0x7f: {  	_ =	shalt  }
0x80: {  	_ =	shalt  }
0x81: {  	_ =	shalt  }
0x82: {  	_ =	shalt  }
0x83: {  	_ =	shalt  }
0x84: {  	_ =	shalt  }
0x85: {  	_ =	shalt  }
0x86: {  	_ =	shalt  }
0x87: {  	_ =	shalt  }
.Lfunc_end0:
.L_simem_size_0:
called_computation.4_lowered:
.L_overlay_start_0:
0x88: {  	s2 =	sld [smem:$0x3FD9]  }
0x89: {  	s3 =	sld [smem:$0x3FFE];
	_ =	sdelay $0x1  }
0x8a: {  	s1 =	srdreg.scid  }
0x8b: {  	s0 =	sand.u32 $0x1, s1  }
0x8c: {  	s16 =	sshll.u32 s0, $0xA;
	s2 =	sadd.s32 s3, s2  }
0x8d: {  	s2 =	sadd.s32 s2, s16  }
0x8e: {  	[smem:$0x3F97] =	sst s2  }
0x8f: {  	_ = 	snop  }
0x90: {  	(tm) =	ssettm $0x1  }
0x91: {  	s17 =	sld [smem:$0x3FFB];
	_ =	sdelay $0x3  }
0x92: {  	_ =	strace s17  }
0x93: {  	s2 =	sld [smem:$0x3FFC];
	_ =	sdelay $0x3  }
0x94: {  	_ =	strace s2  }
0x95: {  	s2 =	sld [smem:$0x3FFD];
	_ =	sdelay $0x3  }
0x96: {  	_ =	strace s2  }
0x97: {  	_ =	strace $0x8FFFFFFF  }
0x98: {  	s18 =	sld [smem:$0x3FDB];
	_ =	sdelay $0x1  }
0x99: {  	s19 =	simm.s32 $_scs_section_size  }
0x9a: {  	s4 =	simm.s32 $_size__tile_overlayer_lowered;
	s5 =	simm.s32 $_tile_overlayer_lowered  }
0x9b: {  	s22 =	simm.s32 $0x1BFF;
	s21 =	sshll.u32 s5, $0x1;
	s2 =	sadd.s32 s19, s18  }
0x9c: {  	s6 =	simm.s32 $0x0;
	s20 =	sshll.u32 s4, $0x1;
	s4 =	sadd.s32 s21, s2  }
0x9d: {  	[timem:s6], [sflag:s22] =	dma.local [hbm:s4], s20  }
0x9e: {  	_ =	swait.ge [sflag:s22], s20  }
0x9f: {  	s3 =	ssub.s32 $0x0, s20;
	[sflag:s22] =	ssyncset.done $0x0  }
0xa0: {  	[sflag:s22] =	ssyncadd.s32 s3;
	_ =	sdelay $0x1  }
0xa1: {  	s23 =	simm.s32 $0x1B8B  }
0xa2: {  	_ =	swait.ge [sflag:s23], $0x1  }
0xa3: {  	[sflag:s23] =	ssyncset.done $0x0  }
0xa4: {  	s25 =	simm.s32 $0x1B8E;
	s24 =	sld [smem:$0x3FFE];
	[sflag:s23] =	ssyncadd.s32 $0xFFFFFFFF  }
0xa5: {  	s26 =	simm.s32 $execute0_lowered;
	[smem:$0x3FD2] =	sst s25  }
0xa6: {  	s4 =	sshll.u32 s26, $0x1;
	_ =	strace $0x80000052;
	[dreg:$0x1] =	wrdreg $0xFFFFFFFF  }
0xa7: {  	s28 =	simm.s32 $_size_execute0_lowered;
	s2 =	sadd.s32 s2, s4;
	[dreg:$0x0] =	wrdreg $0x0  }
0xa8: {  	s4 =	sshll.u32 s28, $0x1;
	[dreg:$0x2] =	wrdreg s2  }
0xa9: {  	[dreg:$0x3] =	wrdreg s4  }
0xaa: {  	[dreg:$0x4] =	wrdreg $0xC0  }
0xab: {  	_ =	task [dreg:s6], $0x5FFFF  }
0xac: {  	[dreg:$0x1] =	wrdreg $0xFFFFFFFF  }
0xad: {  	[dreg:$0x0] =	wrdreg $0x60  }
0xae: {  	[dreg:$0x2] =	wrdreg s24  }
0xaf: {  	[dreg:$0x3] =	wrdreg $0x0  }
0xb0: {  	[dreg:$0x4] =	wrdreg $0x9  }
0xb1: {  	_ =	task.clear_ibuf [dreg:s6], $0x5FFFF;
	_ =	strace $0x90000052  }
0xb2: {  	s29 =	simm.s32 $0x9;
	_ =	strace $0x80000054  }
0xb3: {  	_ =	swait.ge [sflag:s29], $0x1  }
0xb4: {  	[sflag:s29] =	ssyncadd.s32 $0xFFFFFFFF  }
0xb5: {  	_ =	strace $0x90000054  }
0xb6: {  	_ =	sfence  }
0xb7: {  	s30 =	sld [smem:$0x0];
	_ =	sdelay $0x2  }
0xb8: {  	s31 =	sshll.u32 s1, $0xD;
	s1 =	sshrl.u32 s1, $0x2  }
0xb9: {  	s3 =	sand.u32 $0x4000, s31;
	s1 =	sadd.s32 s1, s30  }
0xba: {  	s0 =	sor.u32 s3, s0;
	s1 =	sshll.u32 s1, $0x11  }
0xbb: {  	s0 =	sor.u32 s1, s0  }
0xbc: {  	s0 =	sadd.s32 $0x8F2B, s0  }
0xbd: {  	[sflag:s0] =	ssyncadd.remote.s32 $0x1  }
0xbe: {  	_ =	sfence.sel $0xFFFF  }
0xbf: {  	[dreg:$0x0] =	wrdreg $0xFFFFFFFF;
	(pc) =	sbr.abs _section_cstart, $3  }
0xc0: {  	[dreg:$0x1] =	wrdreg $0xFFFFFFFF  }
0xc1: {  	_ =	task.clear_ibuf [dreg:s6], $0x2FFFF;
	_ =	strace $0x9FFFFFFF  }
0xc2: {  	(tm) =	ssettm $0x7FFFFFFF  }
0xc3: {  	_ =	shalt  }
tec
execute0_lowered:
.L_overlay_start_1:
0x0: {  	(tag) =	ssettag $0x1  }
0x1: {  	s5 =	rddreg [dreg:$0x0]  }
0x2: {  	s2 =	rddreg [dreg:$0x1]  }
0x3: {  	s0 =	rddreg [dreg:$0x2]  }
0x4: {  	s1 =	stileid.u32;
	s3 =	simm.s32 $0x0;
	s4 =	srdreg.scid  }
0x5: {  	s13 =	simm.s32 $0x13C00;
	s14 =	simm.s32 $0x13C80;
	s15 =	simm.s32 $0x50  }
0x6: {  	s17 =	simm.s32 $0x1;
	s18 =	simm.s32 $0x0;
	s6 =	smul.u32 $0x9C4, s1  }
0x7: {  	[smem:$0x7FF] =	sst s3;
	s7 =	smul.u32 $0x2780, s1;
	s8 =	sand.u32 $0x1, s4  }
0x8: {  	s4 =	sadd.s32 $0x45800, s5;
	s28 =	smul.u32 $0x4F000, s1;
	s31 =	sshll.u32 s1, $0x6  }
0x9: {  	_ =	strace $0x80000053;
	s9 =	smul.u32 $0x27800, s8;
	s29 =	ssub.s32 $0x2, s8  }
0xa: {  	s16 =	smul.u32 $0x2710, s8;
	s10 =	sadd.s32 s6, s5;
	s11 =	sadd.s32 s7, s5  }
0xb: {  	s30 =	sshrl.u32 s29, $0x1;
	s6 =	sshrl.u32 s28, $0x2;
	s7 =	sadd.s32 s7, s9  }
0xc: {  	s9 =	ssub.s32 s29, s30;
	s12 =	sadd.s32 s6, s2;
	s6 =	sor.u32 $0x1C02, s31  }
0xd: {  	v0 =	vmov s16;
	s16 =	simm.s32 $0x13D00;
	s7 =	sadd.s32 s7, s5;
	s5 =	sadd.s32 $0x1E000, s11  }
0xe: {  	s8 =	smax.u32 s9, $0x1;
	s9 =	sadd.s32 $0xA400, s10;
	s10 =	sadd.s32 $0x14200, s10  }
0xf: {  	s11 =	sshrl.u32 s12, $0x3;
	s12 =	simm.s32 $0x2;
	s7 =	sadd.s32 $0x94200, s7  }
.LBB2_1:
0x10: {  	[spmem:s11], [sflag:s6] =	dma.local [hbm:s5], $0x2780  }
0x11: {  	_ =	swait.ge [sflag:s12], $0x2780  }
0x12: {  	[sflag:s12] =	ssyncset.done $0x0  }
0x13: {  	[sflag:s12] =	ssyncadd.s32 $0xFFFFD880  }
0x14: {  	s19 =	sadd.s32 $0x0, s10;
	[bflag:$0x0] =	sbarrier.arrive $0xFFFF  }
0x15: {  	[tilespmem:s13], [sflag:$0x2] =	stream.linear.gather [hbm4b:s19+s3], $0x50, $0x38;
	[tilespmem:$0x16500] =	vst v63  }
0x16: {  	_ =	swait.ge [sflag:s12], $0x50  }
0x17: {  	[sflag:s12] =	ssyncset.done $0x0  }
0x18: {  	s31 =	sadd.s32 $0x0, s9;
	[sflag:s12] =	ssyncadd.s32 $0xFFFFFFB0  }
0x19: {  	[tilespmem:s14], [sflag:$0x2] =	stream.linear.gather [hbm4b:s31+s3], $0x50, $0x38;
	[tilespmem:$0x16500] =	vst v63  }
0x1a: {  	_ =	swait.ge [sflag:s12], $0x50  }
0x1b: {  	[sflag:s12] =	ssyncset.done $0x0  }
0x1c: {  	[sflag:s12] =	ssyncadd.s32 $0xFFFFFFB0  }
0x1d: {  	v1 =	vld [tilespmem:$0x13C40]  }
0x1e: {  	v2 =	vld [tilespmem:$0x13C20]  }
0x1f: {  	v3 =	vld [tilespmem:$0x13C30]  }
0x20: {  	v4 =	vld [tilespmem:$0x13C10]  }
0x21: {  	v5 =	vld [tilespmem:$0x13C00]  }
0x22: {  	v1 =	vadd.s32 v0, v1  }
0x23: {  	v2 =	vadd.s32 v0, v2;
	[tilespmem:$0x13C40] =	vst v1  }
0x24: {  	[tilespmem:$0x13C20] =	vst v2;
	v1 =	vadd.s32 v0, v3  }
0x25: {  	v2 =	vadd.s32 v0, v4;
	[tilespmem:$0x13C30] =	vst v1  }
0x26: {  	v1 =	vadd.s32 v0, v5;
	[tilespmem:$0x13C10] =	vst v2  }
0x27: {  	[tilespmem:$0x13C00] =	vst v1  }
0x28: {  	[tilespmem:s16], [sflag:$0x1] =	stream.indirect.gather [hbm4b:s4+s15], $0x80, s13, s15, $0xb8;
	[tilespmem:$0x16500] =	vst v63  }
0x29: {  	_ =	swait.ge [sflag:s17], $0x2800  }
0x2a: {  	s19 =	simm.s32 $0xA;
	[sflag:s17] =	ssyncset.done $0x0  }
.LBB2_2:
0x2b: {  	p0 =	sne.s32 s19, $0x9BA  }
0x2c: {  	[sflag:s17] =	ssyncadd.s32 $0xFFFFD800;
	s20 =	smov.u32 s19;
	s19 =	sadd.s32 $0xA, s19  }
0x2d: {  	[spmem:s2] =	stream.indirect.scatter.add.f32 [tilespmem:s16], [sflag:$0x2], $0x80, s14, s15, $0xb8;
	[tilespmem:$0x16500] =	vst v63  }
0x2e: {  	_ =	swait.ge [sflag:s12], $0x2800  }
0x2f: {  	[sflag:s12] =	ssyncset.done $0x0  }
0x30: {  	s21 =	sadd.s32 s20, s10;
	[sflag:s12] =	ssyncadd.s32 $0xFFFFD800  }
0x31: {  	[tilespmem:s13], [sflag:$0x2] =	stream.linear.gather [hbm4b:s21+s3], $0x50, $0x38;
	[tilespmem:$0x16500] =	vst v63  }
0x32: {  	_ =	swait.ge [sflag:s12], $0x50  }
0x33: {  	[sflag:s12] =	ssyncset.done $0x0  }
0x34: {  	s20 =	sadd.s32 s20, s9;
	[sflag:s12] =	ssyncadd.s32 $0xFFFFFFB0  }
0x35: {  	[tilespmem:s14], [sflag:$0x2] =	stream.linear.gather [hbm4b:s20+s3], $0x50, $0x38;
	[tilespmem:$0x16500] =	vst v63  }
0x36: {  	_ =	swait.ge [sflag:s12], $0x50  }
0x37: {  	[sflag:s12] =	ssyncset.done $0x0  }
0x38: {  	[sflag:s12] =	ssyncadd.s32 $0xFFFFFFB0  }
0x39: {  	v1 =	vld [tilespmem:$0x13C40]  }
0x3a: {  	v2 =	vld [tilespmem:$0x13C20]  }
0x3b: {  	v3 =	vld [tilespmem:$0x13C30]  }
0x3c: {  	v4 =	vld [tilespmem:$0x13C10]  }
0x3d: {  	v5 =	vld [tilespmem:$0x13C00]  }
0x3e: {  	v1 =	vadd.s32 v0, v1  }
0x3f: {  	v2 =	vadd.s32 v0, v2;
	[tilespmem:$0x13C40] =	vst v1  }
0x40: {  	[tilespmem:$0x13C20] =	vst v2;
	v1 =	vadd.s32 v0, v3  }
0x41: {  	v2 =	vadd.s32 v0, v4;
	[tilespmem:$0x13C30] =	vst v1  }
.Ltmp0:
0x42: {  	v1 =	vadd.s32 v0, v5;
	[tilespmem:$0x13C10] =	vst v2;
	(pc) =	sbr.rel @p0 .LBB2_2-.Ltmp0, $4  }
0x43: {  	[tilespmem:$0x13C00] =	vst v1  }
0x44: {  	[tilespmem:s16], [sflag:$0x1] =	stream.indirect.gather [hbm4b:s4+s15], $0x80, s13, s15, $0xb8;
	[tilespmem:$0x16500] =	vst v63  }
0x45: {  	_ =	swait.ge [sflag:s17], $0x2800  }
0x46: {  	[sflag:s17] =	ssyncset.done $0x0  }
0x47: {  	[sflag:s17] =	ssyncadd.s32 $0xFFFFD800  }
0x48: {  	[spmem:s2] =	stream.indirect.scatter.add.f32 [tilespmem:s16], [sflag:$0x2], $0x80, s14, s15, $0xb8;
	[tilespmem:$0x16500] =	vst v63  }
0x49: {  	_ =	swait.ge [sflag:s12], $0x2800  }
0x4a: {  	s18 =	sadd.s32 $0x1, s18;
	[sflag:s12] =	ssyncset.done $0x0  }
0x4b: {  	p0 =	sne.s32 s18, s8;
	[sflag:s12] =	ssyncadd.s32 $0xFFFFD800  }
.Ltmp1:
0x4c: {  	[bflag:$0x0] =	sbarrier.arrive $0xFFFF;
	(pc) =	sbr.rel @p0 .LBB2_1-.Ltmp1, $4  }
0x4d: {  	[hbm:s7], [sflag:s6] =	dma.local [spmem:s11], $0x2780  }
0x4e: {  	_ =	swait.ge [sflag:s12], $0x2780  }
0x4f: {  	[sflag:s12] =	ssyncset.done $0x0  }
0x50: {  	[sflag:s12] =	ssyncadd.s32 $0xFFFFD880  }
0x51: {  	_ =	sfence.sel $0x180000  }
0x52: {  	[bflag:$0x0] =	sbarrier.arrive $0xFFFF  }
0x53: {  	p0 =	sne.s32 s1, $0x0;
	_ =	strace $0x90000053  }
0x54: {  	s0 =	sadd.s32 @!p0 $0x100000, s0;
	[bflag:$0x2] =	sbarrier.arrive $0xFFFF  }
0x55: {  	[sflag:s0] =	ssyncadd.tile.s32 @!p0 $0x1;
	_ =	shalt  }
.Lfunc_end2:
_tile_overlayer_lowered:
.L_overlay_start_2:
0x56: {  	(tag) =	ssettag $0x2  }
0x57: {  	s0 =	rddreg [dreg:$0x0];
	s2 =	stileid.u32  }
0x58: {  	s1 =	rddreg [dreg:$0x1];
	p0 =	sne.s32 s2, $0x0  }
0x59: {  	s3 =	rddreg [dreg:$0x2];
	[bflag:$0x3] =	sbarrier.arrive $0xFFFF;
	s2 =	simm.s32 @!p0 $0x1C02  }
0x5a: {  	[timem:s3], [sflag:s2] =	dma.local @!p0 [hbm:s0], s1  }
0x5b: {  	s0 =	simm.s32 @!p0 $0x2  }
0x5c: {  	_ =	swait.ge @!p0 [sflag:s0], s1  }
0x5d: {  	s1 =	ssub.s32 @!p0 $0x0, s1;
	[sflag:s0] =	ssyncset.done @!p0 $0x0  }
0x5e: {  	[sflag:s0] =	ssyncadd.s32 @!p0 s1  }
0x5f: {  	[bflag:$0x3] =	sbarrier.arrive $0xFFFF  }
0x60: {  	_ =	shalt  }

</sc_bundles>
